<compile_context>
chip_gen: v7x
topology: tpu7x:2x2x1
jax: 0.10.2.dev20260603
libtpu: 0.0.44.dev20260713+nightly
codegen_flags: <defaults>
</compile_context>

<pallas_src>
import functools
import jax
import jax.numpy as jnp
from jax import lax
from jax.experimental import pallas as pl
from jax.experimental.pallas import tpu as pltpu
from jax.experimental.pallas import tpu_sc as plsc

N = 10000
D = 128
E = 320000
NC = 2
NS = 16
NW = NC * NS
EPT = E // NW
CH = 112
NFULL = EPT // CH
CT = EPT - NFULL * CH
CHD = 80
NCHD = EPT // CHD
ROWB = 1000
ZB = 40

_f32 = jnp.float32

_sc_mesh = plsc.VectorSubcoreMesh(core_axis_name="c", subcore_axis_name="s")


@functools.partial(
    pl.kernel,
    mesh=_sc_mesh,
    out_type=jax.ShapeDtypeStruct((NC * N,), _f32),
    scratch_types=[
        pltpu.VMEM((NCHD, CHD), jnp.int32),
        pltpu.VMEM((CHD,), _f32),
        pltpu.VMEM((ROWB,), _f32),
        pltpu.VMEM_SHARED((N,), _f32),
    ],
)
def _sc_deg(edges_hbm, ones_hbm, zeros_hbm, out_hbm, rowv, onesv, stg, degs):
    cid = lax.axis_index("c")
    sid = lax.axis_index("s")
    wid = cid * NS + sid

    pltpu.sync_copy(edges_hbm.at[wid], rowv)
    pltpu.sync_copy(ones_hbm, onesv)

    @pl.when(sid < N // ROWB)
    def _():
        pltpu.sync_copy(zeros_hbm, stg)
        pltpu.sync_copy(stg, degs.at[pl.ds(sid * ROWB, ROWB)])

    plsc.subcore_barrier()

    def body(g, carry):
        pltpu.sync_copy(onesv, degs.at[rowv.at[g]], add=True)
        return carry

    lax.fori_loop(0, NCHD, body, 0, unroll=False)

    plsc.subcore_barrier()

    @pl.when(sid < N // ROWB)
    def _():
        pltpu.sync_copy(degs.at[pl.ds(sid * ROWB, ROWB)], stg)
        pltpu.sync_copy(stg, out_hbm.at[pl.ds(cid * N + sid * ROWB, ROWB)])


@functools.partial(
    pl.kernel,
    mesh=_sc_mesh,
    out_type=jax.ShapeDtypeStruct((NC, N, D), _f32),
    scratch_types=[
        pltpu.VMEM((EPT,), jnp.int32),
        pltpu.VMEM((CH,), jnp.int32),
        pltpu.VMEM((CH,), jnp.int32),
        pltpu.VMEM((CH,), jnp.int32),
        pltpu.VMEM((CH,), jnp.int32),
        pltpu.VMEM((CT,), jnp.int32),
        pltpu.VMEM((CT,), jnp.int32),
        pltpu.VMEM((CH, D), _f32),
        pltpu.VMEM((CH, D), _f32),
        pltpu.VMEM_SHARED((N, D), _f32),
        pltpu.SemaphoreType.DMA,
        pltpu.SemaphoreType.DMA,
    ],
)
def _sc_spmm(epk_hbm, y_hbm, zeros_hbm, out_hbm, pk, rowca, colca,
             rowcb, colcb, rowt, colt, bufa, bufb, agg, sema, semb):
    cid = lax.axis_index("c")
    sid = lax.axis_index("s")
    wid = cid * NS + sid

    pltpu.sync_copy(epk_hbm.at[wid], pk)

    @pl.when(sid < N // ROWB)
    def _():
        pltpu.sync_copy(zeros_hbm, agg.at[pl.ds(sid * ROWB, ROWB)])

    plsc.subcore_barrier()

    def unpack(g, rowc, colc):
        for k in range(CH // 16):
            v = pk[pl.ds(g * CH + 16 * k, 16)]
            rowc[pl.ds(16 * k, 16)] = lax.shift_right_logical(v, 14)
            colc[pl.ds(16 * k, 16)] = lax.bitwise_and(v, (1 << 14) - 1)

    unpack(0, rowca, colca)
    pltpu.make_async_copy(y_hbm.at[colca], bufa, sema).start()

    def body(t, carry):
        ga = 2 * t
        unpack(ga + 1, rowcb, colcb)
        pltpu.make_async_copy(y_hbm.at[colcb], bufb, semb).start()
        pltpu.make_async_copy(y_hbm.at[colca], bufa, sema).wait()
        pltpu.sync_copy(bufa, agg.at[rowca], add=True)

        @pl.when(ga + 2 < NFULL)
        def _():
            unpack(ga + 2, rowca, colca)
            pltpu.make_async_copy(y_hbm.at[colca], bufa, sema).start()

        pltpu.make_async_copy(y_hbm.at[colcb], bufb, semb).wait()
        pltpu.sync_copy(bufb, agg.at[rowcb], add=True)
        return carry

    lax.fori_loop(0, NFULL // 2, body, 0, unroll=False)

    pltpu.make_async_copy(y_hbm.at[colca], bufa, sema).wait()
    pltpu.sync_copy(bufa, agg.at[rowca], add=True)

    for k in range(CT // 16):
        vt = pk[pl.ds(NFULL * CH + 16 * k, 16)]
        rowt[pl.ds(16 * k, 16)] = lax.shift_right_logical(vt, 14)
        colt[pl.ds(16 * k, 16)] = lax.bitwise_and(vt, (1 << 14) - 1)
    pltpu.sync_copy(y_hbm.at[colt], bufa.at[pl.ds(0, CT)])
    pltpu.sync_copy(bufa.at[pl.ds(0, CT)], agg.at[rowt], add=True)

    plsc.subcore_barrier()

    @pl.when(sid < N // ROWB)
    def _():
        pltpu.sync_copy(agg.at[pl.ds(sid * ROWB, ROWB)],
                        out_hbm.at[cid, pl.ds(sid * ROWB, ROWB)])


RB = 10000
GRID = N // RB


def _tc_prep_body(degp_ref, x_ref, w_ref, b_ref, dis_ref, h_ref, y_ref):
    deg = degp_ref[:, 0:1] + degp_ref[:, 1:2]
    dis = jnp.where(deg > 0.0,
                    lax.rsqrt(jnp.maximum(deg, 1e-12)), 0.0)
    h = lax.dot_general(x_ref[...], w_ref[...],
                        (((1,), (1,)), ((), ())),
                        preferred_element_type=_f32) + b_ref[...]
    dis_ref[...] = dis
    h_ref[...] = h
    y_ref[...] = h * dis


def _tc_prep(degp, x, w_in, b_in):
    return pl.pallas_call(
        _tc_prep_body,
        grid=(GRID,),
        in_specs=[
            pl.BlockSpec((RB, NC), lambda b: (b, 0)),
            pl.BlockSpec((RB, D), lambda b: (b, 0)),
            pl.BlockSpec((D, D), lambda b: (0, 0)),
            pl.BlockSpec((1, D), lambda b: (0, 0)),
        ],
        out_specs=[
            pl.BlockSpec((RB, 1), lambda b: (b, 0)),
            pl.BlockSpec((RB, D), lambda b: (b, 0)),
            pl.BlockSpec((RB, D), lambda b: (b, 0)),
        ],
        out_shape=[
            jax.ShapeDtypeStruct((N, 1), _f32),
            jax.ShapeDtypeStruct((N, D), _f32),
            jax.ShapeDtypeStruct((N, D), _f32),
        ],
    )(degp, x, w_in, b_in)


def _bn_from_acc(acc_ref):
    mean = acc_ref[0:1, :] / float(N)
    var = acc_ref[1:2, :] / float(N) - mean * mean
    return mean, lax.rsqrt(var + 1e-5)


def _layer_phase1(bm, part_ref, dis_ref, w_ref, b_ref, tbuf_ref, acc_ref):
    b = pl.program_id(0)
    a = (part_ref[0] + part_ref[1]) * dis_ref[...]
    t = lax.dot_general(a, w_ref[...], (((1,), (1,)), ((), ())),
                        preferred_element_type=_f32) + b_ref[...]
    tbuf_ref[bm] = t

    @pl.when(b == 0)
    def _():
        acc_ref[...] = jnp.zeros_like(acc_ref)

    acc_ref[0:1, :] += jnp.sum(t, axis=0, keepdims=True)
    acc_ref[1:2, :] += jnp.sum(t * t, axis=0, keepdims=True)


def _tc_layer_body(part_ref, dis_ref, w_ref, b_ref, h_ref, g_ref, be_ref,
                   hn_ref, y_ref, tbuf_ref, acc_ref):
    b = pl.program_id(0)
    bm = lax.rem(b, GRID)

    @pl.when(b < GRID)
    def _():
        _layer_phase1(bm, part_ref, dis_ref, w_ref, b_ref, tbuf_ref, acc_ref)

    @pl.when(b >= GRID)
    def _():
        mean, inv = _bn_from_acc(acc_ref)
        tn = (tbuf_ref[bm] - mean) * inv * g_ref[...] + be_ref[...]
        hn = jnp.maximum(tn, 0.0) + h_ref[...]
        hn_ref[...] = hn
        y_ref[...] = hn * dis_ref[...]


def _tc_layer(partial, dis, w, bvec, h, gamma, beta):
    return pl.pallas_call(
        _tc_layer_body,
        grid=(2 * GRID,),
        in_specs=[
            pl.BlockSpec((NC, RB, D), lambda b: (0, lax.min(b, GRID - 1), 0)),
            pl.BlockSpec((RB, 1), lambda b: (lax.rem(b, GRID), 0)),
            pl.BlockSpec((D, D), lambda b: (0, 0)),
            pl.BlockSpec((1, D), lambda b: (0, 0)),
            pl.BlockSpec((RB, D), lambda b: (lax.max(b - GRID, 0), 0)),
            pl.BlockSpec((1, D), lambda b: (0, 0)),
            pl.BlockSpec((1, D), lambda b: (0, 0)),
        ],
        out_specs=[
            pl.BlockSpec((RB, D), lambda b: (lax.rem(b, GRID), 0)),
            pl.BlockSpec((RB, D), lambda b: (lax.rem(b, GRID), 0)),
        ],
        out_shape=[
            jax.ShapeDtypeStruct((N, D), _f32),
            jax.ShapeDtypeStruct((N, D), _f32),
        ],
        scratch_shapes=[
            pltpu.VMEM((GRID, RB, D), _f32),
            pltpu.VMEM((2, D), _f32),
        ],
    )(partial, dis, w, bvec, h, gamma, beta)


def _tc_layer_out_body(part_ref, dis_ref, w_ref, b_ref, h_ref, g_ref, be_ref,
                       wo_ref, bo_ref, out_ref, tbuf_ref, acc_ref):
    b = pl.program_id(0)
    bm = lax.rem(b, GRID)

    @pl.when(b < GRID)
    def _():
        _layer_phase1(bm, part_ref, dis_ref, w_ref, b_ref, tbuf_ref, acc_ref)

    @pl.when(b >= GRID)
    def _():
        mean, inv = _bn_from_acc(acc_ref)
        tn = (tbuf_ref[bm] - mean) * inv * g_ref[...] + be_ref[...]
        hn = jnp.maximum(tn, 0.0) + h_ref[...]
        out_ref[...] = lax.dot_general(
            hn, wo_ref[...], (((1,), (1,)), ((), ())),
            preferred_element_type=_f32) + bo_ref[...]


def _tc_layer_out(partial, dis, w, bvec, h, gamma, beta, w_out, b_out):
    return pl.pallas_call(
        _tc_layer_out_body,
        grid=(2 * GRID,),
        in_specs=[
            pl.BlockSpec((NC, RB, D), lambda b: (0, lax.min(b, GRID - 1), 0)),
            pl.BlockSpec((RB, 1), lambda b: (lax.rem(b, GRID), 0)),
            pl.BlockSpec((D, D), lambda b: (0, 0)),
            pl.BlockSpec((1, D), lambda b: (0, 0)),
            pl.BlockSpec((RB, D), lambda b: (lax.max(b - GRID, 0), 0)),
            pl.BlockSpec((1, D), lambda b: (0, 0)),
            pl.BlockSpec((1, D), lambda b: (0, 0)),
            pl.BlockSpec((D, D), lambda b: (0, 0)),
            pl.BlockSpec((1, D), lambda b: (0, 0)),
        ],
        out_specs=pl.BlockSpec((RB, D), lambda b: (lax.rem(b, GRID), 0)),
        out_shape=jax.ShapeDtypeStruct((N, D), _f32),
        scratch_shapes=[
            pltpu.VMEM((GRID, RB, D), _f32),
            pltpu.VMEM((2, D), _f32),
        ],
    )(partial, dis, w, bvec, h, gamma, beta, w_out, b_out)


def kernel(x, edge_index, W_in, b_in, W1, b1, gamma1, beta1,
           W2, b2, gamma2, beta2, W_out, b_out):
    ei = edge_index.astype(jnp.int32)
    rows = ei[0].reshape(NW, NCHD, CHD)
    epacked = (ei[0] * (1 << 14) + ei[1]).reshape(NW, EPT)
    ones_e = jnp.ones((CHD,), _f32)
    zeros_n = jnp.zeros((ROWB,), _f32)
    zeros_zd = jnp.zeros((ROWB, D), _f32)

    degp = _sc_deg(rows, ones_e, zeros_n)
    dis, h, y = _tc_prep(degp.reshape(NC, N).T, x, W_in, b_in.reshape(1, D))

    part = _sc_spmm(epacked, y, zeros_zd)
    h, y = _tc_layer(part, dis, W1, b1.reshape(1, D), h,
                     gamma1.reshape(1, D), beta1.reshape(1, D))

    part = _sc_spmm(epacked, y, zeros_zd)
    out = _tc_layer_out(part, dis, W2, b2.reshape(1, D), h,
                        gamma2.reshape(1, D), beta2.reshape(1, D),
                        W_out, b_out.reshape(1, D))
    return out

# --- scband reference (transcript-rebuilt; emitter-appended) ---
"""Pipeline reference for scband-gnnencoder-2018634629227 (READ-ONLY COPY).

The authoritative reference and input builder live on the scoring server;
editing this copy changes nothing except your own understanding.
"""

import jax, jax.numpy as jnp
import numpy as np

N = 10000
E = 320000
D = 128


def _lin_init(k, fan_in, shape):
    bound = 1.0 / np.sqrt(fan_in)
    return jax.random.uniform(k, shape, minval=-bound, maxval=bound, dtype=jnp.float32)


def setup_inputs(seed: int = 0) -> dict:
    key = jax.random.key(seed)
    ks = jax.random.split(key, 12)
    inp = {}
    inp["x"] = jax.random.normal(ks[0], (N, D), dtype=jnp.float32)
    inp["edge_index"] = jax.random.randint(ks[1], (2, E), 0, N)
    inp["W_in"] = _lin_init(ks[2], D, (D, D))
    inp["b_in"] = _lin_init(ks[3], D, (D,))
    inp["W1"] = _lin_init(ks[4], D, (D, D))
    inp["b1"] = _lin_init(ks[5], D, (D,))
    inp["gamma1"] = jnp.ones((D,), dtype=jnp.float32)
    inp["beta1"] = jnp.zeros((D,), dtype=jnp.float32)
    inp["W2"] = _lin_init(ks[6], D, (D, D))
    inp["b2"] = _lin_init(ks[7], D, (D,))
    inp["gamma2"] = jnp.ones((D,), dtype=jnp.float32)
    inp["beta2"] = jnp.zeros((D,), dtype=jnp.float32)
    inp["W_out"] = _lin_init(ks[8], D, (D, D))
    inp["b_out"] = _lin_init(ks[9], D, (D,))
    return inp


def _batchnorm(x, gamma, beta):
    mean = jnp.mean(x, axis=0)
    var = jnp.var(x, axis=0)
    return (x - mean) / jnp.sqrt(var + 1e-5) * gamma + beta


def _gcn_layer(x, row, col, W, b):
    n = x.shape[0]
    deg = jnp.zeros((n,), dtype=x.dtype).at[row].add(1.0)
    deg_inv_sqrt = jnp.where(deg > 0, 1.0 / jnp.sqrt(jnp.maximum(deg, 1e-12)), 0.0)
    norm = deg_inv_sqrt[row] * deg_inv_sqrt[col]
    src = x[col] * norm[:, None]
    agg = jnp.zeros_like(x).at[row].add(src)
    return agg @ W.T + b


def reference(x, edge_index, W_in, b_in, W1, b1, gamma1, beta1, W2, b2, gamma2, beta2, W_out, b_out):
    row = edge_index[0]
    col = edge_index[1]
    h = x @ W_in.T + b_in
    for (W, b, g, be) in ((W1, b1, gamma1, beta1), (W2, b2, gamma2, beta2)):
        residual = h
        h2 = _gcn_layer(h, row, col, W, b)
        h2 = _batchnorm(h2, g, be)
        h2 = jax.nn.relu(h2)
        h = h2 + residual
    out = h @ W_out.T + b_out
    return out

if __name__ == "__main__":
    import jax
    _d = setup_inputs()
    print(jax.jit(kernel)(*tuple(_d.values())))

</pallas_src>

<mosaic_0001>
#map = affine_map<(d0, d1) -> (0, 0, 0)>
#map1 = affine_map<(d0, d1) -> (0)>
module attributes {stable_mosaic.version = 14 : i64} {
  func.func @_sc_deg(%arg0: i32, %arg1: i32, %arg2: memref<32x125x80xi32, #tpu.memory_space<hbm>>, %arg3: memref<80xf32, #tpu.memory_space<hbm>>, %arg4: memref<1000xf32, #tpu.memory_space<hbm>>, %arg5: memref<20000xf32, #tpu.memory_space<hbm>>, %arg6: memref<125x80xi32, #tpu.memory_space<vmem>>, %arg7: memref<80xf32, #tpu.memory_space<vmem>>, %arg8: memref<1000xf32, #tpu.memory_space<vmem>>, %arg9: memref<10000xf32, #tpu.memory_space<vmem_shared>>) attributes {dimension_semantics = [#tpu.dimension_semantics<core_parallel>, #tpu.dimension_semantics<subcore_parallel>], iteration_bounds = array<i64: 2, 16>, scalar_prefetch = 0 : i64, scratch_operands = 4 : i64, tpu.core_type = #tpu.core_type<sc_vector_subcore>, window_params = [{transform_indices = #map}, {transform_indices = #map1}, {transform_indices = #map1}, {transform_indices = #map1}]} {
    %mul3A = arith.constant 16 : i32
    %mul3A_0 = arith.muli %arg0, %mul3A : i32
    %add3A = arith.addi %mul3A_0, %arg1 : i32
    "tpu.region"() ({
      %run_scoped3A = tpu.sem_alloc : memref<!tpu.dma_semaphore, #tpu.memory_space<semaphore_mem>>
      %dma_start3A = arith.constant 0 : i32
      %dma_start3A_14 = arith.constant 0 : i32
      %dma_start3A_15 = tpu.memref_slice %arg2[%add3A, %dma_start3A, %dma_start3A_14] : memref<32x125x80xi32, #tpu.memory_space<hbm>> -> memref<1x125x80xi32, #tpu.memory_space<hbm>>
      %dma_start3A_16 = tpu.memref_squeeze %dma_start3A_15 : memref<1x125x80xi32, #tpu.memory_space<hbm>> -> memref<125x80xi32, #tpu.memory_space<hbm>>
      %dma_start3A_17 = arith.constant 0 : i32
      %dma_start3A_18 = arith.constant 0 : i32
      %dma_start3A_19 = tpu.memref_slice %arg2[%add3A, %dma_start3A_17, %dma_start3A_18] : memref<32x125x80xi32, #tpu.memory_space<hbm>> -> memref<1x125x80xi32, #tpu.memory_space<hbm>>
      %dma_start3A_20 = tpu.memref_squeeze %dma_start3A_19 : memref<1x125x80xi32, #tpu.memory_space<hbm>> -> memref<125x80xi32, #tpu.memory_space<hbm>>
      tpu.enqueue_dma source(%dma_start3A_20 : memref<125x80xi32, #tpu.memory_space<hbm>>) target(%arg6 : memref<125x80xi32, #tpu.memory_space<vmem>>) target_semaphore(%run_scoped3A : memref<!tpu.dma_semaphore, #tpu.memory_space<semaphore_mem>>)
      %dma_wait3A = arith.constant 0 : i32
      %dma_wait3A_21 = arith.constant 0 : i32
      %dma_wait3A_22 = tpu.memref_slice %arg2[%add3A, %dma_wait3A, %dma_wait3A_21] : memref<32x125x80xi32, #tpu.memory_space<hbm>> -> memref<1x125x80xi32, #tpu.memory_space<hbm>>
      %dma_wait3A_23 = tpu.memref_squeeze %dma_wait3A_22 : memref<1x125x80xi32, #tpu.memory_space<hbm>> -> memref<125x80xi32, #tpu.memory_space<hbm>>
      %dma_wait3A_24 = arith.constant 0 : i32
      %dma_wait3A_25 = arith.constant 0 : i32
      %dma_wait3A_26 = tpu.memref_slice %arg2[%add3A, %dma_wait3A_24, %dma_wait3A_25] : memref<32x125x80xi32, #tpu.memory_space<hbm>> -> memref<1x125x80xi32, #tpu.memory_space<hbm>>
      %dma_wait3A_27 = tpu.memref_squeeze %dma_wait3A_26 : memref<1x125x80xi32, #tpu.memory_space<hbm>> -> memref<125x80xi32, #tpu.memory_space<hbm>>
      tpu.wait_dma2 semaphore(%run_scoped3A : memref<!tpu.dma_semaphore, #tpu.memory_space<semaphore_mem>>) src(%dma_wait3A_27 : memref<125x80xi32, #tpu.memory_space<hbm>>) dst(%arg6 : memref<125x80xi32, #tpu.memory_space<vmem>>)
      tpu.yield
    }) : () -> ()
    "tpu.region"() ({
      %run_scoped3A = tpu.sem_alloc : memref<!tpu.dma_semaphore, #tpu.memory_space<semaphore_mem>>
      tpu.enqueue_dma source(%arg3 : memref<80xf32, #tpu.memory_space<hbm>>) target(%arg7 : memref<80xf32, #tpu.memory_space<vmem>>) target_semaphore(%run_scoped3A : memref<!tpu.dma_semaphore, #tpu.memory_space<semaphore_mem>>)
      tpu.wait_dma2 semaphore(%run_scoped3A : memref<!tpu.dma_semaphore, #tpu.memory_space<semaphore_mem>>) src(%arg3 : memref<80xf32, #tpu.memory_space<hbm>>) dst(%arg7 : memref<80xf32, #tpu.memory_space<vmem>>)
      tpu.yield
    }) : () -> ()
    %lt3A = arith.constant 10 : i32
    %lt3A_1 = arith.cmpi slt, %arg1, %lt3A : i32
    %convert_element_type3A = arith.extui %lt3A_1 : i1 to i32
    %cond3A = arith.constant 0 : i32
    %cond3A_2 = arith.cmpi ne, %convert_element_type3A, %cond3A : i32
    scf.if %cond3A_2 {
      "tpu.region"() ({
        %run_scoped3A = tpu.sem_alloc : memref<!tpu.dma_semaphore, #tpu.memory_space<semaphore_mem>>
        tpu.enqueue_dma source(%arg4 : memref<1000xf32, #tpu.memory_space<hbm>>) target(%arg8 : memref<1000xf32, #tpu.memory_space<vmem>>) target_semaphore(%run_scoped3A : memref<!tpu.dma_semaphore, #tpu.memory_space<semaphore_mem>>)
        tpu.wait_dma2 semaphore(%run_scoped3A : memref<!tpu.dma_semaphore, #tpu.memory_space<semaphore_mem>>) src(%arg4 : memref<1000xf32, #tpu.memory_space<hbm>>) dst(%arg8 : memref<1000xf32, #tpu.memory_space<vmem>>)
        tpu.yield
      }) : () -> ()
      %mul3A_14 = arith.constant 1000 : i32
      %mul3A_15 = arith.muli %arg1, %mul3A_14 : i32
      "tpu.region"() ({
        %run_scoped3A = tpu.sem_alloc : memref<!tpu.dma_semaphore, #tpu.memory_space<semaphore_mem>>
        %dma_start3A = tpu.memref_slice %arg9[%mul3A_15] : memref<10000xf32, #tpu.memory_space<vmem_shared>> -> memref<1000xf32, #tpu.memory_space<vmem_shared>>
        %dma_start3A_16 = tpu.memref_slice %arg9[%mul3A_15] : memref<10000xf32, #tpu.memory_space<vmem_shared>> -> memref<1000xf32, #tpu.memory_space<vmem_shared>>
        tpu.enqueue_dma source(%arg8 : memref<1000xf32, #tpu.memory_space<vmem>>) target(%dma_start3A_16 : memref<1000xf32, #tpu.memory_space<vmem_shared>>) target_semaphore(%run_scoped3A : memref<!tpu.dma_semaphore, #tpu.memory_space<semaphore_mem>>)
        %dma_wait3A = tpu.memref_slice %arg9[%mul3A_15] : memref<10000xf32, #tpu.memory_space<vmem_shared>> -> memref<1000xf32, #tpu.memory_space<vmem_shared>>
        %dma_wait3A_17 = tpu.memref_slice %arg9[%mul3A_15] : memref<10000xf32, #tpu.memory_space<vmem_shared>> -> memref<1000xf32, #tpu.memory_space<vmem_shared>>
        tpu.wait_dma2 semaphore(%run_scoped3A : memref<!tpu.dma_semaphore, #tpu.memory_space<semaphore_mem>>) src(%arg8 : memref<1000xf32, #tpu.memory_space<vmem>>) dst(%dma_wait3A_17 : memref<1000xf32, #tpu.memory_space<vmem_shared>>)
        tpu.yield
      }) : () -> ()
    } else {
    }
    %barrier3A = arith.constant 0 : index
    tpu.barrier barrier_id(%barrier3A)
    %scan3A = arith.constant 0 : i32
    %scan3A_3 = arith.constant 0 : i32
    %scan3A_4 = arith.constant 125 : i32
    %scan3A_5 = arith.addi %scan3A_3, %scan3A_4 : i32
    %scan3A_6 = arith.constant 1 : i32
    scf.for %scan3A_14 = %scan3A_3 to %scan3A_5 step %scan3A_6  : i32 {
      "tpu.region"() ({
        %run_scoped3A = tpu.sem_alloc : memref<!tpu.dma_semaphore, #tpu.memory_space<semaphore_mem>>
        %dma_start3A = arith.constant 0 : i32
        %dma_start3A_15 = tpu.memref_slice %arg6[%scan3A_14, %dma_start3A] : memref<125x80xi32, #tpu.memory_space<vmem>> -> memref<1x80xi32, #tpu.memory_space<vmem>>
        %dma_start3A_16 = tpu.memref_squeeze %dma_start3A_15 : memref<1x80xi32, #tpu.memory_space<vmem>> -> memref<80xi32, #tpu.memory_space<vmem>>
        %dma_start3A_17 = arith.constant 0 : i32
        %dma_start3A_18 = tpu.memref_slice %arg9[%dma_start3A_17] : memref<10000xf32, #tpu.memory_space<vmem_shared>> -> memref<10000xf32, #tpu.memory_space<vmem_shared>>
        tpu.enqueue_indirect_dma source(%arg7 : memref<80xf32, #tpu.memory_space<vmem>>) target(%dma_start3A_18 : memref<10000xf32, #tpu.memory_space<vmem_shared>>) offsets(%dma_start3A_16 : memref<80xi32, #tpu.memory_space<vmem>>) semaphore(%run_scoped3A : memref<!tpu.dma_semaphore, #tpu.memory_space<semaphore_mem>>) {add = true}
        %dma_wait3A = arith.constant 0 : i32
        %dma_wait3A_19 = tpu.memref_slice %arg6[%scan3A_14, %dma_wait3A] : memref<125x80xi32, #tpu.memory_space<vmem>> -> memref<1x80xi32, #tpu.memory_space<vmem>>
        %dma_wait3A_20 = tpu.memref_squeeze %dma_wait3A_19 : memref<1x80xi32, #tpu.memory_space<vmem>> -> memref<80xi32, #tpu.memory_space<vmem>>
        %dma_wait3A_21 = arith.constant 0 : i32
        %dma_wait3A_22 = tpu.memref_slice %arg9[%dma_wait3A_21] : memref<10000xf32, #tpu.memory_space<vmem_shared>> -> memref<10000xf32, #tpu.memory_space<vmem_shared>>
        tpu.wait_indirect_dma semaphore(%run_scoped3A : memref<!tpu.dma_semaphore, #tpu.memory_space<semaphore_mem>>) src(%arg7 : memref<80xf32, #tpu.memory_space<vmem>>) dst(%dma_wait3A_22 : memref<10000xf32, #tpu.memory_space<vmem_shared>>)
        tpu.yield
      }) : () -> ()
    }
    %scan3A_7 = arith.constant 125 : i32
    %barrier3A_8 = arith.constant 0 : index
    tpu.barrier barrier_id(%barrier3A_8)
    %lt3A_9 = arith.constant 10 : i32
    %lt3A_10 = arith.cmpi slt, %arg1, %lt3A_9 : i32
    %convert_element_type3A_11 = arith.extui %lt3A_10 : i1 to i32
    %cond3A_12 = arith.constant 0 : i32
    %cond3A_13 = arith.cmpi ne, %convert_element_type3A_11, %cond3A_12 : i32
    scf.if %cond3A_13 {
      %mul3A_14 = arith.constant 1000 : i32
      %mul3A_15 = arith.muli %arg1, %mul3A_14 : i32
      "tpu.region"() ({
        %run_scoped3A = tpu.sem_alloc : memref<!tpu.dma_semaphore, #tpu.memory_space<semaphore_mem>>
        %dma_start3A = tpu.memref_slice %arg9[%mul3A_15] : memref<10000xf32, #tpu.memory_space<vmem_shared>> -> memref<1000xf32, #tpu.memory_space<vmem_shared>>
        %dma_start3A_21 = tpu.memref_slice %arg9[%mul3A_15] : memref<10000xf32, #tpu.memory_space<vmem_shared>> -> memref<1000xf32, #tpu.memory_space<vmem_shared>>
        tpu.enqueue_dma source(%dma_start3A_21 : memref<1000xf32, #tpu.memory_space<vmem_shared>>) target(%arg8 : memref<1000xf32, #tpu.memory_space<vmem>>) target_semaphore(%run_scoped3A : memref<!tpu.dma_semaphore, #tpu.memory_space<semaphore_mem>>)
        %dma_wait3A = tpu.memref_slice %arg9[%mul3A_15] : memref<10000xf32, #tpu.memory_space<vmem_shared>> -> memref<1000xf32, #tpu.memory_space<vmem_shared>>
        %dma_wait3A_22 = tpu.memref_slice %arg9[%mul3A_15] : memref<10000xf32, #tpu.memory_space<vmem_shared>> -> memref<1000xf32, #tpu.memory_space<vmem_shared>>
        tpu.wait_dma2 semaphore(%run_scoped3A : memref<!tpu.dma_semaphore, #tpu.memory_space<semaphore_mem>>) src(%dma_wait3A_22 : memref<1000xf32, #tpu.memory_space<vmem_shared>>) dst(%arg8 : memref<1000xf32, #tpu.memory_space<vmem>>)
        tpu.yield
      }) : () -> ()
      %mul3A_16 = arith.constant 10000 : i32
      %mul3A_17 = arith.muli %arg0, %mul3A_16 : i32
      %mul3A_18 = arith.constant 1000 : i32
      %mul3A_19 = arith.muli %arg1, %mul3A_18 : i32
      %add3A_20 = arith.addi %mul3A_17, %mul3A_19 : i32
      "tpu.region"() ({
        %run_scoped3A = tpu.sem_alloc : memref<!tpu.dma_semaphore, #tpu.memory_space<semaphore_mem>>
        %dma_start3A = tpu.memref_slice %arg5[%add3A_20] : memref<20000xf32, #tpu.memory_space<hbm>> -> memref<1000xf32, #tpu.memory_space<hbm>>
        %dma_start3A_21 = tpu.memref_slice %arg5[%add3A_20] : memref<20000xf32, #tpu.memory_space<hbm>> -> memref<1000xf32, #tpu.memory_space<hbm>>
        tpu.enqueue_dma source(%arg8 : memref<1000xf32, #tpu.memory_space<vmem>>) target(%dma_start3A_21 : memref<1000xf32, #tpu.memory_space<hbm>>) target_semaphore(%run_scoped3A : memref<!tpu.dma_semaphore, #tpu.memory_space<semaphore_mem>>)
        %dma_wait3A = tpu.memref_slice %arg5[%add3A_20] : memref<20000xf32, #tpu.memory_space<hbm>> -> memref<1000xf32, #tpu.memory_space<hbm>>
        %dma_wait3A_22 = tpu.memref_slice %arg5[%add3A_20] : memref<20000xf32, #tpu.memory_space<hbm>> -> memref<1000xf32, #tpu.memory_space<hbm>>
        tpu.wait_dma2 semaphore(%run_scoped3A : memref<!tpu.dma_semaphore, #tpu.memory_space<semaphore_mem>>) src(%arg8 : memref<1000xf32, #tpu.memory_space<vmem>>) dst(%dma_wait3A_22 : memref<1000xf32, #tpu.memory_space<hbm>>)
        tpu.yield
      }) : () -> ()
    } else {
    }
    return
  }
}

#map = affine_map<(d0, d1) -> (0, 0)>
#map1 = affine_map<(d0, d1) -> (0, 0, 0)>
module attributes {stable_mosaic.version = 14 : i64} {
  func.func @_sc_spmm(%arg0: i32, %arg1: i32, %arg2: memref<32x10000xi32, #tpu.memory_space<hbm>>, %arg3: memref<10000x128xf32, #tpu.memory_space<hbm>>, %arg4: memref<1000x128xf32, #tpu.memory_space<hbm>>, %arg5: memref<2x10000x128xf32, #tpu.memory_space<hbm>>, %arg6: memref<10000xi32, #tpu.memory_space<vmem>>, %arg7: memref<112xi32, #tpu.memory_space<vmem>>, %arg8: memref<112xi32, #tpu.memory_space<vmem>>, %arg9: memref<112xi32, #tpu.memory_space<vmem>>, %arg10: memref<112xi32, #tpu.memory_space<vmem>>, %arg11: memref<32xi32, #tpu.memory_space<vmem>>, %arg12: memref<32xi32, #tpu.memory_space<vmem>>, %arg13: memref<112x128xf32, #tpu.memory_space<vmem>>, %arg14: memref<112x128xf32, #tpu.memory_space<vmem>>, %arg15: memref<10000x128xf32, #tpu.memory_space<vmem_shared>>, %arg16: memref<!tpu.dma_semaphore, #tpu.memory_space<semaphore_mem>>, %arg17: memref<!tpu.dma_semaphore, #tpu.memory_space<semaphore_mem>>) attributes {dimension_semantics = [#tpu.dimension_semantics<core_parallel>, #tpu.dimension_semantics<subcore_parallel>], iteration_bounds = array<i64: 2, 16>, scalar_prefetch = 0 : i64, scratch_operands = 12 : i64, tpu.core_type = #tpu.core_type<sc_vector_subcore>, window_params = [{transform_indices = #map}, {transform_indices = #map}, {transform_indices = #map}, {transform_indices = #map1}]} {
    %mul3A = arith.constant 16 : i32
    %mul3A_0 = arith.muli %arg0, %mul3A : i32
    %add3A = arith.addi %mul3A_0, %arg1 : i32
    "tpu.region"() ({
      %run_scoped3A = tpu.sem_alloc : memref<!tpu.dma_semaphore, #tpu.memory_space<semaphore_mem>>
      %dma_start3A_167 = arith.constant 0 : i32
      %dma_start3A_168 = tpu.memref_slice %arg2[%add3A, %dma_start3A_167] : memref<32x10000xi32, #tpu.memory_space<hbm>> -> memref<1x10000xi32, #tpu.memory_space<hbm>>
      %dma_start3A_169 = tpu.memref_squeeze %dma_start3A_168 : memref<1x10000xi32, #tpu.memory_space<hbm>> -> memref<10000xi32, #tpu.memory_space<hbm>>
      %dma_start3A_170 = arith.constant 0 : i32
      %dma_start3A_171 = tpu.memref_slice %arg2[%add3A, %dma_start3A_170] : memref<32x10000xi32, #tpu.memory_space<hbm>> -> memref<1x10000xi32, #tpu.memory_space<hbm>>
      %dma_start3A_172 = tpu.memref_squeeze %dma_start3A_171 : memref<1x10000xi32, #tpu.memory_space<hbm>> -> memref<10000xi32, #tpu.memory_space<hbm>>
      tpu.enqueue_dma source(%dma_start3A_172 : memref<10000xi32, #tpu.memory_space<hbm>>) target(%arg6 : memref<10000xi32, #tpu.memory_space<vmem>>) target_semaphore(%run_scoped3A : memref<!tpu.dma_semaphore, #tpu.memory_space<semaphore_mem>>)
      %dma_wait3A_173 = arith.constant 0 : i32
      %dma_wait3A_174 = tpu.memref_slice %arg2[%add3A, %dma_wait3A_173] : memref<32x10000xi32, #tpu.memory_space<hbm>> -> memref<1x10000xi32, #tpu.memory_space<hbm>>
      %dma_wait3A_175 = tpu.memref_squeeze %dma_wait3A_174 : memref<1x10000xi32, #tpu.memory_space<hbm>> -> memref<10000xi32, #tpu.memory_space<hbm>>
      %dma_wait3A_176 = arith.constant 0 : i32
      %dma_wait3A_177 = tpu.memref_slice %arg2[%add3A, %dma_wait3A_176] : memref<32x10000xi32, #tpu.memory_space<hbm>> -> memref<1x10000xi32, #tpu.memory_space<hbm>>
      %dma_wait3A_178 = tpu.memref_squeeze %dma_wait3A_177 : memref<1x10000xi32, #tpu.memory_space<hbm>> -> memref<10000xi32, #tpu.memory_space<hbm>>
      tpu.wait_dma2 semaphore(%run_scoped3A : memref<!tpu.dma_semaphore, #tpu.memory_space<semaphore_mem>>) src(%dma_wait3A_178 : memref<10000xi32, #tpu.memory_space<hbm>>) dst(%arg6 : memref<10000xi32, #tpu.memory_space<vmem>>)
      tpu.yield
    }) : () -> ()
    %lt3A = arith.constant 10 : i32
    %lt3A_1 = arith.cmpi slt, %arg1, %lt3A : i32
    %convert_element_type3A = arith.extui %lt3A_1 : i1 to i32
    %cond3A = arith.constant 0 : i32
    %cond3A_2 = arith.cmpi ne, %convert_element_type3A, %cond3A : i32
    scf.if %cond3A_2 {
      %mul3A_167 = arith.constant 1000 : i32
      %mul3A_168 = arith.muli %arg1, %mul3A_167 : i32
      "tpu.region"() ({
        %run_scoped3A = tpu.sem_alloc : memref<!tpu.dma_semaphore, #tpu.memory_space<semaphore_mem>>
        %dma_start3A_169 = arith.constant 0 : i32
        %dma_start3A_170 = tpu.memref_slice %arg15[%mul3A_168, %dma_start3A_169] : memref<10000x128xf32, #tpu.memory_space<vmem_shared>> -> memref<1000x128xf32, #tpu.memory_space<vmem_shared>>
        tpu.enqueue_dma source(%arg4 : memref<1000x128xf32, #tpu.memory_space<hbm>>) target(%dma_start3A_170 : memref<1000x128xf32, #tpu.memory_space<vmem_shared>>) target_semaphore(%run_scoped3A : memref<!tpu.dma_semaphore, #tpu.memory_space<semaphore_mem>>)
        %dma_wait3A_171 = arith.constant 0 : i32
        %dma_wait3A_172 = tpu.memref_slice %arg15[%mul3A_168, %dma_wait3A_171] : memref<10000x128xf32, #tpu.memory_space<vmem_shared>> -> memref<1000x128xf32, #tpu.memory_space<vmem_shared>>
        tpu.wait_dma2 semaphore(%run_scoped3A : memref<!tpu.dma_semaphore, #tpu.memory_space<semaphore_mem>>) src(%arg4 : memref<1000x128xf32, #tpu.memory_space<hbm>>) dst(%dma_wait3A_172 : memref<1000x128xf32, #tpu.memory_space<vmem_shared>>)
        tpu.yield
      }) : () -> ()
    } else {
    }
    %barrier3A = arith.constant 0 : index
    tpu.barrier barrier_id(%barrier3A)
    %get3A = arith.constant 0 : index
    %get3A_3 = tpu.vector_load %arg6[%get3A] {strides = array<i32>} : memref<10000xi32, #tpu.memory_space<vmem>>, vector<16xi32>,
    %get3A_4 = vector.shape_cast %get3A_3 : vector<16xi32> to vector<16xi32>
    %shift_right_logical3A = arith.constant 14 : i32
    %shift_right_logical3A_5 = vector.broadcast %shift_right_logical3A : i32 to vector<16xi32>
    %shift_right_logical3A_6 = arith.shrui %get3A_4, %shift_right_logical3A_5 : vector<16xi32>
    %swap3A = arith.constant 0 : index
    %swap3A_7 = tpu.vector_load %arg7[%swap3A] {strides = array<i32>} : memref<112xi32, #tpu.memory_space<vmem>>, vector<16xi32>,
    %swap3A_8 = vector.shape_cast %swap3A_7 : vector<16xi32> to vector<16xi32>
    %swap3A_9 = vector.shape_cast %shift_right_logical3A_6 : vector<16xi32> to vector<16xi32>
    tpu.vector_store %arg7[%swap3A], %swap3A_9 {strides = array<i32>} : memref<112xi32, #tpu.memory_space<vmem>>, vector<16xi32>,
    %and3A = arith.constant 16383 : i32
    %and3A_10 = vector.broadcast %and3A : i32 to vector<16xi32>
    %and3A_11 = arith.andi %get3A_4, %and3A_10 : vector<16xi32>
    %swap3A_12 = arith.constant 0 : index
    %swap3A_13 = tpu.vector_load %arg8[%swap3A_12] {strides = array<i32>} : memref<112xi32, #tpu.memory_space<vmem>>, vector<16xi32>,
    %swap3A_14 = vector.shape_cast %swap3A_13 : vector<16xi32> to vector<16xi32>
    %swap3A_15 = vector.shape_cast %and3A_11 : vector<16xi32> to vector<16xi32>
    tpu.vector_store %arg8[%swap3A_12], %swap3A_15 {strides = array<i32>} : memref<112xi32, #tpu.memory_space<vmem>>, vector<16xi32>,
    %get3A_16 = arith.constant 16 : index
    %get3A_17 = tpu.vector_load %arg6[%get3A_16] {strides = array<i32>} : memref<10000xi32, #tpu.memory_space<vmem>>, vector<16xi32>,
    %get3A_18 = vector.shape_cast %get3A_17 : vector<16xi32> to vector<16xi32>
    %shift_right_logical3A_19 = arith.constant 14 : i32
    %shift_right_logical3A_20 = vector.broadcast %shift_right_logical3A_19 : i32 to vector<16xi32>
    %shift_right_logical3A_21 = arith.shrui %get3A_18, %shift_right_logical3A_20 : vector<16xi32>
    %swap3A_22 = arith.constant 16 : index
    %swap3A_23 = tpu.vector_load %arg7[%swap3A_22] {strides = array<i32>} : memref<112xi32, #tpu.memory_space<vmem>>, vector<16xi32>,
    %swap3A_24 = vector.shape_cast %swap3A_23 : vector<16xi32> to vector<16xi32>
    %swap3A_25 = vector.shape_cast %shift_right_logical3A_21 : vector<16xi32> to vector<16xi32>
    tpu.vector_store %arg7[%swap3A_22], %swap3A_25 {strides = array<i32>} : memref<112xi32, #tpu.memory_space<vmem>>, vector<16xi32>,
    %and3A_26 = arith.constant 16383 : i32
    %and3A_27 = vector.broadcast %and3A_26 : i32 to vector<16xi32>
    %and3A_28 = arith.andi %get3A_18, %and3A_27 : vector<16xi32>
    %swap3A_29 = arith.constant 16 : index
    %swap3A_30 = tpu.vector_load %arg8[%swap3A_29] {strides = array<i32>} : memref<112xi32, #tpu.memory_space<vmem>>, vector<16xi32>,
    %swap3A_31 = vector.shape_cast %swap3A_30 : vector<16xi32> to vector<16xi32>
    %swap3A_32 = vector.shape_cast %and3A_28 : vector<16xi32> to vector<16xi32>
    tpu.vector_store %arg8[%swap3A_29], %swap3A_32 {strides = array<i32>} : memref<112xi32, #tpu.memory_space<vmem>>, vector<16xi32>,
    %get3A_33 = arith.constant 32 : index
    %get3A_34 = tpu.vector_load %arg6[%get3A_33] {strides = array<i32>} : memref<10000xi32, #tpu.memory_space<vmem>>, vector<16xi32>,
    %get3A_35 = vector.shape_cast %get3A_34 : vector<16xi32> to vector<16xi32>
    %shift_right_logical3A_36 = arith.constant 14 : i32
    %shift_right_logical3A_37 = vector.broadcast %shift_right_logical3A_36 : i32 to vector<16xi32>
    %shift_right_logical3A_38 = arith.shrui %get3A_35, %shift_right_logical3A_37 : vector<16xi32>
    %swap3A_39 = arith.constant 32 : index
    %swap3A_40 = tpu.vector_load %arg7[%swap3A_39] {strides = array<i32>} : memref<112xi32, #tpu.memory_space<vmem>>, vector<16xi32>,
    %swap3A_41 = vector.shape_cast %swap3A_40 : vector<16xi32> to vector<16xi32>
    %swap3A_42 = vector.shape_cast %shift_right_logical3A_38 : vector<16xi32> to vector<16xi32>
    tpu.vector_store %arg7[%swap3A_39], %swap3A_42 {strides = array<i32>} : memref<112xi32, #tpu.memory_space<vmem>>, vector<16xi32>,
    %and3A_43 = arith.constant 16383 : i32
    %and3A_44 = vector.broadcast %and3A_43 : i32 to vector<16xi32>
    %and3A_45 = arith.andi %get3A_35, %and3A_44 : vector<16xi32>
    %swap3A_46 = arith.constant 32 : index
    %swap3A_47 = tpu.vector_load %arg8[%swap3A_46] {strides = array<i32>} : memref<112xi32, #tpu.memory_space<vmem>>, vector<16xi32>,
    %swap3A_48 = vector.shape_cast %swap3A_47 : vector<16xi32> to vector<16xi32>
    %swap3A_49 = vector.shape_cast %and3A_45 : vector<16xi32> to vector<16xi32>
    tpu.vector_store %arg8[%swap3A_46], %swap3A_49 {strides = array<i32>} : memref<112xi32, #tpu.memory_space<vmem>>, vector<16xi32>,
    %get3A_50 = arith.constant 48 : index
    %get3A_51 = tpu.vector_load %arg6[%get3A_50] {strides = array<i32>} : memref<10000xi32, #tpu.memory_space<vmem>>, vector<16xi32>,
    %get3A_52 = vector.shape_cast %get3A_51 : vector<16xi32> to vector<16xi32>
    %shift_right_logical3A_53 = arith.constant 14 : i32
    %shift_right_logical3A_54 = vector.broadcast %shift_right_logical3A_53 : i32 to vector<16xi32>
    %shift_right_logical3A_55 = arith.shrui %get3A_52, %shift_right_logical3A_54 : vector<16xi32>
    %swap3A_56 = arith.constant 48 : index
    %swap3A_57 = tpu.vector_load %arg7[%swap3A_56] {strides = array<i32>} : memref<112xi32, #tpu.memory_space<vmem>>, vector<16xi32>,
    %swap3A_58 = vector.shape_cast %swap3A_57 : vector<16xi32> to vector<16xi32>
    %swap3A_59 = vector.shape_cast %shift_right_logical3A_55 : vector<16xi32> to vector<16xi32>
    tpu.vector_store %arg7[%swap3A_56], %swap3A_59 {strides = array<i32>} : memref<112xi32, #tpu.memory_space<vmem>>, vector<16xi32>,
    %and3A_60 = arith.constant 16383 : i32
    %and3A_61 = vector.broadcast %and3A_60 : i32 to vector<16xi32>
    %and3A_62 = arith.andi %get3A_52, %and3A_61 : vector<16xi32>
    %swap3A_63 = arith.constant 48 : index
    %swap3A_64 = tpu.vector_load %arg8[%swap3A_63] {strides = array<i32>} : memref<112xi32, #tpu.memory_space<vmem>>, vector<16xi32>,
    %swap3A_65 = vector.shape_cast %swap3A_64 : vector<16xi32> to vector<16xi32>
    %swap3A_66 = vector.shape_cast %and3A_62 : vector<16xi32> to vector<16xi32>
    tpu.vector_store %arg8[%swap3A_63], %swap3A_66 {strides = array<i32>} : memref<112xi32, #tpu.memory_space<vmem>>, vector<16xi32>,
    %get3A_67 = arith.constant 64 : index
    %get3A_68 = tpu.vector_load %arg6[%get3A_67] {strides = array<i32>} : memref<10000xi32, #tpu.memory_space<vmem>>, vector<16xi32>,
    %get3A_69 = vector.shape_cast %get3A_68 : vector<16xi32> to vector<16xi32>
    %shift_right_logical3A_70 = arith.constant 14 : i32
    %shift_right_logical3A_71 = vector.broadcast %shift_right_logical3A_70 : i32 to vector<16xi32>
    %shift_right_logical3A_72 = arith.shrui %get3A_69, %shift_right_logical3A_71 : vector<16xi32>
    %swap3A_73 = arith.constant 64 : index
    %swap3A_74 = tpu.vector_load %arg7[%swap3A_73] {strides = array<i32>} : memref<112xi32, #tpu.memory_space<vmem>>, vector<16xi32>,
    %swap3A_75 = vector.shape_cast %swap3A_74 : vector<16xi32> to vector<16xi32>
    %swap3A_76 = vector.shape_cast %shift_right_logical3A_72 : vector<16xi32> to vector<16xi32>
    tpu.vector_store %arg7[%swap3A_73], %swap3A_76 {strides = array<i32>} : memref<112xi32, #tpu.memory_space<vmem>>, vector<16xi32>,
    %and3A_77 = arith.constant 16383 : i32
    %and3A_78 = vector.broadcast %and3A_77 : i32 to vector<16xi32>
    %and3A_79 = arith.andi %get3A_69, %and3A_78 : vector<16xi32>
    %swap3A_80 = arith.constant 64 : index
    %swap3A_81 = tpu.vector_load %arg8[%swap3A_80] {strides = array<i32>} : memref<112xi32, #tpu.memory_space<vmem>>, vector<16xi32>,
    %swap3A_82 = vector.shape_cast %swap3A_81 : vector<16xi32> to vector<16xi32>
    %swap3A_83 = vector.shape_cast %and3A_79 : vector<16xi32> to vector<16xi32>
    tpu.vector_store %arg8[%swap3A_80], %swap3A_83 {strides = array<i32>} : memref<112xi32, #tpu.memory_space<vmem>>, vector<16xi32>,
    %get3A_84 = arith.constant 80 : index
    %get3A_85 = tpu.vector_load %arg6[%get3A_84] {strides = array<i32>} : memref<10000xi32, #tpu.memory_space<vmem>>, vector<16xi32>,
    %get3A_86 = vector.shape_cast %get3A_85 : vector<16xi32> to vector<16xi32>
    %shift_right_logical3A_87 = arith.constant 14 : i32
    %shift_right_logical3A_88 = vector.broadcast %shift_right_logical3A_87 : i32 to vector<16xi32>
    %shift_right_logical3A_89 = arith.shrui %get3A_86, %shift_right_logical3A_88 : vector<16xi32>
    %swap3A_90 = arith.constant 80 : index
    %swap3A_91 = tpu.vector_load %arg7[%swap3A_90] {strides = array<i32>} : memref<112xi32, #tpu.memory_space<vmem>>, vector<16xi32>,
    %swap3A_92 = vector.shape_cast %swap3A_91 : vector<16xi32> to vector<16xi32>
    %swap3A_93 = vector.shape_cast %shift_right_logical3A_89 : vector<16xi32> to vector<16xi32>
    tpu.vector_store %arg7[%swap3A_90], %swap3A_93 {strides = array<i32>} : memref<112xi32, #tpu.memory_space<vmem>>, vector<16xi32>,
    %and3A_94 = arith.constant 16383 : i32
    %and3A_95 = vector.broadcast %and3A_94 : i32 to vector<16xi32>
    %and3A_96 = arith.andi %get3A_86, %and3A_95 : vector<16xi32>
    %swap3A_97 = arith.constant 80 : index
    %swap3A_98 = tpu.vector_load %arg8[%swap3A_97] {strides = array<i32>} : memref<112xi32, #tpu.memory_space<vmem>>, vector<16xi32>,
    %swap3A_99 = vector.shape_cast %swap3A_98 : vector<16xi32> to vector<16xi32>
    %swap3A_100 = vector.shape_cast %and3A_96 : vector<16xi32> to vector<16xi32>
    tpu.vector_store %arg8[%swap3A_97], %swap3A_100 {strides = array<i32>} : memref<112xi32, #tpu.memory_space<vmem>>, vector<16xi32>,
    %get3A_101 = arith.constant 96 : index
    %get3A_102 = tpu.vector_load %arg6[%get3A_101] {strides = array<i32>} : memref<10000xi32, #tpu.memory_space<vmem>>, vector<16xi32>,
    %get3A_103 = vector.shape_cast %get3A_102 : vector<16xi32> to vector<16xi32>
    %shift_right_logical3A_104 = arith.constant 14 : i32
    %shift_right_logical3A_105 = vector.broadcast %shift_right_logical3A_104 : i32 to vector<16xi32>
    %shift_right_logical3A_106 = arith.shrui %get3A_103, %shift_right_logical3A_105 : vector<16xi32>
    %swap3A_107 = arith.constant 96 : index
    %swap3A_108 = tpu.vector_load %arg7[%swap3A_107] {strides = array<i32>} : memref<112xi32, #tpu.memory_space<vmem>>, vector<16xi32>,
    %swap3A_109 = vector.shape_cast %swap3A_108 : vector<16xi32> to vector<16xi32>
    %swap3A_110 = vector.shape_cast %shift_right_logical3A_106 : vector<16xi32> to vector<16xi32>
    tpu.vector_store %arg7[%swap3A_107], %swap3A_110 {strides = array<i32>} : memref<112xi32, #tpu.memory_space<vmem>>, vector<16xi32>,
    %and3A_111 = arith.constant 16383 : i32
    %and3A_112 = vector.broadcast %and3A_111 : i32 to vector<16xi32>
    %and3A_113 = arith.andi %get3A_103, %and3A_112 : vector<16xi32>
    %swap3A_114 = arith.constant 96 : index
    %swap3A_115 = tpu.vector_load %arg8[%swap3A_114] {strides = array<i32>} : memref<112xi32, #tpu.memory_space<vmem>>, vector<16xi32>,
    %swap3A_116 = vector.shape_cast %swap3A_115 : vector<16xi32> to vector<16xi32>
    %swap3A_117 = vector.shape_cast %and3A_113 : vector<16xi32> to vector<16xi32>
    tpu.vector_store %arg8[%swap3A_114], %swap3A_117 {strides = array<i32>} : memref<112xi32, #tpu.memory_space<vmem>>, vector<16xi32>,
    %dma_start3A = arith.constant 0 : i32
    %dma_start3A_118 = arith.constant 0 : i32
    %dma_start3A_119 = tpu.memref_slice %arg3[%dma_start3A, %dma_start3A_118] : memref<10000x128xf32, #tpu.memory_space<hbm>> -> memref<10000x128xf32, #tpu.memory_space<hbm>>
    tpu.enqueue_indirect_dma source(%dma_start3A_119 : memref<10000x128xf32, #tpu.memory_space<hbm>>) target(%arg13 : memref<112x128xf32, #tpu.memory_space<vmem>>) offsets(%arg8 : memref<112xi32, #tpu.memory_space<vmem>>) semaphore(%arg16 : memref<!tpu.dma_semaphore, #tpu.memory_space<semaphore_mem>>)
    %scan3A = arith.constant 0 : i32
    %scan3A_120 = arith.constant 0 : i32
    %scan3A_121 = arith.constant 44 : i32
    %scan3A_122 = arith.addi %scan3A_120, %scan3A_121 : i32
    %scan3A_123 = arith.constant 1 : i32
    scf.for %scan3A_167 = %scan3A_120 to %scan3A_122 step %scan3A_123  : i32 {
      %mul3A_168 = arith.constant 2 : i32
      %mul3A_169 = arith.muli %mul3A_168, %scan3A_167 : i32
      %add3A_170 = arith.constant 1 : i32
      %add3A_171 = arith.addi %mul3A_169, %add3A_170 : i32
      %mul3A_172 = arith.constant 112 : i32
      %mul3A_173 = arith.muli %add3A_171, %mul3A_172 : i32
      %add3A_174 = arith.constant 0 : i32
      %add3A_175 = arith.addi %mul3A_173, %add3A_174 : i32
      %get3A_176 = arith.index_cast %add3A_175 : i32 to index
      %get3A_177 = tpu.vector_load %arg6[%get3A_176] {strides = array<i32>} : memref<10000xi32, #tpu.memory_space<vmem>>, vector<16xi32>,
      %get3A_178 = vector.shape_cast %get3A_177 : vector<16xi32> to vector<16xi32>
      %shift_right_logical3A_179 = arith.constant 14 : i32
      %shift_right_logical3A_180 = vector.broadcast %shift_right_logical3A_179 : i32 to vector<16xi32>
      %shift_right_logical3A_181 = arith.shrui %get3A_178, %shift_right_logical3A_180 : vector<16xi32>
      %swap3A_182 = arith.constant 0 : index
      %swap3A_183 = tpu.vector_load %arg9[%swap3A_182] {strides = array<i32>} : memref<112xi32, #tpu.memory_space<vmem>>, vector<16xi32>,
      %swap3A_184 = vector.shape_cast %swap3A_183 : vector<16xi32> to vector<16xi32>
      %swap3A_185 = vector.shape_cast %shift_right_logical3A_181 : vector<16xi32> to vector<16xi32>
      tpu.vector_store %arg9[%swap3A_182], %swap3A_185 {strides = array<i32>} : memref<112xi32, #tpu.memory_space<vmem>>, vector<16xi32>,
      %and3A_186 = arith.constant 16383 : i32
      %and3A_187 = vector.broadcast %and3A_186 : i32 to vector<16xi32>
      %and3A_188 = arith.andi %get3A_178, %and3A_187 : vector<16xi32>
      %swap3A_189 = arith.constant 0 : index
      %swap3A_190 = tpu.vector_load %arg10[%swap3A_189] {strides = array<i32>} : memref<112xi32, #tpu.memory_space<vmem>>, vector<16xi32>,
      %swap3A_191 = vector.shape_cast %swap3A_190 : vector<16xi32> to vector<16xi32>
      %swap3A_192 = vector.shape_cast %and3A_188 : vector<16xi32> to vector<16xi32>
      tpu.vector_store %arg10[%swap3A_189], %swap3A_192 {strides = array<i32>} : memref<112xi32, #tpu.memory_space<vmem>>, vector<16xi32>,
      %mul3A_193 = arith.constant 112 : i32
      %mul3A_194 = arith.muli %add3A_171, %mul3A_193 : i32
      %add3A_195 = arith.constant 16 : i32
      %add3A_196 = arith.addi %mul3A_194, %add3A_195 : i32
      %get3A_197 = arith.index_cast %add3A_196 : i32 to index
      %get3A_198 = tpu.vector_load %arg6[%get3A_197] {strides = array<i32>} : memref<10000xi32, #tpu.memory_space<vmem>>, vector<16xi32>,
      %get3A_199 = vector.shape_cast %get3A_198 : vector<16xi32> to vector<16xi32>
      %shift_right_logical3A_200 = arith.constant 14 : i32
      %shift_right_logical3A_201 = vector.broadcast %shift_right_logical3A_200 : i32 to vector<16xi32>
      %shift_right_logical3A_202 = arith.shrui %get3A_199, %shift_right_logical3A_201 : vector<16xi32>
      %swap3A_203 = arith.constant 16 : index
      %swap3A_204 = tpu.vector_load %arg9[%swap3A_203] {strides = array<i32>} : memref<112xi32, #tpu.memory_space<vmem>>, vector<16xi32>,
      %swap3A_205 = vector.shape_cast %swap3A_204 : vector<16xi32> to vector<16xi32>
      %swap3A_206 = vector.shape_cast %shift_right_logical3A_202 : vector<16xi32> to vector<16xi32>
      tpu.vector_store %arg9[%swap3A_203], %swap3A_206 {strides = array<i32>} : memref<112xi32, #tpu.memory_space<vmem>>, vector<16xi32>,
      %and3A_207 = arith.constant 16383 : i32
      %and3A_208 = vector.broadcast %and3A_207 : i32 to vector<16xi32>
      %and3A_209 = arith.andi %get3A_199, %and3A_208 : vector<16xi32>
      %swap3A_210 = arith.constant 16 : index
      %swap3A_211 = tpu.vector_load %arg10[%swap3A_210] {strides = array<i32>} : memref<112xi32, #tpu.memory_space<vmem>>, vector<16xi32>,
      %swap3A_212 = vector.shape_cast %swap3A_211 : vector<16xi32> to vector<16xi32>
      %swap3A_213 = vector.shape_cast %and3A_209 : vector<16xi32> to vector<16xi32>
      tpu.vector_store %arg10[%swap3A_210], %swap3A_213 {strides = array<i32>} : memref<112xi32, #tpu.memory_space<vmem>>, vector<16xi32>,
      %mul3A_214 = arith.constant 112 : i32
      %mul3A_215 = arith.muli %add3A_171, %mul3A_214 : i32
      %add3A_216 = arith.constant 32 : i32
      %add3A_217 = arith.addi %mul3A_215, %add3A_216 : i32
      %get3A_218 = arith.index_cast %add3A_217 : i32 to index
      %get3A_219 = tpu.vector_load %arg6[%get3A_218] {strides = array<i32>} : memref<10000xi32, #tpu.memory_space<vmem>>, vector<16xi32>,
      %get3A_220 = vector.shape_cast %get3A_219 : vector<16xi32> to vector<16xi32>
      %shift_right_logical3A_221 = arith.constant 14 : i32
      %shift_right_logical3A_222 = vector.broadcast %shift_right_logical3A_221 : i32 to vector<16xi32>
      %shift_right_logical3A_223 = arith.shrui %get3A_220, %shift_right_logical3A_222 : vector<16xi32>
      %swap3A_224 = arith.constant 32 : index
      %swap3A_225 = tpu.vector_load %arg9[%swap3A_224] {strides = array<i32>} : memref<112xi32, #tpu.memory_space<vmem>>, vector<16xi32>,
      %swap3A_226 = vector.shape_cast %swap3A_225 : vector<16xi32> to vector<16xi32>
      %swap3A_227 = vector.shape_cast %shift_right_logical3A_223 : vector<16xi32> to vector<16xi32>
      tpu.vector_store %arg9[%swap3A_224], %swap3A_227 {strides = array<i32>} : memref<112xi32, #tpu.memory_space<vmem>>, vector<16xi32>,
      %and3A_228 = arith.constant 16383 : i32
      %and3A_229 = vector.broadcast %and3A_228 : i32 to vector<16xi32>
      %and3A_230 = arith.andi %get3A_220, %and3A_229 : vector<16xi32>
      %swap3A_231 = arith.constant 32 : index
      %swap3A_232 = tpu.vector_load %arg10[%swap3A_231] {strides = array<i32>} : memref<112xi32, #tpu.memory_space<vmem>>, vector<16xi32>,
      %swap3A_233 = vector.shape_cast %swap3A_232 : vector<16xi32> to vector<16xi32>
      %swap3A_234 = vector.shape_cast %and3A_230 : vector<16xi32> to vector<16xi32>
      tpu.vector_store %arg10[%swap3A_231], %swap3A_234 {strides = array<i32>} : memref<112xi32, #tpu.memory_space<vmem>>, vector<16xi32>,
      %mul3A_235 = arith.constant 112 : i32
      %mul3A_236 = arith.muli %add3A_171, %mul3A_235 : i32
      %add3A_237 = arith.constant 48 : i32
      %add3A_238 = arith.addi %mul3A_236, %add3A_237 : i32
      %get3A_239 = arith.index_cast %add3A_238 : i32 to index
      %get3A_240 = tpu.vector_load %arg6[%get3A_239] {strides = array<i32>} : memref<10000xi32, #tpu.memory_space<vmem>>, vector<16xi32>,
      %get3A_241 = vector.shape_cast %get3A_240 : vector<16xi32> to vector<16xi32>
      %shift_right_logical3A_242 = arith.constant 14 : i32
      %shift_right_logical3A_243 = vector.broadcast %shift_right_logical3A_242 : i32 to vector<16xi32>
      %shift_right_logical3A_244 = arith.shrui %get3A_241, %shift_right_logical3A_243 : vector<16xi32>
      %swap3A_245 = arith.constant 48 : index
      %swap3A_246 = tpu.vector_load %arg9[%swap3A_245] {strides = array<i32>} : memref<112xi32, #tpu.memory_space<vmem>>, vector<16xi32>,
      %swap3A_247 = vector.shape_cast %swap3A_246 : vector<16xi32> to vector<16xi32>
      %swap3A_248 = vector.shape_cast %shift_right_logical3A_244 : vector<16xi32> to vector<16xi32>
      tpu.vector_store %arg9[%swap3A_245], %swap3A_248 {strides = array<i32>} : memref<112xi32, #tpu.memory_space<vmem>>, vector<16xi32>,
      %and3A_249 = arith.constant 16383 : i32
      %and3A_250 = vector.broadcast %and3A_249 : i32 to vector<16xi32>
      %and3A_251 = arith.andi %get3A_241, %and3A_250 : vector<16xi32>
      %swap3A_252 = arith.constant 48 : index
      %swap3A_253 = tpu.vector_load %arg10[%swap3A_252] {strides = array<i32>} : memref<112xi32, #tpu.memory_space<vmem>>, vector<16xi32>,
      %swap3A_254 = vector.shape_cast %swap3A_253 : vector<16xi32> to vector<16xi32>
      %swap3A_255 = vector.shape_cast %and3A_251 : vector<16xi32> to vector<16xi32>
      tpu.vector_store %arg10[%swap3A_252], %swap3A_255 {strides = array<i32>} : memref<112xi32, #tpu.memory_space<vmem>>, vector<16xi32>,
      %mul3A_256 = arith.constant 112 : i32
      %mul3A_257 = arith.muli %add3A_171, %mul3A_256 : i32
      %add3A_258 = arith.constant 64 : i32
      %add3A_259 = arith.addi %mul3A_257, %add3A_258 : i32
      %get3A_260 = arith.index_cast %add3A_259 : i32 to index
      %get3A_261 = tpu.vector_load %arg6[%get3A_260] {strides = array<i32>} : memref<10000xi32, #tpu.memory_space<vmem>>, vector<16xi32>,
      %get3A_262 = vector.shape_cast %get3A_261 : vector<16xi32> to vector<16xi32>
      %shift_right_logical3A_263 = arith.constant 14 : i32
      %shift_right_logical3A_264 = vector.broadcast %shift_right_logical3A_263 : i32 to vector<16xi32>
      %shift_right_logical3A_265 = arith.shrui %get3A_262, %shift_right_logical3A_264 : vector<16xi32>
      %swap3A_266 = arith.constant 64 : index
      %swap3A_267 = tpu.vector_load %arg9[%swap3A_266] {strides = array<i32>} : memref<112xi32, #tpu.memory_space<vmem>>, vector<16xi32>,
      %swap3A_268 = vector.shape_cast %swap3A_267 : vector<16xi32> to vector<16xi32>
      %swap3A_269 = vector.shape_cast %shift_right_logical3A_265 : vector<16xi32> to vector<16xi32>
      tpu.vector_store %arg9[%swap3A_266], %swap3A_269 {strides = array<i32>} : memref<112xi32, #tpu.memory_space<vmem>>, vector<16xi32>,
      %and3A_270 = arith.constant 16383 : i32
      %and3A_271 = vector.broadcast %and3A_270 : i32 to vector<16xi32>
      %and3A_272 = arith.andi %get3A_262, %and3A_271 : vector<16xi32>
      %swap3A_273 = arith.constant 64 : index
      %swap3A_274 = tpu.vector_load %arg10[%swap3A_273] {strides = array<i32>} : memref<112xi32, #tpu.memory_space<vmem>>, vector<16xi32>,
      %swap3A_275 = vector.shape_cast %swap3A_274 : vector<16xi32> to vector<16xi32>
      %swap3A_276 = vector.shape_cast %and3A_272 : vector<16xi32> to vector<16xi32>
      tpu.vector_store %arg10[%swap3A_273], %swap3A_276 {strides = array<i32>} : memref<112xi32, #tpu.memory_space<vmem>>, vector<16xi32>,
      %mul3A_277 = arith.constant 112 : i32
      %mul3A_278 = arith.muli %add3A_171, %mul3A_277 : i32
      %add3A_279 = arith.constant 80 : i32
      %add3A_280 = arith.addi %mul3A_278, %add3A_279 : i32
      %get3A_281 = arith.index_cast %add3A_280 : i32 to index
      %get3A_282 = tpu.vector_load %arg6[%get3A_281] {strides = array<i32>} : memref<10000xi32, #tpu.memory_space<vmem>>, vector<16xi32>,
      %get3A_283 = vector.shape_cast %get3A_282 : vector<16xi32> to vector<16xi32>
      %shift_right_logical3A_284 = arith.constant 14 : i32
      %shift_right_logical3A_285 = vector.broadcast %shift_right_logical3A_284 : i32 to vector<16xi32>
      %shift_right_logical3A_286 = arith.shrui %get3A_283, %shift_right_logical3A_285 : vector<16xi32>
      %swap3A_287 = arith.constant 80 : index
      %swap3A_288 = tpu.vector_load %arg9[%swap3A_287] {strides = array<i32>} : memref<112xi32, #tpu.memory_space<vmem>>, vector<16xi32>,
      %swap3A_289 = vector.shape_cast %swap3A_288 : vector<16xi32> to vector<16xi32>
      %swap3A_290 = vector.shape_cast %shift_right_logical3A_286 : vector<16xi32> to vector<16xi32>
      tpu.vector_store %arg9[%swap3A_287], %swap3A_290 {strides = array<i32>} : memref<112xi32, #tpu.memory_space<vmem>>, vector<16xi32>,
      %and3A_291 = arith.constant 16383 : i32
      %and3A_292 = vector.broadcast %and3A_291 : i32 to vector<16xi32>
      %and3A_293 = arith.andi %get3A_283, %and3A_292 : vector<16xi32>
      %swap3A_294 = arith.constant 80 : index
      %swap3A_295 = tpu.vector_load %arg10[%swap3A_294] {strides = array<i32>} : memref<112xi32, #tpu.memory_space<vmem>>, vector<16xi32>,
      %swap3A_296 = vector.shape_cast %swap3A_295 : vector<16xi32> to vector<16xi32>
      %swap3A_297 = vector.shape_cast %and3A_293 : vector<16xi32> to vector<16xi32>
      tpu.vector_store %arg10[%swap3A_294], %swap3A_297 {strides = array<i32>} : memref<112xi32, #tpu.memory_space<vmem>>, vector<16xi32>,
      %mul3A_298 = arith.constant 112 : i32
      %mul3A_299 = arith.muli %add3A_171, %mul3A_298 : i32
      %add3A_300 = arith.constant 96 : i32
      %add3A_301 = arith.addi %mul3A_299, %add3A_300 : i32
      %get3A_302 = arith.index_cast %add3A_301 : i32 to index
      %get3A_303 = tpu.vector_load %arg6[%get3A_302] {strides = array<i32>} : memref<10000xi32, #tpu.memory_space<vmem>>, vector<16xi32>,
      %get3A_304 = vector.shape_cast %get3A_303 : vector<16xi32> to vector<16xi32>
      %shift_right_logical3A_305 = arith.constant 14 : i32
      %shift_right_logical3A_306 = vector.broadcast %shift_right_logical3A_305 : i32 to vector<16xi32>
      %shift_right_logical3A_307 = arith.shrui %get3A_304, %shift_right_logical3A_306 : vector<16xi32>
      %swap3A_308 = arith.constant 96 : index
      %swap3A_309 = tpu.vector_load %arg9[%swap3A_308] {strides = array<i32>} : memref<112xi32, #tpu.memory_space<vmem>>, vector<16xi32>,
      %swap3A_310 = vector.shape_cast %swap3A_309 : vector<16xi32> to vector<16xi32>
      %swap3A_311 = vector.shape_cast %shift_right_logical3A_307 : vector<16xi32> to vector<16xi32>
      tpu.vector_store %arg9[%swap3A_308], %swap3A_311 {strides = array<i32>} : memref<112xi32, #tpu.memory_space<vmem>>, vector<16xi32>,
      %and3A_312 = arith.constant 16383 : i32
      %and3A_313 = vector.broadcast %and3A_312 : i32 to vector<16xi32>
      %and3A_314 = arith.andi %get3A_304, %and3A_313 : vector<16xi32>
      %swap3A_315 = arith.constant 96 : index
      %swap3A_316 = tpu.vector_load %arg10[%swap3A_315] {strides = array<i32>} : memref<112xi32, #tpu.memory_space<vmem>>, vector<16xi32>,
      %swap3A_317 = vector.shape_cast %swap3A_316 : vector<16xi32> to vector<16xi32>
      %swap3A_318 = vector.shape_cast %and3A_314 : vector<16xi32> to vector<16xi32>
      tpu.vector_store %arg10[%swap3A_315], %swap3A_318 {strides = array<i32>} : memref<112xi32, #tpu.memory_space<vmem>>, vector<16xi32>,
      %dma_start3A_319 = arith.constant 0 : i32
      %dma_start3A_320 = arith.constant 0 : i32
      %dma_start3A_321 = tpu.memref_slice %arg3[%dma_start3A_319, %dma_start3A_320] : memref<10000x128xf32, #tpu.memory_space<hbm>> -> memref<10000x128xf32, #tpu.memory_space<hbm>>
      tpu.enqueue_indirect_dma source(%dma_start3A_321 : memref<10000x128xf32, #tpu.memory_space<hbm>>) target(%arg14 : memref<112x128xf32, #tpu.memory_space<vmem>>) offsets(%arg10 : memref<112xi32, #tpu.memory_space<vmem>>) semaphore(%arg17 : memref<!tpu.dma_semaphore, #tpu.memory_space<semaphore_mem>>)
      %dma_wait3A_322 = arith.constant 0 : i32
      %dma_wait3A_323 = arith.constant 0 : i32
      %dma_wait3A_324 = tpu.memref_slice %arg3[%dma_wait3A_322, %dma_wait3A_323] : memref<10000x128xf32, #tpu.memory_space<hbm>> -> memref<10000x128xf32, #tpu.memory_space<hbm>>
      tpu.wait_indirect_dma semaphore(%arg16 : memref<!tpu.dma_semaphore, #tpu.memory_space<semaphore_mem>>) src(%dma_wait3A_324 : memref<10000x128xf32, #tpu.memory_space<hbm>>) dst(%arg13 : memref<112x128xf32, #tpu.memory_space<vmem>>)
      "tpu.region"() ({
        %run_scoped3A = tpu.sem_alloc : memref<!tpu.dma_semaphore, #tpu.memory_space<semaphore_mem>>
        %dma_start3A_335 = arith.constant 0 : i32
        %dma_start3A_336 = arith.constant 0 : i32
        %dma_start3A_337 = tpu.memref_slice %arg15[%dma_start3A_335, %dma_start3A_336] : memref<10000x128xf32, #tpu.memory_space<vmem_shared>> -> memref<10000x128xf32, #tpu.memory_space<vmem_shared>>
        tpu.enqueue_indirect_dma source(%arg13 : memref<112x128xf32, #tpu.memory_space<vmem>>) target(%dma_start3A_337 : memref<10000x128xf32, #tpu.memory_space<vmem_shared>>) offsets(%arg7 : memref<112xi32, #tpu.memory_space<vmem>>) semaphore(%run_scoped3A : memref<!tpu.dma_semaphore, #tpu.memory_space<semaphore_mem>>) {add = true}
        %dma_wait3A_338 = arith.constant 0 : i32
        %dma_wait3A_339 = arith.constant 0 : i32
        %dma_wait3A_340 = tpu.memref_slice %arg15[%dma_wait3A_338, %dma_wait3A_339] : memref<10000x128xf32, #tpu.memory_space<vmem_shared>> -> memref<10000x128xf32, #tpu.memory_space<vmem_shared>>
        tpu.wait_indirect_dma semaphore(%run_scoped3A : memref<!tpu.dma_semaphore, #tpu.memory_space<semaphore_mem>>) src(%arg13 : memref<112x128xf32, #tpu.memory_space<vmem>>) dst(%dma_wait3A_340 : memref<10000x128xf32, #tpu.memory_space<vmem_shared>>)
        tpu.yield
      }) : () -> ()
      %add3A_325 = arith.constant 2 : i32
      %add3A_326 = arith.addi %mul3A_169, %add3A_325 : i32
      %lt3A_327 = arith.constant 89 : i32
      %lt3A_328 = arith.cmpi slt, %add3A_326, %lt3A_327 : i32
      %convert_element_type3A_329 = arith.extui %lt3A_328 : i1 to i32
      %cond3A_330 = arith.constant 0 : i32
      %cond3A_331 = arith.cmpi ne, %convert_element_type3A_329, %cond3A_330 : i32
      scf.if %cond3A_331 {
        %add3A_335 = arith.constant 2 : i32
        %add3A_336 = arith.addi %mul3A_169, %add3A_335 : i32
        %mul3A_337 = arith.constant 112 : i32
        %mul3A_338 = arith.muli %add3A_336, %mul3A_337 : i32
        %add3A_339 = arith.constant 0 : i32
        %add3A_340 = arith.addi %mul3A_338, %add3A_339 : i32
        %get3A_341 = arith.index_cast %add3A_340 : i32 to index
        %get3A_342 = tpu.vector_load %arg6[%get3A_341] {strides = array<i32>} : memref<10000xi32, #tpu.memory_space<vmem>>, vector<16xi32>,
        %get3A_343 = vector.shape_cast %get3A_342 : vector<16xi32> to vector<16xi32>
        %shift_right_logical3A_344 = arith.constant 14 : i32
        %shift_right_logical3A_345 = vector.broadcast %shift_right_logical3A_344 : i32 to vector<16xi32>
        %shift_right_logical3A_346 = arith.shrui %get3A_343, %shift_right_logical3A_345 : vector<16xi32>
        %swap3A_347 = arith.constant 0 : index
        %swap3A_348 = tpu.vector_load %arg7[%swap3A_347] {strides = array<i32>} : memref<112xi32, #tpu.memory_space<vmem>>, vector<16xi32>,
        %swap3A_349 = vector.shape_cast %swap3A_348 : vector<16xi32> to vector<16xi32>
        %swap3A_350 = vector.shape_cast %shift_right_logical3A_346 : vector<16xi32> to vector<16xi32>
        tpu.vector_store %arg7[%swap3A_347], %swap3A_350 {strides = array<i32>} : memref<112xi32, #tpu.memory_space<vmem>>, vector<16xi32>,
        %and3A_351 = arith.constant 16383 : i32
        %and3A_352 = vector.broadcast %and3A_351 : i32 to vector<16xi32>
        %and3A_353 = arith.andi %get3A_343, %and3A_352 : vector<16xi32>
        %swap3A_354 = arith.constant 0 : index
        %swap3A_355 = tpu.vector_load %arg8[%swap3A_354] {strides = array<i32>} : memref<112xi32, #tpu.memory_space<vmem>>, vector<16xi32>,
        %swap3A_356 = vector.shape_cast %swap3A_355 : vector<16xi32> to vector<16xi32>
        %swap3A_357 = vector.shape_cast %and3A_353 : vector<16xi32> to vector<16xi32>
        tpu.vector_store %arg8[%swap3A_354], %swap3A_357 {strides = array<i32>} : memref<112xi32, #tpu.memory_space<vmem>>, vector<16xi32>,
        %mul3A_358 = arith.constant 112 : i32
        %mul3A_359 = arith.muli %add3A_336, %mul3A_358 : i32
        %add3A_360 = arith.constant 16 : i32
        %add3A_361 = arith.addi %mul3A_359, %add3A_360 : i32
        %get3A_362 = arith.index_cast %add3A_361 : i32 to index
        %get3A_363 = tpu.vector_load %arg6[%get3A_362] {strides = array<i32>} : memref<10000xi32, #tpu.memory_space<vmem>>, vector<16xi32>,
        %get3A_364 = vector.shape_cast %get3A_363 : vector<16xi32> to vector<16xi32>
        %shift_right_logical3A_365 = arith.constant 14 : i32
        %shift_right_logical3A_366 = vector.broadcast %shift_right_logical3A_365 : i32 to vector<16xi32>
        %shift_right_logical3A_367 = arith.shrui %get3A_364, %shift_right_logical3A_366 : vector<16xi32>
        %swap3A_368 = arith.constant 16 : index
        %swap3A_369 = tpu.vector_load %arg7[%swap3A_368] {strides = array<i32>} : memref<112xi32, #tpu.memory_space<vmem>>, vector<16xi32>,
        %swap3A_370 = vector.shape_cast %swap3A_369 : vector<16xi32> to vector<16xi32>
        %swap3A_371 = vector.shape_cast %shift_right_logical3A_367 : vector<16xi32> to vector<16xi32>
        tpu.vector_store %arg7[%swap3A_368], %swap3A_371 {strides = array<i32>} : memref<112xi32, #tpu.memory_space<vmem>>, vector<16xi32>,
        %and3A_372 = arith.constant 16383 : i32
        %and3A_373 = vector.broadcast %and3A_372 : i32 to vector<16xi32>
        %and3A_374 = arith.andi %get3A_364, %and3A_373 : vector<16xi32>
        %swap3A_375 = arith.constant 16 : index
        %swap3A_376 = tpu.vector_load %arg8[%swap3A_375] {strides = array<i32>} : memref<112xi32, #tpu.memory_space<vmem>>, vector<16xi32>,
        %swap3A_377 = vector.shape_cast %swap3A_376 : vector<16xi32> to vector<16xi32>
        %swap3A_378 = vector.shape_cast %and3A_374 : vector<16xi32> to vector<16xi32>
        tpu.vector_store %arg8[%swap3A_375], %swap3A_378 {strides = array<i32>} : memref<112xi32, #tpu.memory_space<vmem>>, vector<16xi32>,
        %mul3A_379 = arith.constant 112 : i32
        %mul3A_380 = arith.muli %add3A_336, %mul3A_379 : i32
        %add3A_381 = arith.constant 32 : i32
        %add3A_382 = arith.addi %mul3A_380, %add3A_381 : i32
        %get3A_383 = arith.index_cast %add3A_382 : i32 to index
        %get3A_384 = tpu.vector_load %arg6[%get3A_383] {strides = array<i32>} : memref<10000xi32, #tpu.memory_space<vmem>>, vector<16xi32>,
        %get3A_385 = vector.shape_cast %get3A_384 : vector<16xi32> to vector<16xi32>
        %shift_right_logical3A_386 = arith.constant 14 : i32
        %shift_right_logical3A_387 = vector.broadcast %shift_right_logical3A_386 : i32 to vector<16xi32>
        %shift_right_logical3A_388 = arith.shrui %get3A_385, %shift_right_logical3A_387 : vector<16xi32>
        %swap3A_389 = arith.constant 32 : index
        %swap3A_390 = tpu.vector_load %arg7[%swap3A_389] {strides = array<i32>} : memref<112xi32, #tpu.memory_space<vmem>>, vector<16xi32>,
        %swap3A_391 = vector.shape_cast %swap3A_390 : vector<16xi32> to vector<16xi32>
        %swap3A_392 = vector.shape_cast %shift_right_logical3A_388 : vector<16xi32> to vector<16xi32>
        tpu.vector_store %arg7[%swap3A_389], %swap3A_392 {strides = array<i32>} : memref<112xi32, #tpu.memory_space<vmem>>, vector<16xi32>,
        %and3A_393 = arith.constant 16383 : i32
        %and3A_394 = vector.broadcast %and3A_393 : i32 to vector<16xi32>
        %and3A_395 = arith.andi %get3A_385, %and3A_394 : vector<16xi32>
        %swap3A_396 = arith.constant 32 : index
        %swap3A_397 = tpu.vector_load %arg8[%swap3A_396] {strides = array<i32>} : memref<112xi32, #tpu.memory_space<vmem>>, vector<16xi32>,
        %swap3A_398 = vector.shape_cast %swap3A_397 : vector<16xi32> to vector<16xi32>
        %swap3A_399 = vector.shape_cast %and3A_395 : vector<16xi32> to vector<16xi32>
        tpu.vector_store %arg8[%swap3A_396], %swap3A_399 {strides = array<i32>} : memref<112xi32, #tpu.memory_space<vmem>>, vector<16xi32>,
        %mul3A_400 = arith.constant 112 : i32
        %mul3A_401 = arith.muli %add3A_336, %mul3A_400 : i32
        %add3A_402 = arith.constant 48 : i32
        %add3A_403 = arith.addi %mul3A_401, %add3A_402 : i32
        %get3A_404 = arith.index_cast %add3A_403 : i32 to index
        %get3A_405 = tpu.vector_load %arg6[%get3A_404] {strides = array<i32>} : memref<10000xi32, #tpu.memory_space<vmem>>, vector<16xi32>,
        %get3A_406 = vector.shape_cast %get3A_405 : vector<16xi32> to vector<16xi32>
        %shift_right_logical3A_407 = arith.constant 14 : i32
        %shift_right_logical3A_408 = vector.broadcast %shift_right_logical3A_407 : i32 to vector<16xi32>
        %shift_right_logical3A_409 = arith.shrui %get3A_406, %shift_right_logical3A_408 : vector<16xi32>
        %swap3A_410 = arith.constant 48 : index
        %swap3A_411 = tpu.vector_load %arg7[%swap3A_410] {strides = array<i32>} : memref<112xi32, #tpu.memory_space<vmem>>, vector<16xi32>,
        %swap3A_412 = vector.shape_cast %swap3A_411 : vector<16xi32> to vector<16xi32>
        %swap3A_413 = vector.shape_cast %shift_right_logical3A_409 : vector<16xi32> to vector<16xi32>
        tpu.vector_store %arg7[%swap3A_410], %swap3A_413 {strides = array<i32>} : memref<112xi32, #tpu.memory_space<vmem>>, vector<16xi32>,
        %and3A_414 = arith.constant 16383 : i32
        %and3A_415 = vector.broadcast %and3A_414 : i32 to vector<16xi32>
        %and3A_416 = arith.andi %get3A_406, %and3A_415 : vector<16xi32>
        %swap3A_417 = arith.constant 48 : index
        %swap3A_418 = tpu.vector_load %arg8[%swap3A_417] {strides = array<i32>} : memref<112xi32, #tpu.memory_space<vmem>>, vector<16xi32>,
        %swap3A_419 = vector.shape_cast %swap3A_418 : vector<16xi32> to vector<16xi32>
        %swap3A_420 = vector.shape_cast %and3A_416 : vector<16xi32> to vector<16xi32>
        tpu.vector_store %arg8[%swap3A_417], %swap3A_420 {strides = array<i32>} : memref<112xi32, #tpu.memory_space<vmem>>, vector<16xi32>,
        %mul3A_421 = arith.constant 112 : i32
        %mul3A_422 = arith.muli %add3A_336, %mul3A_421 : i32
        %add3A_423 = arith.constant 64 : i32
        %add3A_424 = arith.addi %mul3A_422, %add3A_423 : i32
        %get3A_425 = arith.index_cast %add3A_424 : i32 to index
        %get3A_426 = tpu.vector_load %arg6[%get3A_425] {strides = array<i32>} : memref<10000xi32, #tpu.memory_space<vmem>>, vector<16xi32>,
        %get3A_427 = vector.shape_cast %get3A_426 : vector<16xi32> to vector<16xi32>
        %shift_right_logical3A_428 = arith.constant 14 : i32
        %shift_right_logical3A_429 = vector.broadcast %shift_right_logical3A_428 : i32 to vector<16xi32>
        %shift_right_logical3A_430 = arith.shrui %get3A_427, %shift_right_logical3A_429 : vector<16xi32>
        %swap3A_431 = arith.constant 64 : index
        %swap3A_432 = tpu.vector_load %arg7[%swap3A_431] {strides = array<i32>} : memref<112xi32, #tpu.memory_space<vmem>>, vector<16xi32>,
        %swap3A_433 = vector.shape_cast %swap3A_432 : vector<16xi32> to vector<16xi32>
        %swap3A_434 = vector.shape_cast %shift_right_logical3A_430 : vector<16xi32> to vector<16xi32>
        tpu.vector_store %arg7[%swap3A_431], %swap3A_434 {strides = array<i32>} : memref<112xi32, #tpu.memory_space<vmem>>, vector<16xi32>,
        %and3A_435 = arith.constant 16383 : i32
        %and3A_436 = vector.broadcast %and3A_435 : i32 to vector<16xi32>
        %and3A_437 = arith.andi %get3A_427, %and3A_436 : vector<16xi32>
        %swap3A_438 = arith.constant 64 : index
        %swap3A_439 = tpu.vector_load %arg8[%swap3A_438] {strides = array<i32>} : memref<112xi32, #tpu.memory_space<vmem>>, vector<16xi32>,
        %swap3A_440 = vector.shape_cast %swap3A_439 : vector<16xi32> to vector<16xi32>
        %swap3A_441 = vector.shape_cast %and3A_437 : vector<16xi32> to vector<16xi32>
        tpu.vector_store %arg8[%swap3A_438], %swap3A_441 {strides = array<i32>} : memref<112xi32, #tpu.memory_space<vmem>>, vector<16xi32>,
        %mul3A_442 = arith.constant 112 : i32
        %mul3A_443 = arith.muli %add3A_336, %mul3A_442 : i32
        %add3A_444 = arith.constant 80 : i32
        %add3A_445 = arith.addi %mul3A_443, %add3A_444 : i32
        %get3A_446 = arith.index_cast %add3A_445 : i32 to index
        %get3A_447 = tpu.vector_load %arg6[%get3A_446] {strides = array<i32>} : memref<10000xi32, #tpu.memory_space<vmem>>, vector<16xi32>,
        %get3A_448 = vector.shape_cast %get3A_447 : vector<16xi32> to vector<16xi32>
        %shift_right_logical3A_449 = arith.constant 14 : i32
        %shift_right_logical3A_450 = vector.broadcast %shift_right_logical3A_449 : i32 to vector<16xi32>
        %shift_right_logical3A_451 = arith.shrui %get3A_448, %shift_right_logical3A_450 : vector<16xi32>
        %swap3A_452 = arith.constant 80 : index
        %swap3A_453 = tpu.vector_load %arg7[%swap3A_452] {strides = array<i32>} : memref<112xi32, #tpu.memory_space<vmem>>, vector<16xi32>,
        %swap3A_454 = vector.shape_cast %swap3A_453 : vector<16xi32> to vector<16xi32>
        %swap3A_455 = vector.shape_cast %shift_right_logical3A_451 : vector<16xi32> to vector<16xi32>
        tpu.vector_store %arg7[%swap3A_452], %swap3A_455 {strides = array<i32>} : memref<112xi32, #tpu.memory_space<vmem>>, vector<16xi32>,
        %and3A_456 = arith.constant 16383 : i32
        %and3A_457 = vector.broadcast %and3A_456 : i32 to vector<16xi32>
        %and3A_458 = arith.andi %get3A_448, %and3A_457 : vector<16xi32>
        %swap3A_459 = arith.constant 80 : index
        %swap3A_460 = tpu.vector_load %arg8[%swap3A_459] {strides = array<i32>} : memref<112xi32, #tpu.memory_space<vmem>>, vector<16xi32>,
        %swap3A_461 = vector.shape_cast %swap3A_460 : vector<16xi32> to vector<16xi32>
        %swap3A_462 = vector.shape_cast %and3A_458 : vector<16xi32> to vector<16xi32>
        tpu.vector_store %arg8[%swap3A_459], %swap3A_462 {strides = array<i32>} : memref<112xi32, #tpu.memory_space<vmem>>, vector<16xi32>,
        %mul3A_463 = arith.constant 112 : i32
        %mul3A_464 = arith.muli %add3A_336, %mul3A_463 : i32
        %add3A_465 = arith.constant 96 : i32
        %add3A_466 = arith.addi %mul3A_464, %add3A_465 : i32
        %get3A_467 = arith.index_cast %add3A_466 : i32 to index
        %get3A_468 = tpu.vector_load %arg6[%get3A_467] {strides = array<i32>} : memref<10000xi32, #tpu.memory_space<vmem>>, vector<16xi32>,
        %get3A_469 = vector.shape_cast %get3A_468 : vector<16xi32> to vector<16xi32>
        %shift_right_logical3A_470 = arith.constant 14 : i32
        %shift_right_logical3A_471 = vector.broadcast %shift_right_logical3A_470 : i32 to vector<16xi32>
        %shift_right_logical3A_472 = arith.shrui %get3A_469, %shift_right_logical3A_471 : vector<16xi32>
        %swap3A_473 = arith.constant 96 : index
        %swap3A_474 = tpu.vector_load %arg7[%swap3A_473] {strides = array<i32>} : memref<112xi32, #tpu.memory_space<vmem>>, vector<16xi32>,
        %swap3A_475 = vector.shape_cast %swap3A_474 : vector<16xi32> to vector<16xi32>
        %swap3A_476 = vector.shape_cast %shift_right_logical3A_472 : vector<16xi32> to vector<16xi32>
        tpu.vector_store %arg7[%swap3A_473], %swap3A_476 {strides = array<i32>} : memref<112xi32, #tpu.memory_space<vmem>>, vector<16xi32>,
        %and3A_477 = arith.constant 16383 : i32
        %and3A_478 = vector.broadcast %and3A_477 : i32 to vector<16xi32>
        %and3A_479 = arith.andi %get3A_469, %and3A_478 : vector<16xi32>
        %swap3A_480 = arith.constant 96 : index
        %swap3A_481 = tpu.vector_load %arg8[%swap3A_480] {strides = array<i32>} : memref<112xi32, #tpu.memory_space<vmem>>, vector<16xi32>,
        %swap3A_482 = vector.shape_cast %swap3A_481 : vector<16xi32> to vector<16xi32>
        %swap3A_483 = vector.shape_cast %and3A_479 : vector<16xi32> to vector<16xi32>
        tpu.vector_store %arg8[%swap3A_480], %swap3A_483 {strides = array<i32>} : memref<112xi32, #tpu.memory_space<vmem>>, vector<16xi32>,
        %dma_start3A_484 = arith.constant 0 : i32
        %dma_start3A_485 = arith.constant 0 : i32
        %dma_start3A_486 = tpu.memref_slice %arg3[%dma_start3A_484, %dma_start3A_485] : memref<10000x128xf32, #tpu.memory_space<hbm>> -> memref<10000x128xf32, #tpu.memory_space<hbm>>
        tpu.enqueue_indirect_dma source(%dma_start3A_486 : memref<10000x128xf32, #tpu.memory_space<hbm>>) target(%arg13 : memref<112x128xf32, #tpu.memory_space<vmem>>) offsets(%arg8 : memref<112xi32, #tpu.memory_space<vmem>>) semaphore(%arg16 : memref<!tpu.dma_semaphore, #tpu.memory_space<semaphore_mem>>)
      } else {
      }
      %dma_wait3A_332 = arith.constant 0 : i32
      %dma_wait3A_333 = arith.constant 0 : i32
      %dma_wait3A_334 = tpu.memref_slice %arg3[%dma_wait3A_332, %dma_wait3A_333] : memref<10000x128xf32, #tpu.memory_space<hbm>> -> memref<10000x128xf32, #tpu.memory_space<hbm>>
      tpu.wait_indirect_dma semaphore(%arg17 : memref<!tpu.dma_semaphore, #tpu.memory_space<semaphore_mem>>) src(%dma_wait3A_334 : memref<10000x128xf32, #tpu.memory_space<hbm>>) dst(%arg14 : memref<112x128xf32, #tpu.memory_space<vmem>>)
      "tpu.region"() ({
        %run_scoped3A = tpu.sem_alloc : memref<!tpu.dma_semaphore, #tpu.memory_space<semaphore_mem>>
        %dma_start3A_335 = arith.constant 0 : i32
        %dma_start3A_336 = arith.constant 0 : i32
        %dma_start3A_337 = tpu.memref_slice %arg15[%dma_start3A_335, %dma_start3A_336] : memref<10000x128xf32, #tpu.memory_space<vmem_shared>> -> memref<10000x128xf32, #tpu.memory_space<vmem_shared>>
        tpu.enqueue_indirect_dma source(%arg14 : memref<112x128xf32, #tpu.memory_space<vmem>>) target(%dma_start3A_337 : memref<10000x128xf32, #tpu.memory_space<vmem_shared>>) offsets(%arg9 : memref<112xi32, #tpu.memory_space<vmem>>) semaphore(%run_scoped3A : memref<!tpu.dma_semaphore, #tpu.memory_space<semaphore_mem>>) {add = true}
        %dma_wait3A_338 = arith.constant 0 : i32
        %dma_wait3A_339 = arith.constant 0 : i32
        %dma_wait3A_340 = tpu.memref_slice %arg15[%dma_wait3A_338, %dma_wait3A_339] : memref<10000x128xf32, #tpu.memory_space<vmem_shared>> -> memref<10000x128xf32, #tpu.memory_space<vmem_shared>>
        tpu.wait_indirect_dma semaphore(%run_scoped3A : memref<!tpu.dma_semaphore, #tpu.memory_space<semaphore_mem>>) src(%arg14 : memref<112x128xf32, #tpu.memory_space<vmem>>) dst(%dma_wait3A_340 : memref<10000x128xf32, #tpu.memory_space<vmem_shared>>)
        tpu.yield
      }) : () -> ()
    }
    %scan3A_124 = arith.constant 44 : i32
    %dma_wait3A = arith.constant 0 : i32
    %dma_wait3A_125 = arith.constant 0 : i32
    %dma_wait3A_126 = tpu.memref_slice %arg3[%dma_wait3A, %dma_wait3A_125] : memref<10000x128xf32, #tpu.memory_space<hbm>> -> memref<10000x128xf32, #tpu.memory_space<hbm>>
    tpu.wait_indirect_dma semaphore(%arg16 : memref<!tpu.dma_semaphore, #tpu.memory_space<semaphore_mem>>) src(%dma_wait3A_126 : memref<10000x128xf32, #tpu.memory_space<hbm>>) dst(%arg13 : memref<112x128xf32, #tpu.memory_space<vmem>>)
    "tpu.region"() ({
      %run_scoped3A = tpu.sem_alloc : memref<!tpu.dma_semaphore, #tpu.memory_space<semaphore_mem>>
      %dma_start3A_167 = arith.constant 0 : i32
      %dma_start3A_168 = arith.constant 0 : i32
      %dma_start3A_169 = tpu.memref_slice %arg15[%dma_start3A_167, %dma_start3A_168] : memref<10000x128xf32, #tpu.memory_space<vmem_shared>> -> memref<10000x128xf32, #tpu.memory_space<vmem_shared>>
      tpu.enqueue_indirect_dma source(%arg13 : memref<112x128xf32, #tpu.memory_space<vmem>>) target(%dma_start3A_169 : memref<10000x128xf32, #tpu.memory_space<vmem_shared>>) offsets(%arg7 : memref<112xi32, #tpu.memory_space<vmem>>) semaphore(%run_scoped3A : memref<!tpu.dma_semaphore, #tpu.memory_space<semaphore_mem>>) {add = true}
      %dma_wait3A_170 = arith.constant 0 : i32
      %dma_wait3A_171 = arith.constant 0 : i32
      %dma_wait3A_172 = tpu.memref_slice %arg15[%dma_wait3A_170, %dma_wait3A_171] : memref<10000x128xf32, #tpu.memory_space<vmem_shared>> -> memref<10000x128xf32, #tpu.memory_space<vmem_shared>>
      tpu.wait_indirect_dma semaphore(%run_scoped3A : memref<!tpu.dma_semaphore, #tpu.memory_space<semaphore_mem>>) src(%arg13 : memref<112x128xf32, #tpu.memory_space<vmem>>) dst(%dma_wait3A_172 : memref<10000x128xf32, #tpu.memory_space<vmem_shared>>)
      tpu.yield
    }) : () -> ()
    %get3A_127 = arith.constant 9968 : index
    %get3A_128 = tpu.vector_load %arg6[%get3A_127] {strides = array<i32>} : memref<10000xi32, #tpu.memory_space<vmem>>, vector<16xi32>,
    %get3A_129 = vector.shape_cast %get3A_128 : vector<16xi32> to vector<16xi32>
    %shift_right_logical3A_130 = arith.constant 14 : i32
    %shift_right_logical3A_131 = vector.broadcast %shift_right_logical3A_130 : i32 to vector<16xi32>
    %shift_right_logical3A_132 = arith.shrui %get3A_129, %shift_right_logical3A_131 : vector<16xi32>
    %swap3A_133 = arith.constant 0 : index
    %swap3A_134 = tpu.vector_load %arg11[%swap3A_133] {strides = array<i32>} : memref<32xi32, #tpu.memory_space<vmem>>, vector<16xi32>,
    %swap3A_135 = vector.shape_cast %swap3A_134 : vector<16xi32> to vector<16xi32>
    %swap3A_136 = vector.shape_cast %shift_right_logical3A_132 : vector<16xi32> to vector<16xi32>
    tpu.vector_store %arg11[%swap3A_133], %swap3A_136 {strides = array<i32>} : memref<32xi32, #tpu.memory_space<vmem>>, vector<16xi32>,
    %and3A_137 = arith.constant 16383 : i32
    %and3A_138 = vector.broadcast %and3A_137 : i32 to vector<16xi32>
    %and3A_139 = arith.andi %get3A_129, %and3A_138 : vector<16xi32>
    %swap3A_140 = arith.constant 0 : index
    %swap3A_141 = tpu.vector_load %arg12[%swap3A_140] {strides = array<i32>} : memref<32xi32, #tpu.memory_space<vmem>>, vector<16xi32>,
    %swap3A_142 = vector.shape_cast %swap3A_141 : vector<16xi32> to vector<16xi32>
    %swap3A_143 = vector.shape_cast %and3A_139 : vector<16xi32> to vector<16xi32>
    tpu.vector_store %arg12[%swap3A_140], %swap3A_143 {strides = array<i32>} : memref<32xi32, #tpu.memory_space<vmem>>, vector<16xi32>,
    %get3A_144 = arith.constant 9984 : index
    %get3A_145 = tpu.vector_load %arg6[%get3A_144] {strides = array<i32>} : memref<10000xi32, #tpu.memory_space<vmem>>, vector<16xi32>,
    %get3A_146 = vector.shape_cast %get3A_145 : vector<16xi32> to vector<16xi32>
    %shift_right_logical3A_147 = arith.constant 14 : i32
    %shift_right_logical3A_148 = vector.broadcast %shift_right_logical3A_147 : i32 to vector<16xi32>
    %shift_right_logical3A_149 = arith.shrui %get3A_146, %shift_right_logical3A_148 : vector<16xi32>
    %swap3A_150 = arith.constant 16 : index
    %swap3A_151 = tpu.vector_load %arg11[%swap3A_150] {strides = array<i32>} : memref<32xi32, #tpu.memory_space<vmem>>, vector<16xi32>,
    %swap3A_152 = vector.shape_cast %swap3A_151 : vector<16xi32> to vector<16xi32>
    %swap3A_153 = vector.shape_cast %shift_right_logical3A_149 : vector<16xi32> to vector<16xi32>
    tpu.vector_store %arg11[%swap3A_150], %swap3A_153 {strides = array<i32>} : memref<32xi32, #tpu.memory_space<vmem>>, vector<16xi32>,
    %and3A_154 = arith.constant 16383 : i32
    %and3A_155 = vector.broadcast %and3A_154 : i32 to vector<16xi32>
    %and3A_156 = arith.andi %get3A_146, %and3A_155 : vector<16xi32>
    %swap3A_157 = arith.constant 16 : index
    %swap3A_158 = tpu.vector_load %arg12[%swap3A_157] {strides = array<i32>} : memref<32xi32, #tpu.memory_space<vmem>>, vector<16xi32>,
    %swap3A_159 = vector.shape_cast %swap3A_158 : vector<16xi32> to vector<16xi32>
    %swap3A_160 = vector.shape_cast %and3A_156 : vector<16xi32> to vector<16xi32>
    tpu.vector_store %arg12[%swap3A_157], %swap3A_160 {strides = array<i32>} : memref<32xi32, #tpu.memory_space<vmem>>, vector<16xi32>,
    "tpu.region"() ({
      %run_scoped3A = tpu.sem_alloc : memref<!tpu.dma_semaphore, #tpu.memory_space<semaphore_mem>>
      %dma_start3A_167 = arith.constant 0 : i32
      %dma_start3A_168 = arith.constant 0 : i32
      %dma_start3A_169 = tpu.memref_slice %arg13[%dma_start3A_167, %dma_start3A_168] : memref<112x128xf32, #tpu.memory_space<vmem>> -> memref<32x128xf32, #tpu.memory_space<vmem>>
      %dma_start3A_170 = arith.constant 0 : i32
      %dma_start3A_171 = arith.constant 0 : i32
      %dma_start3A_172 = tpu.memref_slice %arg3[%dma_start3A_170, %dma_start3A_171] : memref<10000x128xf32, #tpu.memory_space<hbm>> -> memref<10000x128xf32, #tpu.memory_space<hbm>>
      tpu.enqueue_indirect_dma source(%dma_start3A_172 : memref<10000x128xf32, #tpu.memory_space<hbm>>) target(%dma_start3A_169 : memref<32x128xf32, #tpu.memory_space<vmem>>) offsets(%arg12 : memref<32xi32, #tpu.memory_space<vmem>>) semaphore(%run_scoped3A : memref<!tpu.dma_semaphore, #tpu.memory_space<semaphore_mem>>)
      %dma_wait3A_173 = arith.constant 0 : i32
      %dma_wait3A_174 = arith.constant 0 : i32
      %dma_wait3A_175 = tpu.memref_slice %arg13[%dma_wait3A_173, %dma_wait3A_174] : memref<112x128xf32, #tpu.memory_space<vmem>> -> memref<32x128xf32, #tpu.memory_space<vmem>>
      %dma_wait3A_176 = arith.constant 0 : i32
      %dma_wait3A_177 = arith.constant 0 : i32
      %dma_wait3A_178 = tpu.memref_slice %arg3[%dma_wait3A_176, %dma_wait3A_177] : memref<10000x128xf32, #tpu.memory_space<hbm>> -> memref<10000x128xf32, #tpu.memory_space<hbm>>
      tpu.wait_indirect_dma semaphore(%run_scoped3A : memref<!tpu.dma_semaphore, #tpu.memory_space<semaphore_mem>>) src(%dma_wait3A_178 : memref<10000x128xf32, #tpu.memory_space<hbm>>) dst(%dma_wait3A_175 : memref<32x128xf32, #tpu.memory_space<vmem>>)
      tpu.yield
    }) : () -> ()
    "tpu.region"() ({
      %run_scoped3A = tpu.sem_alloc : memref<!tpu.dma_semaphore, #tpu.memory_space<semaphore_mem>>
      %dma_start3A_167 = arith.constant 0 : i32
      %dma_start3A_168 = arith.constant 0 : i32
      %dma_start3A_169 = tpu.memref_slice %arg13[%dma_start3A_167, %dma_start3A_168] : memref<112x128xf32, #tpu.memory_space<vmem>> -> memref<32x128xf32, #tpu.memory_space<vmem>>
      %dma_start3A_170 = arith.constant 0 : i32
      %dma_start3A_171 = arith.constant 0 : i32
      %dma_start3A_172 = tpu.memref_slice %arg15[%dma_start3A_170, %dma_start3A_171] : memref<10000x128xf32, #tpu.memory_space<vmem_shared>> -> memref<10000x128xf32, #tpu.memory_space<vmem_shared>>
      tpu.enqueue_indirect_dma source(%dma_start3A_169 : memref<32x128xf32, #tpu.memory_space<vmem>>) target(%dma_start3A_172 : memref<10000x128xf32, #tpu.memory_space<vmem_shared>>) offsets(%arg11 : memref<32xi32, #tpu.memory_space<vmem>>) semaphore(%run_scoped3A : memref<!tpu.dma_semaphore, #tpu.memory_space<semaphore_mem>>) {add = true}
      %dma_wait3A_173 = arith.constant 0 : i32
      %dma_wait3A_174 = arith.constant 0 : i32
      %dma_wait3A_175 = tpu.memref_slice %arg13[%dma_wait3A_173, %dma_wait3A_174] : memref<112x128xf32, #tpu.memory_space<vmem>> -> memref<32x128xf32, #tpu.memory_space<vmem>>
      %dma_wait3A_176 = arith.constant 0 : i32
      %dma_wait3A_177 = arith.constant 0 : i32
      %dma_wait3A_178 = tpu.memref_slice %arg15[%dma_wait3A_176, %dma_wait3A_177] : memref<10000x128xf32, #tpu.memory_space<vmem_shared>> -> memref<10000x128xf32, #tpu.memory_space<vmem_shared>>
      tpu.wait_indirect_dma semaphore(%run_scoped3A : memref<!tpu.dma_semaphore, #tpu.memory_space<semaphore_mem>>) src(%dma_wait3A_175 : memref<32x128xf32, #tpu.memory_space<vmem>>) dst(%dma_wait3A_178 : memref<10000x128xf32, #tpu.memory_space<vmem_shared>>)
      tpu.yield
    }) : () -> ()
    %barrier3A_161 = arith.constant 0 : index
    tpu.barrier barrier_id(%barrier3A_161)
    %lt3A_162 = arith.constant 10 : i32
    %lt3A_163 = arith.cmpi slt, %arg1, %lt3A_162 : i32
    %convert_element_type3A_164 = arith.extui %lt3A_163 : i1 to i32
    %cond3A_165 = arith.constant 0 : i32
    %cond3A_166 = arith.cmpi ne, %convert_element_type3A_164, %cond3A_165 : i32
    scf.if %cond3A_166 {
      %mul3A_167 = arith.constant 1000 : i32
      %mul3A_168 = arith.muli %arg1, %mul3A_167 : i32
      %mul3A_169 = arith.constant 1000 : i32
      %mul3A_170 = arith.muli %arg1, %mul3A_169 : i32
      "tpu.region"() ({
        %run_scoped3A = tpu.sem_alloc : memref<!tpu.dma_semaphore, #tpu.memory_space<semaphore_mem>>
        %dma_start3A_171 = arith.constant 0 : i32
        %dma_start3A_172 = tpu.memref_slice %arg5[%arg0, %mul3A_170, %dma_start3A_171] : memref<2x10000x128xf32, #tpu.memory_space<hbm>> -> memref<1x1000x128xf32, #tpu.memory_space<hbm>>
        %dma_start3A_173 = tpu.memref_squeeze %dma_start3A_172 : memref<1x1000x128xf32, #tpu.memory_space<hbm>> -> memref<1000x128xf32, #tpu.memory_space<hbm>>
        %dma_start3A_174 = arith.constant 0 : i32
        %dma_start3A_175 = tpu.memref_slice %arg15[%mul3A_168, %dma_start3A_174] : memref<10000x128xf32, #tpu.memory_space<vmem_shared>> -> memref<1000x128xf32, #tpu.memory_space<vmem_shared>>
        tpu.enqueue_dma source(%dma_start3A_175 : memref<1000x128xf32, #tpu.memory_space<vmem_shared>>) target(%dma_start3A_173 : memref<1000x128xf32, #tpu.memory_space<hbm>>) target_semaphore(%run_scoped3A : memref<!tpu.dma_semaphore, #tpu.memory_space<semaphore_mem>>)
        %dma_wait3A_176 = arith.constant 0 : i32
        %dma_wait3A_177 = tpu.memref_slice %arg5[%arg0, %mul3A_170, %dma_wait3A_176] : memref<2x10000x128xf32, #tpu.memory_space<hbm>> -> memref<1x1000x128xf32, #tpu.memory_space<hbm>>
        %dma_wait3A_178 = tpu.memref_squeeze %dma_wait3A_177 : memref<1x1000x128xf32, #tpu.memory_space<hbm>> -> memref<1000x128xf32, #tpu.memory_space<hbm>>
        %dma_wait3A_179 = arith.constant 0 : i32
        %dma_wait3A_180 = tpu.memref_slice %arg15[%mul3A_168, %dma_wait3A_179] : memref<10000x128xf32, #tpu.memory_space<vmem_shared>> -> memref<1000x128xf32, #tpu.memory_space<vmem_shared>>
        tpu.wait_dma2 semaphore(%run_scoped3A : memref<!tpu.dma_semaphore, #tpu.memory_space<semaphore_mem>>) src(%dma_wait3A_180 : memref<1000x128xf32, #tpu.memory_space<vmem_shared>>) dst(%dma_wait3A_178 : memref<1000x128xf32, #tpu.memory_space<hbm>>)
        tpu.yield
      }) : () -> ()
    } else {
    }
    return
  }
}

#map = affine_map<(d0, d1) -> (0, 0)>
#map1 = affine_map<(d0, d1) -> (0, 0, 0)>
module attributes {stable_mosaic.version = 14 : i64} {
  func.func @_sc_spmm(%arg0: i32, %arg1: i32, %arg2: memref<32x10000xi32, #tpu.memory_space<hbm>>, %arg3: memref<10000x128xf32, #tpu.memory_space<hbm>>, %arg4: memref<1000x128xf32, #tpu.memory_space<hbm>>, %arg5: memref<2x10000x128xf32, #tpu.memory_space<hbm>>, %arg6: memref<10000xi32, #tpu.memory_space<vmem>>, %arg7: memref<112xi32, #tpu.memory_space<vmem>>, %arg8: memref<112xi32, #tpu.memory_space<vmem>>, %arg9: memref<112xi32, #tpu.memory_space<vmem>>, %arg10: memref<112xi32, #tpu.memory_space<vmem>>, %arg11: memref<32xi32, #tpu.memory_space<vmem>>, %arg12: memref<32xi32, #tpu.memory_space<vmem>>, %arg13: memref<112x128xf32, #tpu.memory_space<vmem>>, %arg14: memref<112x128xf32, #tpu.memory_space<vmem>>, %arg15: memref<10000x128xf32, #tpu.memory_space<vmem_shared>>, %arg16: memref<!tpu.dma_semaphore, #tpu.memory_space<semaphore_mem>>, %arg17: memref<!tpu.dma_semaphore, #tpu.memory_space<semaphore_mem>>) attributes {dimension_semantics = [#tpu.dimension_semantics<core_parallel>, #tpu.dimension_semantics<subcore_parallel>], iteration_bounds = array<i64: 2, 16>, scalar_prefetch = 0 : i64, scratch_operands = 12 : i64, tpu.core_type = #tpu.core_type<sc_vector_subcore>, window_params = [{transform_indices = #map}, {transform_indices = #map}, {transform_indices = #map}, {transform_indices = #map1}]} {
    %mul3A = arith.constant 16 : i32
    %mul3A_0 = arith.muli %arg0, %mul3A : i32
    %add3A = arith.addi %mul3A_0, %arg1 : i32
    "tpu.region"() ({
      %run_scoped3A = tpu.sem_alloc : memref<!tpu.dma_semaphore, #tpu.memory_space<semaphore_mem>>
      %dma_start3A_167 = arith.constant 0 : i32
      %dma_start3A_168 = tpu.memref_slice %arg2[%add3A, %dma_start3A_167] : memref<32x10000xi32, #tpu.memory_space<hbm>> -> memref<1x10000xi32, #tpu.memory_space<hbm>>
      %dma_start3A_169 = tpu.memref_squeeze %dma_start3A_168 : memref<1x10000xi32, #tpu.memory_space<hbm>> -> memref<10000xi32, #tpu.memory_space<hbm>>
      %dma_start3A_170 = arith.constant 0 : i32
      %dma_start3A_171 = tpu.memref_slice %arg2[%add3A, %dma_start3A_170] : memref<32x10000xi32, #tpu.memory_space<hbm>> -> memref<1x10000xi32, #tpu.memory_space<hbm>>
      %dma_start3A_172 = tpu.memref_squeeze %dma_start3A_171 : memref<1x10000xi32, #tpu.memory_space<hbm>> -> memref<10000xi32, #tpu.memory_space<hbm>>
      tpu.enqueue_dma source(%dma_start3A_172 : memref<10000xi32, #tpu.memory_space<hbm>>) target(%arg6 : memref<10000xi32, #tpu.memory_space<vmem>>) target_semaphore(%run_scoped3A : memref<!tpu.dma_semaphore, #tpu.memory_space<semaphore_mem>>)
      %dma_wait3A_173 = arith.constant 0 : i32
      %dma_wait3A_174 = tpu.memref_slice %arg2[%add3A, %dma_wait3A_173] : memref<32x10000xi32, #tpu.memory_space<hbm>> -> memref<1x10000xi32, #tpu.memory_space<hbm>>
      %dma_wait3A_175 = tpu.memref_squeeze %dma_wait3A_174 : memref<1x10000xi32, #tpu.memory_space<hbm>> -> memref<10000xi32, #tpu.memory_space<hbm>>
      %dma_wait3A_176 = arith.constant 0 : i32
      %dma_wait3A_177 = tpu.memref_slice %arg2[%add3A, %dma_wait3A_176] : memref<32x10000xi32, #tpu.memory_space<hbm>> -> memref<1x10000xi32, #tpu.memory_space<hbm>>
      %dma_wait3A_178 = tpu.memref_squeeze %dma_wait3A_177 : memref<1x10000xi32, #tpu.memory_space<hbm>> -> memref<10000xi32, #tpu.memory_space<hbm>>
      tpu.wait_dma2 semaphore(%run_scoped3A : memref<!tpu.dma_semaphore, #tpu.memory_space<semaphore_mem>>) src(%dma_wait3A_178 : memref<10000xi32, #tpu.memory_space<hbm>>) dst(%arg6 : memref<10000xi32, #tpu.memory_space<vmem>>)
      tpu.yield
    }) : () -> ()
    %lt3A = arith.constant 10 : i32
    %lt3A_1 = arith.cmpi slt, %arg1, %lt3A : i32
    %convert_element_type3A = arith.extui %lt3A_1 : i1 to i32
    %cond3A = arith.constant 0 : i32
    %cond3A_2 = arith.cmpi ne, %convert_element_type3A, %cond3A : i32
    scf.if %cond3A_2 {
      %mul3A_167 = arith.constant 1000 : i32
      %mul3A_168 = arith.muli %arg1, %mul3A_167 : i32
      "tpu.region"() ({
        %run_scoped3A = tpu.sem_alloc : memref<!tpu.dma_semaphore, #tpu.memory_space<semaphore_mem>>
        %dma_start3A_169 = arith.constant 0 : i32
        %dma_start3A_170 = tpu.memref_slice %arg15[%mul3A_168, %dma_start3A_169] : memref<10000x128xf32, #tpu.memory_space<vmem_shared>> -> memref<1000x128xf32, #tpu.memory_space<vmem_shared>>
        tpu.enqueue_dma source(%arg4 : memref<1000x128xf32, #tpu.memory_space<hbm>>) target(%dma_start3A_170 : memref<1000x128xf32, #tpu.memory_space<vmem_shared>>) target_semaphore(%run_scoped3A : memref<!tpu.dma_semaphore, #tpu.memory_space<semaphore_mem>>)
        %dma_wait3A_171 = arith.constant 0 : i32
        %dma_wait3A_172 = tpu.memref_slice %arg15[%mul3A_168, %dma_wait3A_171] : memref<10000x128xf32, #tpu.memory_space<vmem_shared>> -> memref<1000x128xf32, #tpu.memory_space<vmem_shared>>
        tpu.wait_dma2 semaphore(%run_scoped3A : memref<!tpu.dma_semaphore, #tpu.memory_space<semaphore_mem>>) src(%arg4 : memref<1000x128xf32, #tpu.memory_space<hbm>>) dst(%dma_wait3A_172 : memref<1000x128xf32, #tpu.memory_space<vmem_shared>>)
        tpu.yield
      }) : () -> ()
    } else {
    }
    %barrier3A = arith.constant 0 : index
    tpu.barrier barrier_id(%barrier3A)
    %get3A = arith.constant 0 : index
    %get3A_3 = tpu.vector_load %arg6[%get3A] {strides = array<i32>} : memref<10000xi32, #tpu.memory_space<vmem>>, vector<16xi32>,
    %get3A_4 = vector.shape_cast %get3A_3 : vector<16xi32> to vector<16xi32>
    %shift_right_logical3A = arith.constant 14 : i32
    %shift_right_logical3A_5 = vector.broadcast %shift_right_logical3A : i32 to vector<16xi32>
    %shift_right_logical3A_6 = arith.shrui %get3A_4, %shift_right_logical3A_5 : vector<16xi32>
    %swap3A = arith.constant 0 : index
    %swap3A_7 = tpu.vector_load %arg7[%swap3A] {strides = array<i32>} : memref<112xi32, #tpu.memory_space<vmem>>, vector<16xi32>,
    %swap3A_8 = vector.shape_cast %swap3A_7 : vector<16xi32> to vector<16xi32>
    %swap3A_9 = vector.shape_cast %shift_right_logical3A_6 : vector<16xi32> to vector<16xi32>
    tpu.vector_store %arg7[%swap3A], %swap3A_9 {strides = array<i32>} : memref<112xi32, #tpu.memory_space<vmem>>, vector<16xi32>,
    %and3A = arith.constant 16383 : i32
    %and3A_10 = vector.broadcast %and3A : i32 to vector<16xi32>
    %and3A_11 = arith.andi %get3A_4, %and3A_10 : vector<16xi32>
    %swap3A_12 = arith.constant 0 : index
    %swap3A_13 = tpu.vector_load %arg8[%swap3A_12] {strides = array<i32>} : memref<112xi32, #tpu.memory_space<vmem>>, vector<16xi32>,
    %swap3A_14 = vector.shape_cast %swap3A_13 : vector<16xi32> to vector<16xi32>
    %swap3A_15 = vector.shape_cast %and3A_11 : vector<16xi32> to vector<16xi32>
    tpu.vector_store %arg8[%swap3A_12], %swap3A_15 {strides = array<i32>} : memref<112xi32, #tpu.memory_space<vmem>>, vector<16xi32>,
    %get3A_16 = arith.constant 16 : index
    %get3A_17 = tpu.vector_load %arg6[%get3A_16] {strides = array<i32>} : memref<10000xi32, #tpu.memory_space<vmem>>, vector<16xi32>,
    %get3A_18 = vector.shape_cast %get3A_17 : vector<16xi32> to vector<16xi32>
    %shift_right_logical3A_19 = arith.constant 14 : i32
    %shift_right_logical3A_20 = vector.broadcast %shift_right_logical3A_19 : i32 to vector<16xi32>
    %shift_right_logical3A_21 = arith.shrui %get3A_18, %shift_right_logical3A_20 : vector<16xi32>
    %swap3A_22 = arith.constant 16 : index
    %swap3A_23 = tpu.vector_load %arg7[%swap3A_22] {strides = array<i32>} : memref<112xi32, #tpu.memory_space<vmem>>, vector<16xi32>,
    %swap3A_24 = vector.shape_cast %swap3A_23 : vector<16xi32> to vector<16xi32>
    %swap3A_25 = vector.shape_cast %shift_right_logical3A_21 : vector<16xi32> to vector<16xi32>
    tpu.vector_store %arg7[%swap3A_22], %swap3A_25 {strides = array<i32>} : memref<112xi32, #tpu.memory_space<vmem>>, vector<16xi32>,
    %and3A_26 = arith.constant 16383 : i32
    %and3A_27 = vector.broadcast %and3A_26 : i32 to vector<16xi32>
    %and3A_28 = arith.andi %get3A_18, %and3A_27 : vector<16xi32>
    %swap3A_29 = arith.constant 16 : index
    %swap3A_30 = tpu.vector_load %arg8[%swap3A_29] {strides = array<i32>} : memref<112xi32, #tpu.memory_space<vmem>>, vector<16xi32>,
    %swap3A_31 = vector.shape_cast %swap3A_30 : vector<16xi32> to vector<16xi32>
    %swap3A_32 = vector.shape_cast %and3A_28 : vector<16xi32> to vector<16xi32>
    tpu.vector_store %arg8[%swap3A_29], %swap3A_32 {strides = array<i32>} : memref<112xi32, #tpu.memory_space<vmem>>, vector<16xi32>,
    %get3A_33 = arith.constant 32 : index
    %get3A_34 = tpu.vector_load %arg6[%get3A_33] {strides = array<i32>} : memref<10000xi32, #tpu.memory_space<vmem>>, vector<16xi32>,
    %get3A_35 = vector.shape_cast %get3A_34 : vector<16xi32> to vector<16xi32>
    %shift_right_logical3A_36 = arith.constant 14 : i32
    %shift_right_logical3A_37 = vector.broadcast %shift_right_logical3A_36 : i32 to vector<16xi32>
    %shift_right_logical3A_38 = arith.shrui %get3A_35, %shift_right_logical3A_37 : vector<16xi32>
    %swap3A_39 = arith.constant 32 : index
    %swap3A_40 = tpu.vector_load %arg7[%swap3A_39] {strides = array<i32>} : memref<112xi32, #tpu.memory_space<vmem>>, vector<16xi32>,
    %swap3A_41 = vector.shape_cast %swap3A_40 : vector<16xi32> to vector<16xi32>
    %swap3A_42 = vector.shape_cast %shift_right_logical3A_38 : vector<16xi32> to vector<16xi32>
    tpu.vector_store %arg7[%swap3A_39], %swap3A_42 {strides = array<i32>} : memref<112xi32, #tpu.memory_space<vmem>>, vector<16xi32>,
    %and3A_43 = arith.constant 16383 : i32
    %and3A_44 = vector.broadcast %and3A_43 : i32 to vector<16xi32>
    %and3A_45 = arith.andi %get3A_35, %and3A_44 : vector<16xi32>
    %swap3A_46 = arith.constant 32 : index
    %swap3A_47 = tpu.vector_load %arg8[%swap3A_46] {strides = array<i32>} : memref<112xi32, #tpu.memory_space<vmem>>, vector<16xi32>,
    %swap3A_48 = vector.shape_cast %swap3A_47 : vector<16xi32> to vector<16xi32>
    %swap3A_49 = vector.shape_cast %and3A_45 : vector<16xi32> to vector<16xi32>
    tpu.vector_store %arg8[%swap3A_46], %swap3A_49 {strides = array<i32>} : memref<112xi32, #tpu.memory_space<vmem>>, vector<16xi32>,
    %get3A_50 = arith.constant 48 : index
    %get3A_51 = tpu.vector_load %arg6[%get3A_50] {strides = array<i32>} : memref<10000xi32, #tpu.memory_space<vmem>>, vector<16xi32>,
    %get3A_52 = vector.shape_cast %get3A_51 : vector<16xi32> to vector<16xi32>
    %shift_right_logical3A_53 = arith.constant 14 : i32
    %shift_right_logical3A_54 = vector.broadcast %shift_right_logical3A_53 : i32 to vector<16xi32>
    %shift_right_logical3A_55 = arith.shrui %get3A_52, %shift_right_logical3A_54 : vector<16xi32>
    %swap3A_56 = arith.constant 48 : index
    %swap3A_57 = tpu.vector_load %arg7[%swap3A_56] {strides = array<i32>} : memref<112xi32, #tpu.memory_space<vmem>>, vector<16xi32>,
    %swap3A_58 = vector.shape_cast %swap3A_57 : vector<16xi32> to vector<16xi32>
    %swap3A_59 = vector.shape_cast %shift_right_logical3A_55 : vector<16xi32> to vector<16xi32>
    tpu.vector_store %arg7[%swap3A_56], %swap3A_59 {strides = array<i32>} : memref<112xi32, #tpu.memory_space<vmem>>, vector<16xi32>,
    %and3A_60 = arith.constant 16383 : i32
    %and3A_61 = vector.broadcast %and3A_60 : i32 to vector<16xi32>
    %and3A_62 = arith.andi %get3A_52, %and3A_61 : vector<16xi32>
    %swap3A_63 = arith.constant 48 : index
    %swap3A_64 = tpu.vector_load %arg8[%swap3A_63] {strides = array<i32>} : memref<112xi32, #tpu.memory_space<vmem>>, vector<16xi32>,
    %swap3A_65 = vector.shape_cast %swap3A_64 : vector<16xi32> to vector<16xi32>
    %swap3A_66 = vector.shape_cast %and3A_62 : vector<16xi32> to vector<16xi32>
    tpu.vector_store %arg8[%swap3A_63], %swap3A_66 {strides = array<i32>} : memref<112xi32, #tpu.memory_space<vmem>>, vector<16xi32>,
    %get3A_67 = arith.constant 64 : index
    %get3A_68 = tpu.vector_load %arg6[%get3A_67] {strides = array<i32>} : memref<10000xi32, #tpu.memory_space<vmem>>, vector<16xi32>,
    %get3A_69 = vector.shape_cast %get3A_68 : vector<16xi32> to vector<16xi32>
    %shift_right_logical3A_70 = arith.constant 14 : i32
    %shift_right_logical3A_71 = vector.broadcast %shift_right_logical3A_70 : i32 to vector<16xi32>
    %shift_right_logical3A_72 = arith.shrui %get3A_69, %shift_right_logical3A_71 : vector<16xi32>
    %swap3A_73 = arith.constant 64 : index
    %swap3A_74 = tpu.vector_load %arg7[%swap3A_73] {strides = array<i32>} : memref<112xi32, #tpu.memory_space<vmem>>, vector<16xi32>,
    %swap3A_75 = vector.shape_cast %swap3A_74 : vector<16xi32> to vector<16xi32>
    %swap3A_76 = vector.shape_cast %shift_right_logical3A_72 : vector<16xi32> to vector<16xi32>
    tpu.vector_store %arg7[%swap3A_73], %swap3A_76 {strides = array<i32>} : memref<112xi32, #tpu.memory_space<vmem>>, vector<16xi32>,
    %and3A_77 = arith.constant 16383 : i32
    %and3A_78 = vector.broadcast %and3A_77 : i32 to vector<16xi32>
    %and3A_79 = arith.andi %get3A_69, %and3A_78 : vector<16xi32>
    %swap3A_80 = arith.constant 64 : index
    %swap3A_81 = tpu.vector_load %arg8[%swap3A_80] {strides = array<i32>} : memref<112xi32, #tpu.memory_space<vmem>>, vector<16xi32>,
    %swap3A_82 = vector.shape_cast %swap3A_81 : vector<16xi32> to vector<16xi32>
    %swap3A_83 = vector.shape_cast %and3A_79 : vector<16xi32> to vector<16xi32>
    tpu.vector_store %arg8[%swap3A_80], %swap3A_83 {strides = array<i32>} : memref<112xi32, #tpu.memory_space<vmem>>, vector<16xi32>,
    %get3A_84 = arith.constant 80 : index
    %get3A_85 = tpu.vector_load %arg6[%get3A_84] {strides = array<i32>} : memref<10000xi32, #tpu.memory_space<vmem>>, vector<16xi32>,
    %get3A_86 = vector.shape_cast %get3A_85 : vector<16xi32> to vector<16xi32>
    %shift_right_logical3A_87 = arith.constant 14 : i32
    %shift_right_logical3A_88 = vector.broadcast %shift_right_logical3A_87 : i32 to vector<16xi32>
    %shift_right_logical3A_89 = arith.shrui %get3A_86, %shift_right_logical3A_88 : vector<16xi32>
    %swap3A_90 = arith.constant 80 : index
    %swap3A_91 = tpu.vector_load %arg7[%swap3A_90] {strides = array<i32>} : memref<112xi32, #tpu.memory_space<vmem>>, vector<16xi32>,
    %swap3A_92 = vector.shape_cast %swap3A_91 : vector<16xi32> to vector<16xi32>
    %swap3A_93 = vector.shape_cast %shift_right_logical3A_89 : vector<16xi32> to vector<16xi32>
    tpu.vector_store %arg7[%swap3A_90], %swap3A_93 {strides = array<i32>} : memref<112xi32, #tpu.memory_space<vmem>>, vector<16xi32>,
    %and3A_94 = arith.constant 16383 : i32
    %and3A_95 = vector.broadcast %and3A_94 : i32 to vector<16xi32>
    %and3A_96 = arith.andi %get3A_86, %and3A_95 : vector<16xi32>
    %swap3A_97 = arith.constant 80 : index
    %swap3A_98 = tpu.vector_load %arg8[%swap3A_97] {strides = array<i32>} : memref<112xi32, #tpu.memory_space<vmem>>, vector<16xi32>,
    %swap3A_99 = vector.shape_cast %swap3A_98 : vector<16xi32> to vector<16xi32>
    %swap3A_100 = vector.shape_cast %and3A_96 : vector<16xi32> to vector<16xi32>
    tpu.vector_store %arg8[%swap3A_97], %swap3A_100 {strides = array<i32>} : memref<112xi32, #tpu.memory_space<vmem>>, vector<16xi32>,
    %get3A_101 = arith.constant 96 : index
    %get3A_102 = tpu.vector_load %arg6[%get3A_101] {strides = array<i32>} : memref<10000xi32, #tpu.memory_space<vmem>>, vector<16xi32>,
    %get3A_103 = vector.shape_cast %get3A_102 : vector<16xi32> to vector<16xi32>
    %shift_right_logical3A_104 = arith.constant 14 : i32
    %shift_right_logical3A_105 = vector.broadcast %shift_right_logical3A_104 : i32 to vector<16xi32>
    %shift_right_logical3A_106 = arith.shrui %get3A_103, %shift_right_logical3A_105 : vector<16xi32>
    %swap3A_107 = arith.constant 96 : index
    %swap3A_108 = tpu.vector_load %arg7[%swap3A_107] {strides = array<i32>} : memref<112xi32, #tpu.memory_space<vmem>>, vector<16xi32>,
    %swap3A_109 = vector.shape_cast %swap3A_108 : vector<16xi32> to vector<16xi32>
    %swap3A_110 = vector.shape_cast %shift_right_logical3A_106 : vector<16xi32> to vector<16xi32>
    tpu.vector_store %arg7[%swap3A_107], %swap3A_110 {strides = array<i32>} : memref<112xi32, #tpu.memory_space<vmem>>, vector<16xi32>,
    %and3A_111 = arith.constant 16383 : i32
    %and3A_112 = vector.broadcast %and3A_111 : i32 to vector<16xi32>
    %and3A_113 = arith.andi %get3A_103, %and3A_112 : vector<16xi32>
    %swap3A_114 = arith.constant 96 : index
    %swap3A_115 = tpu.vector_load %arg8[%swap3A_114] {strides = array<i32>} : memref<112xi32, #tpu.memory_space<vmem>>, vector<16xi32>,
    %swap3A_116 = vector.shape_cast %swap3A_115 : vector<16xi32> to vector<16xi32>
    %swap3A_117 = vector.shape_cast %and3A_113 : vector<16xi32> to vector<16xi32>
    tpu.vector_store %arg8[%swap3A_114], %swap3A_117 {strides = array<i32>} : memref<112xi32, #tpu.memory_space<vmem>>, vector<16xi32>,
    %dma_start3A = arith.constant 0 : i32
    %dma_start3A_118 = arith.constant 0 : i32
    %dma_start3A_119 = tpu.memref_slice %arg3[%dma_start3A, %dma_start3A_118] : memref<10000x128xf32, #tpu.memory_space<hbm>> -> memref<10000x128xf32, #tpu.memory_space<hbm>>
    tpu.enqueue_indirect_dma source(%dma_start3A_119 : memref<10000x128xf32, #tpu.memory_space<hbm>>) target(%arg13 : memref<112x128xf32, #tpu.memory_space<vmem>>) offsets(%arg8 : memref<112xi32, #tpu.memory_space<vmem>>) semaphore(%arg16 : memref<!tpu.dma_semaphore, #tpu.memory_space<semaphore_mem>>)
    %scan3A = arith.constant 0 : i32
    %scan3A_120 = arith.constant 0 : i32
    %scan3A_121 = arith.constant 44 : i32
    %scan3A_122 = arith.addi %scan3A_120, %scan3A_121 : i32
    %scan3A_123 = arith.constant 1 : i32
    scf.for %scan3A_167 = %scan3A_120 to %scan3A_122 step %scan3A_123  : i32 {
      %mul3A_168 = arith.constant 2 : i32
      %mul3A_169 = arith.muli %mul3A_168, %scan3A_167 : i32
      %add3A_170 = arith.constant 1 : i32
      %add3A_171 = arith.addi %mul3A_169, %add3A_170 : i32
      %mul3A_172 = arith.constant 112 : i32
      %mul3A_173 = arith.muli %add3A_171, %mul3A_172 : i32
      %add3A_174 = arith.constant 0 : i32
      %add3A_175 = arith.addi %mul3A_173, %add3A_174 : i32
      %get3A_176 = arith.index_cast %add3A_175 : i32 to index
      %get3A_177 = tpu.vector_load %arg6[%get3A_176] {strides = array<i32>} : memref<10000xi32, #tpu.memory_space<vmem>>, vector<16xi32>,
      %get3A_178 = vector.shape_cast %get3A_177 : vector<16xi32> to vector<16xi32>
      %shift_right_logical3A_179 = arith.constant 14 : i32
      %shift_right_logical3A_180 = vector.broadcast %shift_right_logical3A_179 : i32 to vector<16xi32>
      %shift_right_logical3A_181 = arith.shrui %get3A_178, %shift_right_logical3A_180 : vector<16xi32>
      %swap3A_182 = arith.constant 0 : index
      %swap3A_183 = tpu.vector_load %arg9[%swap3A_182] {strides = array<i32>} : memref<112xi32, #tpu.memory_space<vmem>>, vector<16xi32>,
      %swap3A_184 = vector.shape_cast %swap3A_183 : vector<16xi32> to vector<16xi32>
      %swap3A_185 = vector.shape_cast %shift_right_logical3A_181 : vector<16xi32> to vector<16xi32>
      tpu.vector_store %arg9[%swap3A_182], %swap3A_185 {strides = array<i32>} : memref<112xi32, #tpu.memory_space<vmem>>, vector<16xi32>,
      %and3A_186 = arith.constant 16383 : i32
      %and3A_187 = vector.broadcast %and3A_186 : i32 to vector<16xi32>
      %and3A_188 = arith.andi %get3A_178, %and3A_187 : vector<16xi32>
      %swap3A_189 = arith.constant 0 : index
      %swap3A_190 = tpu.vector_load %arg10[%swap3A_189] {strides = array<i32>} : memref<112xi32, #tpu.memory_space<vmem>>, vector<16xi32>,
      %swap3A_191 = vector.shape_cast %swap3A_190 : vector<16xi32> to vector<16xi32>
      %swap3A_192 = vector.shape_cast %and3A_188 : vector<16xi32> to vector<16xi32>
      tpu.vector_store %arg10[%swap3A_189], %swap3A_192 {strides = array<i32>} : memref<112xi32, #tpu.memory_space<vmem>>, vector<16xi32>,
      %mul3A_193 = arith.constant 112 : i32
      %mul3A_194 = arith.muli %add3A_171, %mul3A_193 : i32
      %add3A_195 = arith.constant 16 : i32
      %add3A_196 = arith.addi %mul3A_194, %add3A_195 : i32
      %get3A_197 = arith.index_cast %add3A_196 : i32 to index
      %get3A_198 = tpu.vector_load %arg6[%get3A_197] {strides = array<i32>} : memref<10000xi32, #tpu.memory_space<vmem>>, vector<16xi32>,
      %get3A_199 = vector.shape_cast %get3A_198 : vector<16xi32> to vector<16xi32>
      %shift_right_logical3A_200 = arith.constant 14 : i32
      %shift_right_logical3A_201 = vector.broadcast %shift_right_logical3A_200 : i32 to vector<16xi32>
      %shift_right_logical3A_202 = arith.shrui %get3A_199, %shift_right_logical3A_201 : vector<16xi32>
      %swap3A_203 = arith.constant 16 : index
      %swap3A_204 = tpu.vector_load %arg9[%swap3A_203] {strides = array<i32>} : memref<112xi32, #tpu.memory_space<vmem>>, vector<16xi32>,
      %swap3A_205 = vector.shape_cast %swap3A_204 : vector<16xi32> to vector<16xi32>
      %swap3A_206 = vector.shape_cast %shift_right_logical3A_202 : vector<16xi32> to vector<16xi32>
      tpu.vector_store %arg9[%swap3A_203], %swap3A_206 {strides = array<i32>} : memref<112xi32, #tpu.memory_space<vmem>>, vector<16xi32>,
      %and3A_207 = arith.constant 16383 : i32
      %and3A_208 = vector.broadcast %and3A_207 : i32 to vector<16xi32>
      %and3A_209 = arith.andi %get3A_199, %and3A_208 : vector<16xi32>
      %swap3A_210 = arith.constant 16 : index
      %swap3A_211 = tpu.vector_load %arg10[%swap3A_210] {strides = array<i32>} : memref<112xi32, #tpu.memory_space<vmem>>, vector<16xi32>,
      %swap3A_212 = vector.shape_cast %swap3A_211 : vector<16xi32> to vector<16xi32>
      %swap3A_213 = vector.shape_cast %and3A_209 : vector<16xi32> to vector<16xi32>
      tpu.vector_store %arg10[%swap3A_210], %swap3A_213 {strides = array<i32>} : memref<112xi32, #tpu.memory_space<vmem>>, vector<16xi32>,
      %mul3A_214 = arith.constant 112 : i32
      %mul3A_215 = arith.muli %add3A_171, %mul3A_214 : i32
      %add3A_216 = arith.constant 32 : i32
      %add3A_217 = arith.addi %mul3A_215, %add3A_216 : i32
      %get3A_218 = arith.index_cast %add3A_217 : i32 to index
      %get3A_219 = tpu.vector_load %arg6[%get3A_218] {strides = array<i32>} : memref<10000xi32, #tpu.memory_space<vmem>>, vector<16xi32>,
      %get3A_220 = vector.shape_cast %get3A_219 : vector<16xi32> to vector<16xi32>
      %shift_right_logical3A_221 = arith.constant 14 : i32
      %shift_right_logical3A_222 = vector.broadcast %shift_right_logical3A_221 : i32 to vector<16xi32>
      %shift_right_logical3A_223 = arith.shrui %get3A_220, %shift_right_logical3A_222 : vector<16xi32>
      %swap3A_224 = arith.constant 32 : index
      %swap3A_225 = tpu.vector_load %arg9[%swap3A_224] {strides = array<i32>} : memref<112xi32, #tpu.memory_space<vmem>>, vector<16xi32>,
      %swap3A_226 = vector.shape_cast %swap3A_225 : vector<16xi32> to vector<16xi32>
      %swap3A_227 = vector.shape_cast %shift_right_logical3A_223 : vector<16xi32> to vector<16xi32>
      tpu.vector_store %arg9[%swap3A_224], %swap3A_227 {strides = array<i32>} : memref<112xi32, #tpu.memory_space<vmem>>, vector<16xi32>,
      %and3A_228 = arith.constant 16383 : i32
      %and3A_229 = vector.broadcast %and3A_228 : i32 to vector<16xi32>
      %and3A_230 = arith.andi %get3A_220, %and3A_229 : vector<16xi32>
      %swap3A_231 = arith.constant 32 : index
      %swap3A_232 = tpu.vector_load %arg10[%swap3A_231] {strides = array<i32>} : memref<112xi32, #tpu.memory_space<vmem>>, vector<16xi32>,
      %swap3A_233 = vector.shape_cast %swap3A_232 : vector<16xi32> to vector<16xi32>
      %swap3A_234 = vector.shape_cast %and3A_230 : vector<16xi32> to vector<16xi32>
      tpu.vector_store %arg10[%swap3A_231], %swap3A_234 {strides = array<i32>} : memref<112xi32, #tpu.memory_space<vmem>>, vector<16xi32>,
      %mul3A_235 = arith.constant 112 : i32
      %mul3A_236 = arith.muli %add3A_171, %mul3A_235 : i32
      %add3A_237 = arith.constant 48 : i32
      %add3A_238 = arith.addi %mul3A_236, %add3A_237 : i32
      %get3A_239 = arith.index_cast %add3A_238 : i32 to index
      %get3A_240 = tpu.vector_load %arg6[%get3A_239] {strides = array<i32>} : memref<10000xi32, #tpu.memory_space<vmem>>, vector<16xi32>,
      %get3A_241 = vector.shape_cast %get3A_240 : vector<16xi32> to vector<16xi32>
      %shift_right_logical3A_242 = arith.constant 14 : i32
      %shift_right_logical3A_243 = vector.broadcast %shift_right_logical3A_242 : i32 to vector<16xi32>
      %shift_right_logical3A_244 = arith.shrui %get3A_241, %shift_right_logical3A_243 : vector<16xi32>
      %swap3A_245 = arith.constant 48 : index
      %swap3A_246 = tpu.vector_load %arg9[%swap3A_245] {strides = array<i32>} : memref<112xi32, #tpu.memory_space<vmem>>, vector<16xi32>,
      %swap3A_247 = vector.shape_cast %swap3A_246 : vector<16xi32> to vector<16xi32>
      %swap3A_248 = vector.shape_cast %shift_right_logical3A_244 : vector<16xi32> to vector<16xi32>
      tpu.vector_store %arg9[%swap3A_245], %swap3A_248 {strides = array<i32>} : memref<112xi32, #tpu.memory_space<vmem>>, vector<16xi32>,
      %and3A_249 = arith.constant 16383 : i32
      %and3A_250 = vector.broadcast %and3A_249 : i32 to vector<16xi32>
      %and3A_251 = arith.andi %get3A_241, %and3A_250 : vector<16xi32>
      %swap3A_252 = arith.constant 48 : index
      %swap3A_253 = tpu.vector_load %arg10[%swap3A_252] {strides = array<i32>} : memref<112xi32, #tpu.memory_space<vmem>>, vector<16xi32>,
      %swap3A_254 = vector.shape_cast %swap3A_253 : vector<16xi32> to vector<16xi32>
      %swap3A_255 = vector.shape_cast %and3A_251 : vector<16xi32> to vector<16xi32>
      tpu.vector_store %arg10[%swap3A_252], %swap3A_255 {strides = array<i32>} : memref<112xi32, #tpu.memory_space<vmem>>, vector<16xi32>,
      %mul3A_256 = arith.constant 112 : i32
      %mul3A_257 = arith.muli %add3A_171, %mul3A_256 : i32
      %add3A_258 = arith.constant 64 : i32
      %add3A_259 = arith.addi %mul3A_257, %add3A_258 : i32
      %get3A_260 = arith.index_cast %add3A_259 : i32 to index
      %get3A_261 = tpu.vector_load %arg6[%get3A_260] {strides = array<i32>} : memref<10000xi32, #tpu.memory_space<vmem>>, vector<16xi32>,
      %get3A_262 = vector.shape_cast %get3A_261 : vector<16xi32> to vector<16xi32>
      %shift_right_logical3A_263 = arith.constant 14 : i32
      %shift_right_logical3A_264 = vector.broadcast %shift_right_logical3A_263 : i32 to vector<16xi32>
      %shift_right_logical3A_265 = arith.shrui %get3A_262, %shift_right_logical3A_264 : vector<16xi32>
      %swap3A_266 = arith.constant 64 : index
      %swap3A_267 = tpu.vector_load %arg9[%swap3A_266] {strides = array<i32>} : memref<112xi32, #tpu.memory_space<vmem>>, vector<16xi32>,
      %swap3A_268 = vector.shape_cast %swap3A_267 : vector<16xi32> to vector<16xi32>
      %swap3A_269 = vector.shape_cast %shift_right_logical3A_265 : vector<16xi32> to vector<16xi32>
      tpu.vector_store %arg9[%swap3A_266], %swap3A_269 {strides = array<i32>} : memref<112xi32, #tpu.memory_space<vmem>>, vector<16xi32>,
      %and3A_270 = arith.constant 16383 : i32
      %and3A_271 = vector.broadcast %and3A_270 : i32 to vector<16xi32>
      %and3A_272 = arith.andi %get3A_262, %and3A_271 : vector<16xi32>
      %swap3A_273 = arith.constant 64 : index
      %swap3A_274 = tpu.vector_load %arg10[%swap3A_273] {strides = array<i32>} : memref<112xi32, #tpu.memory_space<vmem>>, vector<16xi32>,
      %swap3A_275 = vector.shape_cast %swap3A_274 : vector<16xi32> to vector<16xi32>
      %swap3A_276 = vector.shape_cast %and3A_272 : vector<16xi32> to vector<16xi32>
      tpu.vector_store %arg10[%swap3A_273], %swap3A_276 {strides = array<i32>} : memref<112xi32, #tpu.memory_space<vmem>>, vector<16xi32>,
      %mul3A_277 = arith.constant 112 : i32
      %mul3A_278 = arith.muli %add3A_171, %mul3A_277 : i32
      %add3A_279 = arith.constant 80 : i32
      %add3A_280 = arith.addi %mul3A_278, %add3A_279 : i32
      %get3A_281 = arith.index_cast %add3A_280 : i32 to index
      %get3A_282 = tpu.vector_load %arg6[%get3A_281] {strides = array<i32>} : memref<10000xi32, #tpu.memory_space<vmem>>, vector<16xi32>,
      %get3A_283 = vector.shape_cast %get3A_282 : vector<16xi32> to vector<16xi32>
      %shift_right_logical3A_284 = arith.constant 14 : i32
      %shift_right_logical3A_285 = vector.broadcast %shift_right_logical3A_284 : i32 to vector<16xi32>
      %shift_right_logical3A_286 = arith.shrui %get3A_283, %shift_right_logical3A_285 : vector<16xi32>
      %swap3A_287 = arith.constant 80 : index
      %swap3A_288 = tpu.vector_load %arg9[%swap3A_287] {strides = array<i32>} : memref<112xi32, #tpu.memory_space<vmem>>, vector<16xi32>,
      %swap3A_289 = vector.shape_cast %swap3A_288 : vector<16xi32> to vector<16xi32>
      %swap3A_290 = vector.shape_cast %shift_right_logical3A_286 : vector<16xi32> to vector<16xi32>
      tpu.vector_store %arg9[%swap3A_287], %swap3A_290 {strides = array<i32>} : memref<112xi32, #tpu.memory_space<vmem>>, vector<16xi32>,
      %and3A_291 = arith.constant 16383 : i32
      %and3A_292 = vector.broadcast %and3A_291 : i32 to vector<16xi32>
      %and3A_293 = arith.andi %get3A_283, %and3A_292 : vector<16xi32>
      %swap3A_294 = arith.constant 80 : index
      %swap3A_295 = tpu.vector_load %arg10[%swap3A_294] {strides = array<i32>} : memref<112xi32, #tpu.memory_space<vmem>>, vector<16xi32>,
      %swap3A_296 = vector.shape_cast %swap3A_295 : vector<16xi32> to vector<16xi32>
      %swap3A_297 = vector.shape_cast %and3A_293 : vector<16xi32> to vector<16xi32>
      tpu.vector_store %arg10[%swap3A_294], %swap3A_297 {strides = array<i32>} : memref<112xi32, #tpu.memory_space<vmem>>, vector<16xi32>,
      %mul3A_298 = arith.constant 112 : i32
      %mul3A_299 = arith.muli %add3A_171, %mul3A_298 : i32
      %add3A_300 = arith.constant 96 : i32
      %add3A_301 = arith.addi %mul3A_299, %add3A_300 : i32
      %get3A_302 = arith.index_cast %add3A_301 : i32 to index
      %get3A_303 = tpu.vector_load %arg6[%get3A_302] {strides = array<i32>} : memref<10000xi32, #tpu.memory_space<vmem>>, vector<16xi32>,
      %get3A_304 = vector.shape_cast %get3A_303 : vector<16xi32> to vector<16xi32>
      %shift_right_logical3A_305 = arith.constant 14 : i32
      %shift_right_logical3A_306 = vector.broadcast %shift_right_logical3A_305 : i32 to vector<16xi32>
      %shift_right_logical3A_307 = arith.shrui %get3A_304, %shift_right_logical3A_306 : vector<16xi32>
      %swap3A_308 = arith.constant 96 : index
      %swap3A_309 = tpu.vector_load %arg9[%swap3A_308] {strides = array<i32>} : memref<112xi32, #tpu.memory_space<vmem>>, vector<16xi32>,
      %swap3A_310 = vector.shape_cast %swap3A_309 : vector<16xi32> to vector<16xi32>
      %swap3A_311 = vector.shape_cast %shift_right_logical3A_307 : vector<16xi32> to vector<16xi32>
      tpu.vector_store %arg9[%swap3A_308], %swap3A_311 {strides = array<i32>} : memref<112xi32, #tpu.memory_space<vmem>>, vector<16xi32>,
      %and3A_312 = arith.constant 16383 : i32
      %and3A_313 = vector.broadcast %and3A_312 : i32 to vector<16xi32>
      %and3A_314 = arith.andi %get3A_304, %and3A_313 : vector<16xi32>
      %swap3A_315 = arith.constant 96 : index
      %swap3A_316 = tpu.vector_load %arg10[%swap3A_315] {strides = array<i32>} : memref<112xi32, #tpu.memory_space<vmem>>, vector<16xi32>,
      %swap3A_317 = vector.shape_cast %swap3A_316 : vector<16xi32> to vector<16xi32>
      %swap3A_318 = vector.shape_cast %and3A_314 : vector<16xi32> to vector<16xi32>
      tpu.vector_store %arg10[%swap3A_315], %swap3A_318 {strides = array<i32>} : memref<112xi32, #tpu.memory_space<vmem>>, vector<16xi32>,
      %dma_start3A_319 = arith.constant 0 : i32
      %dma_start3A_320 = arith.constant 0 : i32
      %dma_start3A_321 = tpu.memref_slice %arg3[%dma_start3A_319, %dma_start3A_320] : memref<10000x128xf32, #tpu.memory_space<hbm>> -> memref<10000x128xf32, #tpu.memory_space<hbm>>
      tpu.enqueue_indirect_dma source(%dma_start3A_321 : memref<10000x128xf32, #tpu.memory_space<hbm>>) target(%arg14 : memref<112x128xf32, #tpu.memory_space<vmem>>) offsets(%arg10 : memref<112xi32, #tpu.memory_space<vmem>>) semaphore(%arg17 : memref<!tpu.dma_semaphore, #tpu.memory_space<semaphore_mem>>)
      %dma_wait3A_322 = arith.constant 0 : i32
      %dma_wait3A_323 = arith.constant 0 : i32
      %dma_wait3A_324 = tpu.memref_slice %arg3[%dma_wait3A_322, %dma_wait3A_323] : memref<10000x128xf32, #tpu.memory_space<hbm>> -> memref<10000x128xf32, #tpu.memory_space<hbm>>
      tpu.wait_indirect_dma semaphore(%arg16 : memref<!tpu.dma_semaphore, #tpu.memory_space<semaphore_mem>>) src(%dma_wait3A_324 : memref<10000x128xf32, #tpu.memory_space<hbm>>) dst(%arg13 : memref<112x128xf32, #tpu.memory_space<vmem>>)
      "tpu.region"() ({
        %run_scoped3A = tpu.sem_alloc : memref<!tpu.dma_semaphore, #tpu.memory_space<semaphore_mem>>
        %dma_start3A_335 = arith.constant 0 : i32
        %dma_start3A_336 = arith.constant 0 : i32
        %dma_start3A_337 = tpu.memref_slice %arg15[%dma_start3A_335, %dma_start3A_336] : memref<10000x128xf32, #tpu.memory_space<vmem_shared>> -> memref<10000x128xf32, #tpu.memory_space<vmem_shared>>
        tpu.enqueue_indirect_dma source(%arg13 : memref<112x128xf32, #tpu.memory_space<vmem>>) target(%dma_start3A_337 : memref<10000x128xf32, #tpu.memory_space<vmem_shared>>) offsets(%arg7 : memref<112xi32, #tpu.memory_space<vmem>>) semaphore(%run_scoped3A : memref<!tpu.dma_semaphore, #tpu.memory_space<semaphore_mem>>) {add = true}
        %dma_wait3A_338 = arith.constant 0 : i32
        %dma_wait3A_339 = arith.constant 0 : i32
        %dma_wait3A_340 = tpu.memref_slice %arg15[%dma_wait3A_338, %dma_wait3A_339] : memref<10000x128xf32, #tpu.memory_space<vmem_shared>> -> memref<10000x128xf32, #tpu.memory_space<vmem_shared>>
        tpu.wait_indirect_dma semaphore(%run_scoped3A : memref<!tpu.dma_semaphore, #tpu.memory_space<semaphore_mem>>) src(%arg13 : memref<112x128xf32, #tpu.memory_space<vmem>>) dst(%dma_wait3A_340 : memref<10000x128xf32, #tpu.memory_space<vmem_shared>>)
        tpu.yield
      }) : () -> ()
      %add3A_325 = arith.constant 2 : i32
      %add3A_326 = arith.addi %mul3A_169, %add3A_325 : i32
      %lt3A_327 = arith.constant 89 : i32
      %lt3A_328 = arith.cmpi slt, %add3A_326, %lt3A_327 : i32
      %convert_element_type3A_329 = arith.extui %lt3A_328 : i1 to i32
      %cond3A_330 = arith.constant 0 : i32
      %cond3A_331 = arith.cmpi ne, %convert_element_type3A_329, %cond3A_330 : i32
      scf.if %cond3A_331 {
        %add3A_335 = arith.constant 2 : i32
        %add3A_336 = arith.addi %mul3A_169, %add3A_335 : i32
        %mul3A_337 = arith.constant 112 : i32
        %mul3A_338 = arith.muli %add3A_336, %mul3A_337 : i32
        %add3A_339 = arith.constant 0 : i32
        %add3A_340 = arith.addi %mul3A_338, %add3A_339 : i32
        %get3A_341 = arith.index_cast %add3A_340 : i32 to index
        %get3A_342 = tpu.vector_load %arg6[%get3A_341] {strides = array<i32>} : memref<10000xi32, #tpu.memory_space<vmem>>, vector<16xi32>,
        %get3A_343 = vector.shape_cast %get3A_342 : vector<16xi32> to vector<16xi32>
        %shift_right_logical3A_344 = arith.constant 14 : i32
        %shift_right_logical3A_345 = vector.broadcast %shift_right_logical3A_344 : i32 to vector<16xi32>
        %shift_right_logical3A_346 = arith.shrui %get3A_343, %shift_right_logical3A_345 : vector<16xi32>
        %swap3A_347 = arith.constant 0 : index
        %swap3A_348 = tpu.vector_load %arg7[%swap3A_347] {strides = array<i32>} : memref<112xi32, #tpu.memory_space<vmem>>, vector<16xi32>,
        %swap3A_349 = vector.shape_cast %swap3A_348 : vector<16xi32> to vector<16xi32>
        %swap3A_350 = vector.shape_cast %shift_right_logical3A_346 : vector<16xi32> to vector<16xi32>
        tpu.vector_store %arg7[%swap3A_347], %swap3A_350 {strides = array<i32>} : memref<112xi32, #tpu.memory_space<vmem>>, vector<16xi32>,
        %and3A_351 = arith.constant 16383 : i32
        %and3A_352 = vector.broadcast %and3A_351 : i32 to vector<16xi32>
        %and3A_353 = arith.andi %get3A_343, %and3A_352 : vector<16xi32>
        %swap3A_354 = arith.constant 0 : index
        %swap3A_355 = tpu.vector_load %arg8[%swap3A_354] {strides = array<i32>} : memref<112xi32, #tpu.memory_space<vmem>>, vector<16xi32>,
        %swap3A_356 = vector.shape_cast %swap3A_355 : vector<16xi32> to vector<16xi32>
        %swap3A_357 = vector.shape_cast %and3A_353 : vector<16xi32> to vector<16xi32>
        tpu.vector_store %arg8[%swap3A_354], %swap3A_357 {strides = array<i32>} : memref<112xi32, #tpu.memory_space<vmem>>, vector<16xi32>,
        %mul3A_358 = arith.constant 112 : i32
        %mul3A_359 = arith.muli %add3A_336, %mul3A_358 : i32
        %add3A_360 = arith.constant 16 : i32
        %add3A_361 = arith.addi %mul3A_359, %add3A_360 : i32
        %get3A_362 = arith.index_cast %add3A_361 : i32 to index
        %get3A_363 = tpu.vector_load %arg6[%get3A_362] {strides = array<i32>} : memref<10000xi32, #tpu.memory_space<vmem>>, vector<16xi32>,
        %get3A_364 = vector.shape_cast %get3A_363 : vector<16xi32> to vector<16xi32>
        %shift_right_logical3A_365 = arith.constant 14 : i32
        %shift_right_logical3A_366 = vector.broadcast %shift_right_logical3A_365 : i32 to vector<16xi32>
        %shift_right_logical3A_367 = arith.shrui %get3A_364, %shift_right_logical3A_366 : vector<16xi32>
        %swap3A_368 = arith.constant 16 : index
        %swap3A_369 = tpu.vector_load %arg7[%swap3A_368] {strides = array<i32>} : memref<112xi32, #tpu.memory_space<vmem>>, vector<16xi32>,
        %swap3A_370 = vector.shape_cast %swap3A_369 : vector<16xi32> to vector<16xi32>
        %swap3A_371 = vector.shape_cast %shift_right_logical3A_367 : vector<16xi32> to vector<16xi32>
        tpu.vector_store %arg7[%swap3A_368], %swap3A_371 {strides = array<i32>} : memref<112xi32, #tpu.memory_space<vmem>>, vector<16xi32>,
        %and3A_372 = arith.constant 16383 : i32
        %and3A_373 = vector.broadcast %and3A_372 : i32 to vector<16xi32>
        %and3A_374 = arith.andi %get3A_364, %and3A_373 : vector<16xi32>
        %swap3A_375 = arith.constant 16 : index
        %swap3A_376 = tpu.vector_load %arg8[%swap3A_375] {strides = array<i32>} : memref<112xi32, #tpu.memory_space<vmem>>, vector<16xi32>,
        %swap3A_377 = vector.shape_cast %swap3A_376 : vector<16xi32> to vector<16xi32>
        %swap3A_378 = vector.shape_cast %and3A_374 : vector<16xi32> to vector<16xi32>
        tpu.vector_store %arg8[%swap3A_375], %swap3A_378 {strides = array<i32>} : memref<112xi32, #tpu.memory_space<vmem>>, vector<16xi32>,
        %mul3A_379 = arith.constant 112 : i32
        %mul3A_380 = arith.muli %add3A_336, %mul3A_379 : i32
        %add3A_381 = arith.constant 32 : i32
        %add3A_382 = arith.addi %mul3A_380, %add3A_381 : i32
        %get3A_383 = arith.index_cast %add3A_382 : i32 to index
        %get3A_384 = tpu.vector_load %arg6[%get3A_383] {strides = array<i32>} : memref<10000xi32, #tpu.memory_space<vmem>>, vector<16xi32>,
        %get3A_385 = vector.shape_cast %get3A_384 : vector<16xi32> to vector<16xi32>
        %shift_right_logical3A_386 = arith.constant 14 : i32
        %shift_right_logical3A_387 = vector.broadcast %shift_right_logical3A_386 : i32 to vector<16xi32>
        %shift_right_logical3A_388 = arith.shrui %get3A_385, %shift_right_logical3A_387 : vector<16xi32>
        %swap3A_389 = arith.constant 32 : index
        %swap3A_390 = tpu.vector_load %arg7[%swap3A_389] {strides = array<i32>} : memref<112xi32, #tpu.memory_space<vmem>>, vector<16xi32>,
        %swap3A_391 = vector.shape_cast %swap3A_390 : vector<16xi32> to vector<16xi32>
        %swap3A_392 = vector.shape_cast %shift_right_logical3A_388 : vector<16xi32> to vector<16xi32>
        tpu.vector_store %arg7[%swap3A_389], %swap3A_392 {strides = array<i32>} : memref<112xi32, #tpu.memory_space<vmem>>, vector<16xi32>,
        %and3A_393 = arith.constant 16383 : i32
        %and3A_394 = vector.broadcast %and3A_393 : i32 to vector<16xi32>
        %and3A_395 = arith.andi %get3A_385, %and3A_394 : vector<16xi32>
        %swap3A_396 = arith.constant 32 : index
        %swap3A_397 = tpu.vector_load %arg8[%swap3A_396] {strides = array<i32>} : memref<112xi32, #tpu.memory_space<vmem>>, vector<16xi32>,
        %swap3A_398 = vector.shape_cast %swap3A_397 : vector<16xi32> to vector<16xi32>
        %swap3A_399 = vector.shape_cast %and3A_395 : vector<16xi32> to vector<16xi32>
        tpu.vector_store %arg8[%swap3A_396], %swap3A_399 {strides = array<i32>} : memref<112xi32, #tpu.memory_space<vmem>>, vector<16xi32>,
        %mul3A_400 = arith.constant 112 : i32
        %mul3A_401 = arith.muli %add3A_336, %mul3A_400 : i32
        %add3A_402 = arith.constant 48 : i32
        %add3A_403 = arith.addi %mul3A_401, %add3A_402 : i32
        %get3A_404 = arith.index_cast %add3A_403 : i32 to index
        %get3A_405 = tpu.vector_load %arg6[%get3A_404] {strides = array<i32>} : memref<10000xi32, #tpu.memory_space<vmem>>, vector<16xi32>,
        %get3A_406 = vector.shape_cast %get3A_405 : vector<16xi32> to vector<16xi32>
        %shift_right_logical3A_407 = arith.constant 14 : i32
        %shift_right_logical3A_408 = vector.broadcast %shift_right_logical3A_407 : i32 to vector<16xi32>
        %shift_right_logical3A_409 = arith.shrui %get3A_406, %shift_right_logical3A_408 : vector<16xi32>
        %swap3A_410 = arith.constant 48 : index
        %swap3A_411 = tpu.vector_load %arg7[%swap3A_410] {strides = array<i32>} : memref<112xi32, #tpu.memory_space<vmem>>, vector<16xi32>,
        %swap3A_412 = vector.shape_cast %swap3A_411 : vector<16xi32> to vector<16xi32>
        %swap3A_413 = vector.shape_cast %shift_right_logical3A_409 : vector<16xi32> to vector<16xi32>
        tpu.vector_store %arg7[%swap3A_410], %swap3A_413 {strides = array<i32>} : memref<112xi32, #tpu.memory_space<vmem>>, vector<16xi32>,
        %and3A_414 = arith.constant 16383 : i32
        %and3A_415 = vector.broadcast %and3A_414 : i32 to vector<16xi32>
        %and3A_416 = arith.andi %get3A_406, %and3A_415 : vector<16xi32>
        %swap3A_417 = arith.constant 48 : index
        %swap3A_418 = tpu.vector_load %arg8[%swap3A_417] {strides = array<i32>} : memref<112xi32, #tpu.memory_space<vmem>>, vector<16xi32>,
        %swap3A_419 = vector.shape_cast %swap3A_418 : vector<16xi32> to vector<16xi32>
        %swap3A_420 = vector.shape_cast %and3A_416 : vector<16xi32> to vector<16xi32>
        tpu.vector_store %arg8[%swap3A_417], %swap3A_420 {strides = array<i32>} : memref<112xi32, #tpu.memory_space<vmem>>, vector<16xi32>,
        %mul3A_421 = arith.constant 112 : i32
        %mul3A_422 = arith.muli %add3A_336, %mul3A_421 : i32
        %add3A_423 = arith.constant 64 : i32
        %add3A_424 = arith.addi %mul3A_422, %add3A_423 : i32
        %get3A_425 = arith.index_cast %add3A_424 : i32 to index
        %get3A_426 = tpu.vector_load %arg6[%get3A_425] {strides = array<i32>} : memref<10000xi32, #tpu.memory_space<vmem>>, vector<16xi32>,
        %get3A_427 = vector.shape_cast %get3A_426 : vector<16xi32> to vector<16xi32>
        %shift_right_logical3A_428 = arith.constant 14 : i32
        %shift_right_logical3A_429 = vector.broadcast %shift_right_logical3A_428 : i32 to vector<16xi32>
        %shift_right_logical3A_430 = arith.shrui %get3A_427, %shift_right_logical3A_429 : vector<16xi32>
        %swap3A_431 = arith.constant 64 : index
        %swap3A_432 = tpu.vector_load %arg7[%swap3A_431] {strides = array<i32>} : memref<112xi32, #tpu.memory_space<vmem>>, vector<16xi32>,
        %swap3A_433 = vector.shape_cast %swap3A_432 : vector<16xi32> to vector<16xi32>
        %swap3A_434 = vector.shape_cast %shift_right_logical3A_430 : vector<16xi32> to vector<16xi32>
        tpu.vector_store %arg7[%swap3A_431], %swap3A_434 {strides = array<i32>} : memref<112xi32, #tpu.memory_space<vmem>>, vector<16xi32>,
        %and3A_435 = arith.constant 16383 : i32
        %and3A_436 = vector.broadcast %and3A_435 : i32 to vector<16xi32>
        %and3A_437 = arith.andi %get3A_427, %and3A_436 : vector<16xi32>
        %swap3A_438 = arith.constant 64 : index
        %swap3A_439 = tpu.vector_load %arg8[%swap3A_438] {strides = array<i32>} : memref<112xi32, #tpu.memory_space<vmem>>, vector<16xi32>,
        %swap3A_440 = vector.shape_cast %swap3A_439 : vector<16xi32> to vector<16xi32>
        %swap3A_441 = vector.shape_cast %and3A_437 : vector<16xi32> to vector<16xi32>
        tpu.vector_store %arg8[%swap3A_438], %swap3A_441 {strides = array<i32>} : memref<112xi32, #tpu.memory_space<vmem>>, vector<16xi32>,
        %mul3A_442 = arith.constant 112 : i32
        %mul3A_443 = arith.muli %add3A_336, %mul3A_442 : i32
        %add3A_444 = arith.constant 80 : i32
        %add3A_445 = arith.addi %mul3A_443, %add3A_444 : i32
        %get3A_446 = arith.index_cast %add3A_445 : i32 to index
        %get3A_447 = tpu.vector_load %arg6[%get3A_446] {strides = array<i32>} : memref<10000xi32, #tpu.memory_space<vmem>>, vector<16xi32>,
        %get3A_448 = vector.shape_cast %get3A_447 : vector<16xi32> to vector<16xi32>
        %shift_right_logical3A_449 = arith.constant 14 : i32
        %shift_right_logical3A_450 = vector.broadcast %shift_right_logical3A_449 : i32 to vector<16xi32>
        %shift_right_logical3A_451 = arith.shrui %get3A_448, %shift_right_logical3A_450 : vector<16xi32>
        %swap3A_452 = arith.constant 80 : index
        %swap3A_453 = tpu.vector_load %arg7[%swap3A_452] {strides = array<i32>} : memref<112xi32, #tpu.memory_space<vmem>>, vector<16xi32>,
        %swap3A_454 = vector.shape_cast %swap3A_453 : vector<16xi32> to vector<16xi32>
        %swap3A_455 = vector.shape_cast %shift_right_logical3A_451 : vector<16xi32> to vector<16xi32>
        tpu.vector_store %arg7[%swap3A_452], %swap3A_455 {strides = array<i32>} : memref<112xi32, #tpu.memory_space<vmem>>, vector<16xi32>,
        %and3A_456 = arith.constant 16383 : i32
        %and3A_457 = vector.broadcast %and3A_456 : i32 to vector<16xi32>
        %and3A_458 = arith.andi %get3A_448, %and3A_457 : vector<16xi32>
        %swap3A_459 = arith.constant 80 : index
        %swap3A_460 = tpu.vector_load %arg8[%swap3A_459] {strides = array<i32>} : memref<112xi32, #tpu.memory_space<vmem>>, vector<16xi32>,
        %swap3A_461 = vector.shape_cast %swap3A_460 : vector<16xi32> to vector<16xi32>
        %swap3A_462 = vector.shape_cast %and3A_458 : vector<16xi32> to vector<16xi32>
        tpu.vector_store %arg8[%swap3A_459], %swap3A_462 {strides = array<i32>} : memref<112xi32, #tpu.memory_space<vmem>>, vector<16xi32>,
        %mul3A_463 = arith.constant 112 : i32
        %mul3A_464 = arith.muli %add3A_336, %mul3A_463 : i32
        %add3A_465 = arith.constant 96 : i32
        %add3A_466 = arith.addi %mul3A_464, %add3A_465 : i32
        %get3A_467 = arith.index_cast %add3A_466 : i32 to index
        %get3A_468 = tpu.vector_load %arg6[%get3A_467] {strides = array<i32>} : memref<10000xi32, #tpu.memory_space<vmem>>, vector<16xi32>,
        %get3A_469 = vector.shape_cast %get3A_468 : vector<16xi32> to vector<16xi32>
        %shift_right_logical3A_470 = arith.constant 14 : i32
        %shift_right_logical3A_471 = vector.broadcast %shift_right_logical3A_470 : i32 to vector<16xi32>
        %shift_right_logical3A_472 = arith.shrui %get3A_469, %shift_right_logical3A_471 : vector<16xi32>
        %swap3A_473 = arith.constant 96 : index
        %swap3A_474 = tpu.vector_load %arg7[%swap3A_473] {strides = array<i32>} : memref<112xi32, #tpu.memory_space<vmem>>, vector<16xi32>,
        %swap3A_475 = vector.shape_cast %swap3A_474 : vector<16xi32> to vector<16xi32>
        %swap3A_476 = vector.shape_cast %shift_right_logical3A_472 : vector<16xi32> to vector<16xi32>
        tpu.vector_store %arg7[%swap3A_473], %swap3A_476 {strides = array<i32>} : memref<112xi32, #tpu.memory_space<vmem>>, vector<16xi32>,
        %and3A_477 = arith.constant 16383 : i32
        %and3A_478 = vector.broadcast %and3A_477 : i32 to vector<16xi32>
        %and3A_479 = arith.andi %get3A_469, %and3A_478 : vector<16xi32>
        %swap3A_480 = arith.constant 96 : index
        %swap3A_481 = tpu.vector_load %arg8[%swap3A_480] {strides = array<i32>} : memref<112xi32, #tpu.memory_space<vmem>>, vector<16xi32>,
        %swap3A_482 = vector.shape_cast %swap3A_481 : vector<16xi32> to vector<16xi32>
        %swap3A_483 = vector.shape_cast %and3A_479 : vector<16xi32> to vector<16xi32>
        tpu.vector_store %arg8[%swap3A_480], %swap3A_483 {strides = array<i32>} : memref<112xi32, #tpu.memory_space<vmem>>, vector<16xi32>,
        %dma_start3A_484 = arith.constant 0 : i32
        %dma_start3A_485 = arith.constant 0 : i32
        %dma_start3A_486 = tpu.memref_slice %arg3[%dma_start3A_484, %dma_start3A_485] : memref<10000x128xf32, #tpu.memory_space<hbm>> -> memref<10000x128xf32, #tpu.memory_space<hbm>>
        tpu.enqueue_indirect_dma source(%dma_start3A_486 : memref<10000x128xf32, #tpu.memory_space<hbm>>) target(%arg13 : memref<112x128xf32, #tpu.memory_space<vmem>>) offsets(%arg8 : memref<112xi32, #tpu.memory_space<vmem>>) semaphore(%arg16 : memref<!tpu.dma_semaphore, #tpu.memory_space<semaphore_mem>>)
      } else {
      }
      %dma_wait3A_332 = arith.constant 0 : i32
      %dma_wait3A_333 = arith.constant 0 : i32
      %dma_wait3A_334 = tpu.memref_slice %arg3[%dma_wait3A_332, %dma_wait3A_333] : memref<10000x128xf32, #tpu.memory_space<hbm>> -> memref<10000x128xf32, #tpu.memory_space<hbm>>
      tpu.wait_indirect_dma semaphore(%arg17 : memref<!tpu.dma_semaphore, #tpu.memory_space<semaphore_mem>>) src(%dma_wait3A_334 : memref<10000x128xf32, #tpu.memory_space<hbm>>) dst(%arg14 : memref<112x128xf32, #tpu.memory_space<vmem>>)
      "tpu.region"() ({
        %run_scoped3A = tpu.sem_alloc : memref<!tpu.dma_semaphore, #tpu.memory_space<semaphore_mem>>
        %dma_start3A_335 = arith.constant 0 : i32
        %dma_start3A_336 = arith.constant 0 : i32
        %dma_start3A_337 = tpu.memref_slice %arg15[%dma_start3A_335, %dma_start3A_336] : memref<10000x128xf32, #tpu.memory_space<vmem_shared>> -> memref<10000x128xf32, #tpu.memory_space<vmem_shared>>
        tpu.enqueue_indirect_dma source(%arg14 : memref<112x128xf32, #tpu.memory_space<vmem>>) target(%dma_start3A_337 : memref<10000x128xf32, #tpu.memory_space<vmem_shared>>) offsets(%arg9 : memref<112xi32, #tpu.memory_space<vmem>>) semaphore(%run_scoped3A : memref<!tpu.dma_semaphore, #tpu.memory_space<semaphore_mem>>) {add = true}
        %dma_wait3A_338 = arith.constant 0 : i32
        %dma_wait3A_339 = arith.constant 0 : i32
        %dma_wait3A_340 = tpu.memref_slice %arg15[%dma_wait3A_338, %dma_wait3A_339] : memref<10000x128xf32, #tpu.memory_space<vmem_shared>> -> memref<10000x128xf32, #tpu.memory_space<vmem_shared>>
        tpu.wait_indirect_dma semaphore(%run_scoped3A : memref<!tpu.dma_semaphore, #tpu.memory_space<semaphore_mem>>) src(%arg14 : memref<112x128xf32, #tpu.memory_space<vmem>>) dst(%dma_wait3A_340 : memref<10000x128xf32, #tpu.memory_space<vmem_shared>>)
        tpu.yield
      }) : () -> ()
    }
    %scan3A_124 = arith.constant 44 : i32
    %dma_wait3A = arith.constant 0 : i32
    %dma_wait3A_125 = arith.constant 0 : i32
    %dma_wait3A_126 = tpu.memref_slice %arg3[%dma_wait3A, %dma_wait3A_125] : memref<10000x128xf32, #tpu.memory_space<hbm>> -> memref<10000x128xf32, #tpu.memory_space<hbm>>
    tpu.wait_indirect_dma semaphore(%arg16 : memref<!tpu.dma_semaphore, #tpu.memory_space<semaphore_mem>>) src(%dma_wait3A_126 : memref<10000x128xf32, #tpu.memory_space<hbm>>) dst(%arg13 : memref<112x128xf32, #tpu.memory_space<vmem>>)
    "tpu.region"() ({
      %run_scoped3A = tpu.sem_alloc : memref<!tpu.dma_semaphore, #tpu.memory_space<semaphore_mem>>
      %dma_start3A_167 = arith.constant 0 : i32
      %dma_start3A_168 = arith.constant 0 : i32
      %dma_start3A_169 = tpu.memref_slice %arg15[%dma_start3A_167, %dma_start3A_168] : memref<10000x128xf32, #tpu.memory_space<vmem_shared>> -> memref<10000x128xf32, #tpu.memory_space<vmem_shared>>
      tpu.enqueue_indirect_dma source(%arg13 : memref<112x128xf32, #tpu.memory_space<vmem>>) target(%dma_start3A_169 : memref<10000x128xf32, #tpu.memory_space<vmem_shared>>) offsets(%arg7 : memref<112xi32, #tpu.memory_space<vmem>>) semaphore(%run_scoped3A : memref<!tpu.dma_semaphore, #tpu.memory_space<semaphore_mem>>) {add = true}
      %dma_wait3A_170 = arith.constant 0 : i32
      %dma_wait3A_171 = arith.constant 0 : i32
      %dma_wait3A_172 = tpu.memref_slice %arg15[%dma_wait3A_170, %dma_wait3A_171] : memref<10000x128xf32, #tpu.memory_space<vmem_shared>> -> memref<10000x128xf32, #tpu.memory_space<vmem_shared>>
      tpu.wait_indirect_dma semaphore(%run_scoped3A : memref<!tpu.dma_semaphore, #tpu.memory_space<semaphore_mem>>) src(%arg13 : memref<112x128xf32, #tpu.memory_space<vmem>>) dst(%dma_wait3A_172 : memref<10000x128xf32, #tpu.memory_space<vmem_shared>>)
      tpu.yield
    }) : () -> ()
    %get3A_127 = arith.constant 9968 : index
    %get3A_128 = tpu.vector_load %arg6[%get3A_127] {strides = array<i32>} : memref<10000xi32, #tpu.memory_space<vmem>>, vector<16xi32>,
    %get3A_129 = vector.shape_cast %get3A_128 : vector<16xi32> to vector<16xi32>
    %shift_right_logical3A_130 = arith.constant 14 : i32
    %shift_right_logical3A_131 = vector.broadcast %shift_right_logical3A_130 : i32 to vector<16xi32>
    %shift_right_logical3A_132 = arith.shrui %get3A_129, %shift_right_logical3A_131 : vector<16xi32>
    %swap3A_133 = arith.constant 0 : index
    %swap3A_134 = tpu.vector_load %arg11[%swap3A_133] {strides = array<i32>} : memref<32xi32, #tpu.memory_space<vmem>>, vector<16xi32>,
    %swap3A_135 = vector.shape_cast %swap3A_134 : vector<16xi32> to vector<16xi32>
    %swap3A_136 = vector.shape_cast %shift_right_logical3A_132 : vector<16xi32> to vector<16xi32>
    tpu.vector_store %arg11[%swap3A_133], %swap3A_136 {strides = array<i32>} : memref<32xi32, #tpu.memory_space<vmem>>, vector<16xi32>,
    %and3A_137 = arith.constant 16383 : i32
    %and3A_138 = vector.broadcast %and3A_137 : i32 to vector<16xi32>
    %and3A_139 = arith.andi %get3A_129, %and3A_138 : vector<16xi32>
    %swap3A_140 = arith.constant 0 : index
    %swap3A_141 = tpu.vector_load %arg12[%swap3A_140] {strides = array<i32>} : memref<32xi32, #tpu.memory_space<vmem>>, vector<16xi32>,
    %swap3A_142 = vector.shape_cast %swap3A_141 : vector<16xi32> to vector<16xi32>
    %swap3A_143 = vector.shape_cast %and3A_139 : vector<16xi32> to vector<16xi32>
    tpu.vector_store %arg12[%swap3A_140], %swap3A_143 {strides = array<i32>} : memref<32xi32, #tpu.memory_space<vmem>>, vector<16xi32>,
    %get3A_144 = arith.constant 9984 : index
    %get3A_145 = tpu.vector_load %arg6[%get3A_144] {strides = array<i32>} : memref<10000xi32, #tpu.memory_space<vmem>>, vector<16xi32>,
    %get3A_146 = vector.shape_cast %get3A_145 : vector<16xi32> to vector<16xi32>
    %shift_right_logical3A_147 = arith.constant 14 : i32
    %shift_right_logical3A_148 = vector.broadcast %shift_right_logical3A_147 : i32 to vector<16xi32>
    %shift_right_logical3A_149 = arith.shrui %get3A_146, %shift_right_logical3A_148 : vector<16xi32>
    %swap3A_150 = arith.constant 16 : index
    %swap3A_151 = tpu.vector_load %arg11[%swap3A_150] {strides = array<i32>} : memref<32xi32, #tpu.memory_space<vmem>>, vector<16xi32>,
    %swap3A_152 = vector.shape_cast %swap3A_151 : vector<16xi32> to vector<16xi32>
    %swap3A_153 = vector.shape_cast %shift_right_logical3A_149 : vector<16xi32> to vector<16xi32>
    tpu.vector_store %arg11[%swap3A_150], %swap3A_153 {strides = array<i32>} : memref<32xi32, #tpu.memory_space<vmem>>, vector<16xi32>,
    %and3A_154 = arith.constant 16383 : i32
    %and3A_155 = vector.broadcast %and3A_154 : i32 to vector<16xi32>
    %and3A_156 = arith.andi %get3A_146, %and3A_155 : vector<16xi32>
    %swap3A_157 = arith.constant 16 : index
    %swap3A_158 = tpu.vector_load %arg12[%swap3A_157] {strides = array<i32>} : memref<32xi32, #tpu.memory_space<vmem>>, vector<16xi32>,
    %swap3A_159 = vector.shape_cast %swap3A_158 : vector<16xi32> to vector<16xi32>
    %swap3A_160 = vector.shape_cast %and3A_156 : vector<16xi32> to vector<16xi32>
    tpu.vector_store %arg12[%swap3A_157], %swap3A_160 {strides = array<i32>} : memref<32xi32, #tpu.memory_space<vmem>>, vector<16xi32>,
    "tpu.region"() ({
      %run_scoped3A = tpu.sem_alloc : memref<!tpu.dma_semaphore, #tpu.memory_space<semaphore_mem>>
      %dma_start3A_167 = arith.constant 0 : i32
      %dma_start3A_168 = arith.constant 0 : i32
      %dma_start3A_169 = tpu.memref_slice %arg13[%dma_start3A_167, %dma_start3A_168] : memref<112x128xf32, #tpu.memory_space<vmem>> -> memref<32x128xf32, #tpu.memory_space<vmem>>
      %dma_start3A_170 = arith.constant 0 : i32
      %dma_start3A_171 = arith.constant 0 : i32
      %dma_start3A_172 = tpu.memref_slice %arg3[%dma_start3A_170, %dma_start3A_171] : memref<10000x128xf32, #tpu.memory_space<hbm>> -> memref<10000x128xf32, #tpu.memory_space<hbm>>
      tpu.enqueue_indirect_dma source(%dma_start3A_172 : memref<10000x128xf32, #tpu.memory_space<hbm>>) target(%dma_start3A_169 : memref<32x128xf32, #tpu.memory_space<vmem>>) offsets(%arg12 : memref<32xi32, #tpu.memory_space<vmem>>) semaphore(%run_scoped3A : memref<!tpu.dma_semaphore, #tpu.memory_space<semaphore_mem>>)
      %dma_wait3A_173 = arith.constant 0 : i32
      %dma_wait3A_174 = arith.constant 0 : i32
      %dma_wait3A_175 = tpu.memref_slice %arg13[%dma_wait3A_173, %dma_wait3A_174] : memref<112x128xf32, #tpu.memory_space<vmem>> -> memref<32x128xf32, #tpu.memory_space<vmem>>
      %dma_wait3A_176 = arith.constant 0 : i32
      %dma_wait3A_177 = arith.constant 0 : i32
      %dma_wait3A_178 = tpu.memref_slice %arg3[%dma_wait3A_176, %dma_wait3A_177] : memref<10000x128xf32, #tpu.memory_space<hbm>> -> memref<10000x128xf32, #tpu.memory_space<hbm>>
      tpu.wait_indirect_dma semaphore(%run_scoped3A : memref<!tpu.dma_semaphore, #tpu.memory_space<semaphore_mem>>) src(%dma_wait3A_178 : memref<10000x128xf32, #tpu.memory_space<hbm>>) dst(%dma_wait3A_175 : memref<32x128xf32, #tpu.memory_space<vmem>>)
      tpu.yield
    }) : () -> ()
    "tpu.region"() ({
      %run_scoped3A = tpu.sem_alloc : memref<!tpu.dma_semaphore, #tpu.memory_space<semaphore_mem>>
      %dma_start3A_167 = arith.constant 0 : i32
      %dma_start3A_168 = arith.constant 0 : i32
      %dma_start3A_169 = tpu.memref_slice %arg13[%dma_start3A_167, %dma_start3A_168] : memref<112x128xf32, #tpu.memory_space<vmem>> -> memref<32x128xf32, #tpu.memory_space<vmem>>
      %dma_start3A_170 = arith.constant 0 : i32
      %dma_start3A_171 = arith.constant 0 : i32
      %dma_start3A_172 = tpu.memref_slice %arg15[%dma_start3A_170, %dma_start3A_171] : memref<10000x128xf32, #tpu.memory_space<vmem_shared>> -> memref<10000x128xf32, #tpu.memory_space<vmem_shared>>
      tpu.enqueue_indirect_dma source(%dma_start3A_169 : memref<32x128xf32, #tpu.memory_space<vmem>>) target(%dma_start3A_172 : memref<10000x128xf32, #tpu.memory_space<vmem_shared>>) offsets(%arg11 : memref<32xi32, #tpu.memory_space<vmem>>) semaphore(%run_scoped3A : memref<!tpu.dma_semaphore, #tpu.memory_space<semaphore_mem>>) {add = true}
      %dma_wait3A_173 = arith.constant 0 : i32
      %dma_wait3A_174 = arith.constant 0 : i32
      %dma_wait3A_175 = tpu.memref_slice %arg13[%dma_wait3A_173, %dma_wait3A_174] : memref<112x128xf32, #tpu.memory_space<vmem>> -> memref<32x128xf32, #tpu.memory_space<vmem>>
      %dma_wait3A_176 = arith.constant 0 : i32
      %dma_wait3A_177 = arith.constant 0 : i32
      %dma_wait3A_178 = tpu.memref_slice %arg15[%dma_wait3A_176, %dma_wait3A_177] : memref<10000x128xf32, #tpu.memory_space<vmem_shared>> -> memref<10000x128xf32, #tpu.memory_space<vmem_shared>>
      tpu.wait_indirect_dma semaphore(%run_scoped3A : memref<!tpu.dma_semaphore, #tpu.memory_space<semaphore_mem>>) src(%dma_wait3A_175 : memref<32x128xf32, #tpu.memory_space<vmem>>) dst(%dma_wait3A_178 : memref<10000x128xf32, #tpu.memory_space<vmem_shared>>)
      tpu.yield
    }) : () -> ()
    %barrier3A_161 = arith.constant 0 : index
    tpu.barrier barrier_id(%barrier3A_161)
    %lt3A_162 = arith.constant 10 : i32
    %lt3A_163 = arith.cmpi slt, %arg1, %lt3A_162 : i32
    %convert_element_type3A_164 = arith.extui %lt3A_163 : i1 to i32
    %cond3A_165 = arith.constant 0 : i32
    %cond3A_166 = arith.cmpi ne, %convert_element_type3A_164, %cond3A_165 : i32
    scf.if %cond3A_166 {
      %mul3A_167 = arith.constant 1000 : i32
      %mul3A_168 = arith.muli %arg1, %mul3A_167 : i32
      %mul3A_169 = arith.constant 1000 : i32
      %mul3A_170 = arith.muli %arg1, %mul3A_169 : i32
      "tpu.region"() ({
        %run_scoped3A = tpu.sem_alloc : memref<!tpu.dma_semaphore, #tpu.memory_space<semaphore_mem>>
        %dma_start3A_171 = arith.constant 0 : i32
        %dma_start3A_172 = tpu.memref_slice %arg5[%arg0, %mul3A_170, %dma_start3A_171] : memref<2x10000x128xf32, #tpu.memory_space<hbm>> -> memref<1x1000x128xf32, #tpu.memory_space<hbm>>
        %dma_start3A_173 = tpu.memref_squeeze %dma_start3A_172 : memref<1x1000x128xf32, #tpu.memory_space<hbm>> -> memref<1000x128xf32, #tpu.memory_space<hbm>>
        %dma_start3A_174 = arith.constant 0 : i32
        %dma_start3A_175 = tpu.memref_slice %arg15[%mul3A_168, %dma_start3A_174] : memref<10000x128xf32, #tpu.memory_space<vmem_shared>> -> memref<1000x128xf32, #tpu.memory_space<vmem_shared>>
        tpu.enqueue_dma source(%dma_start3A_175 : memref<1000x128xf32, #tpu.memory_space<vmem_shared>>) target(%dma_start3A_173 : memref<1000x128xf32, #tpu.memory_space<hbm>>) target_semaphore(%run_scoped3A : memref<!tpu.dma_semaphore, #tpu.memory_space<semaphore_mem>>)
        %dma_wait3A_176 = arith.constant 0 : i32
        %dma_wait3A_177 = tpu.memref_slice %arg5[%arg0, %mul3A_170, %dma_wait3A_176] : memref<2x10000x128xf32, #tpu.memory_space<hbm>> -> memref<1x1000x128xf32, #tpu.memory_space<hbm>>
        %dma_wait3A_178 = tpu.memref_squeeze %dma_wait3A_177 : memref<1x1000x128xf32, #tpu.memory_space<hbm>> -> memref<1000x128xf32, #tpu.memory_space<hbm>>
        %dma_wait3A_179 = arith.constant 0 : i32
        %dma_wait3A_180 = tpu.memref_slice %arg15[%mul3A_168, %dma_wait3A_179] : memref<10000x128xf32, #tpu.memory_space<vmem_shared>> -> memref<1000x128xf32, #tpu.memory_space<vmem_shared>>
        tpu.wait_dma2 semaphore(%run_scoped3A : memref<!tpu.dma_semaphore, #tpu.memory_space<semaphore_mem>>) src(%dma_wait3A_180 : memref<1000x128xf32, #tpu.memory_space<vmem_shared>>) dst(%dma_wait3A_178 : memref<1000x128xf32, #tpu.memory_space<hbm>>)
        tpu.yield
      }) : () -> ()
    } else {
    }
    return
  }
}

module attributes {stable_mosaic.version = 14 : i64} {
  func.func @_tc_prep_body(%arg0: i32, %arg1: memref<10000x2xf32, #tpu.memory_space<vmem>>, %arg2: memref<10000x128xf32, #tpu.memory_space<vmem>>, %arg3: memref<128x128xf32, #tpu.memory_space<vmem>>, %arg4: memref<1x128xf32, #tpu.memory_space<vmem>>, %arg5: memref<10000x1xf32, #tpu.memory_space<vmem>>, %arg6: memref<10000x128xf32, #tpu.memory_space<vmem>>, %arg7: memref<10000x128xf32, #tpu.memory_space<vmem>>) attributes {dimension_semantics = [#tpu.dimension_semantics<arbitrary>], iteration_bounds = array<i64: 1>, scalar_prefetch = 0 : i64, scratch_operands = 0 : i64, tpu.core_type = #tpu.core_type<tc>, window_params = [{transform_indices = @transform_0, window_bounds = array<i64: 10000, 2>}, {transform_indices = @transform_1, window_bounds = array<i64: 10000, 128>}, {pipeline_mode = #tpu.pipeline_mode<synchronous>, transform_indices = @transform_2, window_bounds = array<i64: 128, 128>}, {pipeline_mode = #tpu.pipeline_mode<synchronous>, transform_indices = @transform_3, window_bounds = array<i64: 1, 128>}, {transform_indices = @transform_4, window_bounds = array<i64: 10000, 1>}, {transform_indices = @transform_5, window_bounds = array<i64: 10000, 128>}, {transform_indices = @transform_6, window_bounds = array<i64: 10000, 128>}]} {
    %get3A = arith.constant 0 : index
    %get3A_0 = arith.constant 0 : index
    %get3A_1 = vector.load %arg1[%get3A, %get3A_0] : memref<10000x2xf32, #tpu.memory_space<vmem>>, vector<10000x1xf32>
    %get3A_2 = arith.constant 0 : index
    %get3A_3 = arith.constant 1 : index
    %get3A_4 = vector.load %arg1[%get3A_2, %get3A_3] : memref<10000x2xf32, #tpu.memory_space<vmem>>, vector<10000x1xf32>
    %add3A = arith.addf %get3A_1, %get3A_4 : vector<10000x1xf32>
    %gt3A = arith.constant 0.000000e+00 : f32
    %gt3A_5 = vector.broadcast %gt3A : f32 to vector<10000x1xf32>
    %gt3A_6 = arith.cmpf ogt, %add3A, %gt3A_5 : vector<10000x1xf32>
    %max3A = arith.constant 9.99999996E-13 : f32
    %max3A_7 = vector.broadcast %max3A : f32 to vector<10000x1xf32>
    %max3A_8 = arith.maximumf %add3A, %max3A_7 : vector<10000x1xf32>
    %rsqrt3A = math.rsqrt %max3A_8 : vector<10000x1xf32>
    %jit3A = arith.constant 0.000000e+00 : f32
    %broadcast_in_dim3A = vector.broadcast %jit3A : f32 to vector<10000x1xf32>
    %select_n3A = arith.select %gt3A_6, %rsqrt3A, %broadcast_in_dim3A : vector<10000x1xi1>, vector<10000x1xf32>
    %get3A_9 = arith.constant 0 : index
    %get3A_10 = arith.constant 0 : index
    %get3A_11 = vector.load %arg2[%get3A_9, %get3A_10] : memref<10000x128xf32, #tpu.memory_space<vmem>>, vector<10000x128xf32>
    %get3A_12 = arith.constant 0 : index
    %get3A_13 = arith.constant 0 : index
    %get3A_14 = vector.load %arg3[%get3A_12, %get3A_13] : memref<128x128xf32, #tpu.memory_space<vmem>>, vector<128x128xf32>
    %dot_general3A = arith.constant dense<0.000000e+00> : vector<10000x128xf32>
    %dot_general3A_15 = tpu.matmul %get3A_11, %get3A_14, %dot_general3A {dimension_numbers = #tpu.dot_dimension_numbers<[1], [1], [0], [0], [0, 0, 1, 0], [], []>, transpose_lhs_hint = false} : vector<10000x128xf32>, vector<128x128xf32>, vector<10000x128xf32> -> vector<10000x128xf32>
    %get3A_16 = arith.constant 0 : index
    %get3A_17 = arith.constant 0 : index
    %get3A_18 = vector.load %arg4[%get3A_16, %get3A_17] : memref<1x128xf32, #tpu.memory_space<vmem>>, vector<1x128xf32>
    %add3A_19 = vector.broadcast %get3A_18 : vector<1x128xf32> to vector<10000x128xf32>
    %add3A_20 = arith.addf %dot_general3A_15, %add3A_19 : vector<10000x128xf32>
    %swap3A = arith.constant 0 : index
    %swap3A_21 = arith.constant 0 : index
    %swap3A_22 = vector.load %arg5[%swap3A, %swap3A_21] : memref<10000x1xf32, #tpu.memory_space<vmem>>, vector<10000x1xf32>
    tpu.vector_store %arg5[%swap3A, %swap3A_21], %select_n3A {strides = array<i32>} : memref<10000x1xf32, #tpu.memory_space<vmem>>, vector<10000x1xf32>,
    %swap3A_23 = arith.constant 0 : index
    %swap3A_24 = arith.constant 0 : index
    %swap3A_25 = vector.load %arg6[%swap3A_23, %swap3A_24] : memref<10000x128xf32, #tpu.memory_space<vmem>>, vector<10000x128xf32>
    tpu.vector_store %arg6[%swap3A_23, %swap3A_24], %add3A_20 {strides = array<i32>} : memref<10000x128xf32, #tpu.memory_space<vmem>>, vector<10000x128xf32>,
    %mul3A = vector.broadcast %select_n3A : vector<10000x1xf32> to vector<10000x128xf32>
    %mul3A_26 = arith.mulf %add3A_20, %mul3A : vector<10000x128xf32>
    %swap3A_27 = arith.constant 0 : index
    %swap3A_28 = arith.constant 0 : index
    %swap3A_29 = vector.load %arg7[%swap3A_27, %swap3A_28] : memref<10000x128xf32, #tpu.memory_space<vmem>>, vector<10000x128xf32>
    tpu.vector_store %arg7[%swap3A_27, %swap3A_28], %mul3A_26 {strides = array<i32>} : memref<10000x128xf32, #tpu.memory_space<vmem>>, vector<10000x128xf32>,
    return
  }
  func.func @transform_0(%arg0: i32) -> (i32, i32) {
    %c0_i32 = arith.constant 0 : i32
    %c0_i32_0 = arith.constant 0 : i32
    return %arg0, %c0_i32 : i32, i32
  }
  func.func @transform_1(%arg0: i32) -> (i32, i32) {
    %c0_i32 = arith.constant 0 : i32
    %c0_i32_0 = arith.constant 0 : i32
    return %arg0, %c0_i32 : i32, i32
  }
  func.func @transform_2(%arg0: i32) -> (i32, i32) {
    %c0_i32 = arith.constant 0 : i32
    %c0_i32_0 = arith.constant 0 : i32
    %c0_i32_1 = arith.constant 0 : i32
    return %c0_i32, %c0_i32_0 : i32, i32
  }
  func.func @transform_3(%arg0: i32) -> (i32, i32) {
    %c0_i32 = arith.constant 0 : i32
    %c0_i32_0 = arith.constant 0 : i32
    %c0_i32_1 = arith.constant 0 : i32
    return %c0_i32, %c0_i32_0 : i32, i32
  }
  func.func @transform_4(%arg0: i32) -> (i32, i32) {
    %c0_i32 = arith.constant 0 : i32
    %c0_i32_0 = arith.constant 0 : i32
    return %arg0, %c0_i32 : i32, i32
  }
  func.func @transform_5(%arg0: i32) -> (i32, i32) {
    %c0_i32 = arith.constant 0 : i32
    %c0_i32_0 = arith.constant 0 : i32
    return %arg0, %c0_i32 : i32, i32
  }
  func.func @transform_6(%arg0: i32) -> (i32, i32) {
    %c0_i32 = arith.constant 0 : i32
    %c0_i32_0 = arith.constant 0 : i32
    return %arg0, %c0_i32 : i32, i32
  }
}

module attributes {stable_mosaic.version = 14 : i64} {
  func.func @_tc_layer_body(%arg0: i32, %arg1: memref<2x10000x128xf32, #tpu.memory_space<vmem>>, %arg2: memref<10000x1xf32, #tpu.memory_space<vmem>>, %arg3: memref<128x128xf32, #tpu.memory_space<vmem>>, %arg4: memref<1x128xf32, #tpu.memory_space<vmem>>, %arg5: memref<10000x128xf32, #tpu.memory_space<vmem>>, %arg6: memref<1x128xf32, #tpu.memory_space<vmem>>, %arg7: memref<1x128xf32, #tpu.memory_space<vmem>>, %arg8: memref<10000x128xf32, #tpu.memory_space<vmem>>, %arg9: memref<10000x128xf32, #tpu.memory_space<vmem>>, %arg10: memref<1x10000x128xf32, #tpu.memory_space<vmem>>, %arg11: memref<2x128xf32, #tpu.memory_space<vmem>>) attributes {dimension_semantics = [#tpu.dimension_semantics<arbitrary>], iteration_bounds = array<i64: 2>, scalar_prefetch = 0 : i64, scratch_operands = 2 : i64, tpu.core_type = #tpu.core_type<tc>, window_params = [{transform_indices = @transform_0, window_bounds = array<i64: 2, 10000, 128>}, {transform_indices = @transform_1, window_bounds = array<i64: 10000, 1>}, {pipeline_mode = #tpu.pipeline_mode<synchronous>, transform_indices = @transform_2, window_bounds = array<i64: 128, 128>}, {pipeline_mode = #tpu.pipeline_mode<synchronous>, transform_indices = @transform_3, window_bounds = array<i64: 1, 128>}, {transform_indices = @transform_4, window_bounds = array<i64: 10000, 128>}, {pipeline_mode = #tpu.pipeline_mode<synchronous>, transform_indices = @transform_5, window_bounds = array<i64: 1, 128>}, {pipeline_mode = #tpu.pipeline_mode<synchronous>, transform_indices = @transform_6, window_bounds = array<i64: 1, 128>}, {transform_indices = @transform_7, window_bounds = array<i64: 10000, 128>}, {transform_indices = @transform_8, window_bounds = array<i64: 10000, 128>}]} {
    %rem3A = arith.constant 1 : i32
    %rem3A_0 = arith.remsi %arg0, %rem3A : i32
    %lt3A = arith.constant 1 : i32
    %lt3A_1 = arith.cmpi slt, %arg0, %lt3A : i32
    %convert_element_type3A = arith.extui %lt3A_1 : i1 to i32
    %cond3A = arith.constant 0 : i32
    %cond3A_2 = arith.cmpi ne, %convert_element_type3A, %cond3A : i32
    scf.if %cond3A_2 {
      %get3A = arith.constant 0 : index
      %get3A_7 = arith.constant 0 : index
      %get3A_8 = arith.constant 0 : index
      %get3A_9 = vector.load %arg1[%get3A, %get3A_7, %get3A_8] : memref<2x10000x128xf32, #tpu.memory_space<vmem>>, vector<1x10000x128xf32>
      %get3A_10 = vector.shape_cast %get3A_9 : vector<1x10000x128xf32> to vector<10000x128xf32>
      %get3A_11 = arith.constant 1 : index
      %get3A_12 = arith.constant 0 : index
      %get3A_13 = arith.constant 0 : index
      %get3A_14 = vector.load %arg1[%get3A_11, %get3A_12, %get3A_13] : memref<2x10000x128xf32, #tpu.memory_space<vmem>>, vector<1x10000x128xf32>
      %get3A_15 = vector.shape_cast %get3A_14 : vector<1x10000x128xf32> to vector<10000x128xf32>
      %add3A = arith.addf %get3A_10, %get3A_15 : vector<10000x128xf32>
      %get3A_16 = arith.constant 0 : index
      %get3A_17 = arith.constant 0 : index
      %get3A_18 = vector.load %arg2[%get3A_16, %get3A_17] : memref<10000x1xf32, #tpu.memory_space<vmem>>, vector<10000x1xf32>
      %mul3A = vector.broadcast %get3A_18 : vector<10000x1xf32> to vector<10000x128xf32>
      %mul3A_19 = arith.mulf %add3A, %mul3A : vector<10000x128xf32>
      %get3A_20 = arith.constant 0 : index
      %get3A_21 = arith.constant 0 : index
      %get3A_22 = vector.load %arg3[%get3A_20, %get3A_21] : memref<128x128xf32, #tpu.memory_space<vmem>>, vector<128x128xf32>
      %dot_general3A = arith.constant dense<0.000000e+00> : vector<10000x128xf32>
      %dot_general3A_23 = tpu.matmul %mul3A_19, %get3A_22, %dot_general3A {dimension_numbers = #tpu.dot_dimension_numbers<[1], [1], [0], [0], [0, 0, 1, 0], [], []>, transpose_lhs_hint = false} : vector<10000x128xf32>, vector<128x128xf32>, vector<10000x128xf32> -> vector<10000x128xf32>
      %get3A_24 = arith.constant 0 : index
      %get3A_25 = arith.constant 0 : index
      %get3A_26 = vector.load %arg4[%get3A_24, %get3A_25] : memref<1x128xf32, #tpu.memory_space<vmem>>, vector<1x128xf32>
      %add3A_27 = vector.broadcast %get3A_26 : vector<1x128xf32> to vector<10000x128xf32>
      %add3A_28 = arith.addf %dot_general3A_23, %add3A_27 : vector<10000x128xf32>
      %swap3A = arith.index_cast %rem3A_0 : i32 to index
      %swap3A_29 = arith.constant 0 : index
      %swap3A_30 = arith.constant 0 : index
      %swap3A_31 = vector.load %arg10[%swap3A, %swap3A_29, %swap3A_30] : memref<1x10000x128xf32, #tpu.memory_space<vmem>>, vector<1x10000x128xf32>
      %swap3A_32 = vector.shape_cast %swap3A_31 : vector<1x10000x128xf32> to vector<10000x128xf32>
      %swap3A_33 = vector.shape_cast %add3A_28 : vector<10000x128xf32> to vector<1x10000x128xf32>
      tpu.vector_store %arg10[%swap3A, %swap3A_29, %swap3A_30], %swap3A_33 {strides = array<i32>} : memref<1x10000x128xf32, #tpu.memory_space<vmem>>, vector<1x10000x128xf32>,
      %eq3A = arith.constant 0 : i32
      %eq3A_34 = arith.cmpi eq, %arg0, %eq3A : i32
      %convert_element_type3A_35 = arith.extui %eq3A_34 : i1 to i32
      %cond3A_36 = arith.constant 0 : i32
      %cond3A_37 = arith.cmpi ne, %convert_element_type3A_35, %cond3A_36 : i32
      scf.if %cond3A_37 {
        %broadcast_in_dim3A_57 = arith.constant 0.000000e+00 : f32
        %broadcast_in_dim3A_58 = vector.broadcast %broadcast_in_dim3A_57 : f32 to vector<2x128xf32>
        %swap3A_59 = arith.constant 0 : index
        %swap3A_60 = arith.constant 0 : index
        %swap3A_61 = vector.load %arg11[%swap3A_59, %swap3A_60] : memref<2x128xf32, #tpu.memory_space<vmem>>, vector<2x128xf32>
        tpu.vector_store %arg11[%swap3A_59, %swap3A_60], %broadcast_in_dim3A_58 {strides = array<i32>} : memref<2x128xf32, #tpu.memory_space<vmem>>, vector<2x128xf32>,
      } else {
      }
      %get3A_38 = arith.constant 0 : index
      %get3A_39 = arith.constant 0 : index
      %get3A_40 = vector.load %arg11[%get3A_38, %get3A_39] : memref<2x128xf32, #tpu.memory_space<vmem>>, vector<1x128xf32>
      %reduce_sum3A = arith.constant dense<0.000000e+00> : vector<128xf32>
      %reduce_sum3A_41 = vector.multi_reduction <add>, %add3A_28, %reduce_sum3A [0] : vector<10000x128xf32> to vector<128xf32>
      %broadcast_in_dim3A = vector.shape_cast %reduce_sum3A_41 : vector<128xf32> to vector<1x128xf32>
      %add3A_42 = arith.addf %get3A_40, %broadcast_in_dim3A : vector<1x128xf32>
      %swap3A_43 = arith.constant 0 : index
      %swap3A_44 = arith.constant 0 : index
      %swap3A_45 = vector.load %arg11[%swap3A_43, %swap3A_44] : memref<2x128xf32, #tpu.memory_space<vmem>>, vector<1x128xf32>
      tpu.vector_store %arg11[%swap3A_43, %swap3A_44], %add3A_42 {strides = array<i32>} : memref<2x128xf32, #tpu.memory_space<vmem>>, vector<1x128xf32>,
      %get3A_46 = arith.constant 1 : index
      %get3A_47 = arith.constant 0 : index
      %get3A_48 = vector.load %arg11[%get3A_46, %get3A_47] : memref<2x128xf32, #tpu.memory_space<vmem>>, vector<1x128xf32>
      %mul3A_49 = arith.mulf %add3A_28, %add3A_28 : vector<10000x128xf32>
      %reduce_sum3A_50 = arith.constant dense<0.000000e+00> : vector<128xf32>
      %reduce_sum3A_51 = vector.multi_reduction <add>, %mul3A_49, %reduce_sum3A_50 [0] : vector<10000x128xf32> to vector<128xf32>
      %broadcast_in_dim3A_52 = vector.shape_cast %reduce_sum3A_51 : vector<128xf32> to vector<1x128xf32>
      %add3A_53 = arith.addf %get3A_48, %broadcast_in_dim3A_52 : vector<1x128xf32>
      %swap3A_54 = arith.constant 1 : index
      %swap3A_55 = arith.constant 0 : index
      %swap3A_56 = vector.load %arg11[%swap3A_54, %swap3A_55] : memref<2x128xf32, #tpu.memory_space<vmem>>, vector<1x128xf32>
      tpu.vector_store %arg11[%swap3A_54, %swap3A_55], %add3A_53 {strides = array<i32>} : memref<2x128xf32, #tpu.memory_space<vmem>>, vector<1x128xf32>,
    } else {
    }
    %ge3A = arith.constant 1 : i32
    %ge3A_3 = arith.cmpi sge, %arg0, %ge3A : i32
    %convert_element_type3A_4 = arith.extui %ge3A_3 : i1 to i32
    %cond3A_5 = arith.constant 0 : i32
    %cond3A_6 = arith.cmpi ne, %convert_element_type3A_4, %cond3A_5 : i32
    scf.if %cond3A_6 {
      %get3A = arith.constant 0 : index
      %get3A_7 = arith.constant 0 : index
      %get3A_8 = vector.load %arg11[%get3A, %get3A_7] : memref<2x128xf32, #tpu.memory_space<vmem>>, vector<1x128xf32>
      %div3A = arith.constant 1.000000e+04 : f32
      %div3A_9 = vector.broadcast %div3A : f32 to vector<1x128xf32>
      %div3A_10 = arith.divf %get3A_8, %div3A_9 : vector<1x128xf32>
      %get3A_11 = arith.constant 1 : index
      %get3A_12 = arith.constant 0 : index
      %get3A_13 = vector.load %arg11[%get3A_11, %get3A_12] : memref<2x128xf32, #tpu.memory_space<vmem>>, vector<1x128xf32>
      %div3A_14 = arith.constant 1.000000e+04 : f32
      %div3A_15 = vector.broadcast %div3A_14 : f32 to vector<1x128xf32>
      %div3A_16 = arith.divf %get3A_13, %div3A_15 : vector<1x128xf32>
      %mul3A = arith.mulf %div3A_10, %div3A_10 : vector<1x128xf32>
      %sub3A = arith.subf %div3A_16, %mul3A : vector<1x128xf32>
      %add3A = arith.constant 9.99999974E-6 : f32
      %add3A_17 = vector.broadcast %add3A : f32 to vector<1x128xf32>
      %add3A_18 = arith.addf %sub3A, %add3A_17 : vector<1x128xf32>
      %rsqrt3A = math.rsqrt %add3A_18 : vector<1x128xf32>
      %get3A_19 = arith.index_cast %rem3A_0 : i32 to index
      %get3A_20 = arith.constant 0 : index
      %get3A_21 = arith.constant 0 : index
      %get3A_22 = vector.load %arg10[%get3A_19, %get3A_20, %get3A_21] : memref<1x10000x128xf32, #tpu.memory_space<vmem>>, vector<1x10000x128xf32>
      %get3A_23 = vector.shape_cast %get3A_22 : vector<1x10000x128xf32> to vector<10000x128xf32>
      %sub3A_24 = vector.broadcast %div3A_10 : vector<1x128xf32> to vector<10000x128xf32>
      %sub3A_25 = arith.subf %get3A_23, %sub3A_24 : vector<10000x128xf32>
      %mul3A_26 = vector.broadcast %rsqrt3A : vector<1x128xf32> to vector<10000x128xf32>
      %mul3A_27 = arith.mulf %sub3A_25, %mul3A_26 : vector<10000x128xf32>
      %get3A_28 = arith.constant 0 : index
      %get3A_29 = arith.constant 0 : index
      %get3A_30 = vector.load %arg6[%get3A_28, %get3A_29] : memref<1x128xf32, #tpu.memory_space<vmem>>, vector<1x128xf32>
      %mul3A_31 = vector.broadcast %get3A_30 : vector<1x128xf32> to vector<10000x128xf32>
      %mul3A_32 = arith.mulf %mul3A_27, %mul3A_31 : vector<10000x128xf32>
      %get3A_33 = arith.constant 0 : index
      %get3A_34 = arith.constant 0 : index
      %get3A_35 = vector.load %arg7[%get3A_33, %get3A_34] : memref<1x128xf32, #tpu.memory_space<vmem>>, vector<1x128xf32>
      %add3A_36 = vector.broadcast %get3A_35 : vector<1x128xf32> to vector<10000x128xf32>
      %add3A_37 = arith.addf %mul3A_32, %add3A_36 : vector<10000x128xf32>
      %max3A = arith.constant 0.000000e+00 : f32
      %max3A_38 = vector.broadcast %max3A : f32 to vector<10000x128xf32>
      %max3A_39 = arith.maximumf %add3A_37, %max3A_38 : vector<10000x128xf32>
      %get3A_40 = arith.constant 0 : index
      %get3A_41 = arith.constant 0 : index
      %get3A_42 = vector.load %arg5[%get3A_40, %get3A_41] : memref<10000x128xf32, #tpu.memory_space<vmem>>, vector<10000x128xf32>
      %add3A_43 = arith.addf %max3A_39, %get3A_42 : vector<10000x128xf32>
      %swap3A = arith.constant 0 : index
      %swap3A_44 = arith.constant 0 : index
      %swap3A_45 = vector.load %arg8[%swap3A, %swap3A_44] : memref<10000x128xf32, #tpu.memory_space<vmem>>, vector<10000x128xf32>
      tpu.vector_store %arg8[%swap3A, %swap3A_44], %add3A_43 {strides = array<i32>} : memref<10000x128xf32, #tpu.memory_space<vmem>>, vector<10000x128xf32>,
      %get3A_46 = arith.constant 0 : index
      %get3A_47 = arith.constant 0 : index
      %get3A_48 = vector.load %arg2[%get3A_46, %get3A_47] : memref<10000x1xf32, #tpu.memory_space<vmem>>, vector<10000x1xf32>
      %mul3A_49 = vector.broadcast %get3A_48 : vector<10000x1xf32> to vector<10000x128xf32>
      %mul3A_50 = arith.mulf %add3A_43, %mul3A_49 : vector<10000x128xf32>
      %swap3A_51 = arith.constant 0 : index
      %swap3A_52 = arith.constant 0 : index
      %swap3A_53 = vector.load %arg9[%swap3A_51, %swap3A_52] : memref<10000x128xf32, #tpu.memory_space<vmem>>, vector<10000x128xf32>
      tpu.vector_store %arg9[%swap3A_51, %swap3A_52], %mul3A_50 {strides = array<i32>} : memref<10000x128xf32, #tpu.memory_space<vmem>>, vector<10000x128xf32>,
    } else {
    }
    return
  }
  func.func @transform_0(%arg0: i32) -> (i32, i32, i32) {
    %min3A = arith.constant 0 : i32
    %min3A_0 = arith.minsi %arg0, %min3A : i32
    %c0_i32 = arith.constant 0 : i32
    %c0_i32_1 = arith.constant 0 : i32
    %c0_i32_2 = arith.constant 0 : i32
    return %c0_i32, %min3A_0, %c0_i32_1 : i32, i32, i32
  }
  func.func @transform_1(%arg0: i32) -> (i32, i32) {
    %rem3A = arith.constant 1 : i32
    %rem3A_0 = arith.remsi %arg0, %rem3A : i32
    %c0_i32 = arith.constant 0 : i32
    %c0_i32_1 = arith.constant 0 : i32
    return %rem3A_0, %c0_i32 : i32, i32
  }
  func.func @transform_2(%arg0: i32) -> (i32, i32) {
    %c0_i32 = arith.constant 0 : i32
    %c0_i32_0 = arith.constant 0 : i32
    %c0_i32_1 = arith.constant 0 : i32
    return %c0_i32, %c0_i32_0 : i32, i32
  }
  func.func @transform_3(%arg0: i32) -> (i32, i32) {
    %c0_i32 = arith.constant 0 : i32
    %c0_i32_0 = arith.constant 0 : i32
    %c0_i32_1 = arith.constant 0 : i32
    return %c0_i32, %c0_i32_0 : i32, i32
  }
  func.func @transform_4(%arg0: i32) -> (i32, i32) {
    %sub3A = arith.constant 1 : i32
    %sub3A_0 = arith.subi %arg0, %sub3A : i32
    %max3A = arith.constant 0 : i32
    %max3A_1 = arith.maxsi %sub3A_0, %max3A : i32
    %c0_i32 = arith.constant 0 : i32
    %c0_i32_2 = arith.constant 0 : i32
    return %max3A_1, %c0_i32 : i32, i32
  }
  func.func @transform_5(%arg0: i32) -> (i32, i32) {
    %c0_i32 = arith.constant 0 : i32
    %c0_i32_0 = arith.constant 0 : i32
    %c0_i32_1 = arith.constant 0 : i32
    return %c0_i32, %c0_i32_0 : i32, i32
  }
  func.func @transform_6(%arg0: i32) -> (i32, i32) {
    %c0_i32 = arith.constant 0 : i32
    %c0_i32_0 = arith.constant 0 : i32
    %c0_i32_1 = arith.constant 0 : i32
    return %c0_i32, %c0_i32_0 : i32, i32
  }
  func.func @transform_7(%arg0: i32) -> (i32, i32) {
    %rem3A = arith.constant 1 : i32
    %rem3A_0 = arith.remsi %arg0, %rem3A : i32
    %c0_i32 = arith.constant 0 : i32
    %c0_i32_1 = arith.constant 0 : i32
    return %rem3A_0, %c0_i32 : i32, i32
  }
  func.func @transform_8(%arg0: i32) -> (i32, i32) {
    %rem3A = arith.constant 1 : i32
    %rem3A_0 = arith.remsi %arg0, %rem3A : i32
    %c0_i32 = arith.constant 0 : i32
    %c0_i32_1 = arith.constant 0 : i32
    return %rem3A_0, %c0_i32 : i32, i32
  }
}

module attributes {stable_mosaic.version = 14 : i64} {
  func.func @_tc_layer_out_body(%arg0: i32, %arg1: memref<2x10000x128xf32, #tpu.memory_space<vmem>>, %arg2: memref<10000x1xf32, #tpu.memory_space<vmem>>, %arg3: memref<128x128xf32, #tpu.memory_space<vmem>>, %arg4: memref<1x128xf32, #tpu.memory_space<vmem>>, %arg5: memref<10000x128xf32, #tpu.memory_space<vmem>>, %arg6: memref<1x128xf32, #tpu.memory_space<vmem>>, %arg7: memref<1x128xf32, #tpu.memory_space<vmem>>, %arg8: memref<128x128xf32, #tpu.memory_space<vmem>>, %arg9: memref<1x128xf32, #tpu.memory_space<vmem>>, %arg10: memref<10000x128xf32, #tpu.memory_space<vmem>>, %arg11: memref<1x10000x128xf32, #tpu.memory_space<vmem>>, %arg12: memref<2x128xf32, #tpu.memory_space<vmem>>) attributes {dimension_semantics = [#tpu.dimension_semantics<arbitrary>], iteration_bounds = array<i64: 2>, scalar_prefetch = 0 : i64, scratch_operands = 2 : i64, tpu.core_type = #tpu.core_type<tc>, window_params = [{transform_indices = @transform_0, window_bounds = array<i64: 2, 10000, 128>}, {transform_indices = @transform_1, window_bounds = array<i64: 10000, 1>}, {pipeline_mode = #tpu.pipeline_mode<synchronous>, transform_indices = @transform_2, window_bounds = array<i64: 128, 128>}, {pipeline_mode = #tpu.pipeline_mode<synchronous>, transform_indices = @transform_3, window_bounds = array<i64: 1, 128>}, {transform_indices = @transform_4, window_bounds = array<i64: 10000, 128>}, {pipeline_mode = #tpu.pipeline_mode<synchronous>, transform_indices = @transform_5, window_bounds = array<i64: 1, 128>}, {pipeline_mode = #tpu.pipeline_mode<synchronous>, transform_indices = @transform_6, window_bounds = array<i64: 1, 128>}, {pipeline_mode = #tpu.pipeline_mode<synchronous>, transform_indices = @transform_7, window_bounds = array<i64: 128, 128>}, {pipeline_mode = #tpu.pipeline_mode<synchronous>, transform_indices = @transform_8, window_bounds = array<i64: 1, 128>}, {transform_indices = @transform_9, window_bounds = array<i64: 10000, 128>}]} {
    %rem3A = arith.constant 1 : i32
    %rem3A_0 = arith.remsi %arg0, %rem3A : i32
    %lt3A = arith.constant 1 : i32
    %lt3A_1 = arith.cmpi slt, %arg0, %lt3A : i32
    %convert_element_type3A = arith.extui %lt3A_1 : i1 to i32
    %cond3A = arith.constant 0 : i32
    %cond3A_2 = arith.cmpi ne, %convert_element_type3A, %cond3A : i32
    scf.if %cond3A_2 {
      %get3A = arith.constant 0 : index
      %get3A_7 = arith.constant 0 : index
      %get3A_8 = arith.constant 0 : index
      %get3A_9 = vector.load %arg1[%get3A, %get3A_7, %get3A_8] : memref<2x10000x128xf32, #tpu.memory_space<vmem>>, vector<1x10000x128xf32>
      %get3A_10 = vector.shape_cast %get3A_9 : vector<1x10000x128xf32> to vector<10000x128xf32>
      %get3A_11 = arith.constant 1 : index
      %get3A_12 = arith.constant 0 : index
      %get3A_13 = arith.constant 0 : index
      %get3A_14 = vector.load %arg1[%get3A_11, %get3A_12, %get3A_13] : memref<2x10000x128xf32, #tpu.memory_space<vmem>>, vector<1x10000x128xf32>
      %get3A_15 = vector.shape_cast %get3A_14 : vector<1x10000x128xf32> to vector<10000x128xf32>
      %add3A = arith.addf %get3A_10, %get3A_15 : vector<10000x128xf32>
      %get3A_16 = arith.constant 0 : index
      %get3A_17 = arith.constant 0 : index
      %get3A_18 = vector.load %arg2[%get3A_16, %get3A_17] : memref<10000x1xf32, #tpu.memory_space<vmem>>, vector<10000x1xf32>
      %mul3A = vector.broadcast %get3A_18 : vector<10000x1xf32> to vector<10000x128xf32>
      %mul3A_19 = arith.mulf %add3A, %mul3A : vector<10000x128xf32>
      %get3A_20 = arith.constant 0 : index
      %get3A_21 = arith.constant 0 : index
      %get3A_22 = vector.load %arg3[%get3A_20, %get3A_21] : memref<128x128xf32, #tpu.memory_space<vmem>>, vector<128x128xf32>
      %dot_general3A = arith.constant dense<0.000000e+00> : vector<10000x128xf32>
      %dot_general3A_23 = tpu.matmul %mul3A_19, %get3A_22, %dot_general3A {dimension_numbers = #tpu.dot_dimension_numbers<[1], [1], [0], [0], [0, 0, 1, 0], [], []>, transpose_lhs_hint = false} : vector<10000x128xf32>, vector<128x128xf32>, vector<10000x128xf32> -> vector<10000x128xf32>
      %get3A_24 = arith.constant 0 : index
      %get3A_25 = arith.constant 0 : index
      %get3A_26 = vector.load %arg4[%get3A_24, %get3A_25] : memref<1x128xf32, #tpu.memory_space<vmem>>, vector<1x128xf32>
      %add3A_27 = vector.broadcast %get3A_26 : vector<1x128xf32> to vector<10000x128xf32>
      %add3A_28 = arith.addf %dot_general3A_23, %add3A_27 : vector<10000x128xf32>
      %swap3A = arith.index_cast %rem3A_0 : i32 to index
      %swap3A_29 = arith.constant 0 : index
      %swap3A_30 = arith.constant 0 : index
      %swap3A_31 = vector.load %arg11[%swap3A, %swap3A_29, %swap3A_30] : memref<1x10000x128xf32, #tpu.memory_space<vmem>>, vector<1x10000x128xf32>
      %swap3A_32 = vector.shape_cast %swap3A_31 : vector<1x10000x128xf32> to vector<10000x128xf32>
      %swap3A_33 = vector.shape_cast %add3A_28 : vector<10000x128xf32> to vector<1x10000x128xf32>
      tpu.vector_store %arg11[%swap3A, %swap3A_29, %swap3A_30], %swap3A_33 {strides = array<i32>} : memref<1x10000x128xf32, #tpu.memory_space<vmem>>, vector<1x10000x128xf32>,
      %eq3A = arith.constant 0 : i32
      %eq3A_34 = arith.cmpi eq, %arg0, %eq3A : i32
      %convert_element_type3A_35 = arith.extui %eq3A_34 : i1 to i32
      %cond3A_36 = arith.constant 0 : i32
      %cond3A_37 = arith.cmpi ne, %convert_element_type3A_35, %cond3A_36 : i32
      scf.if %cond3A_37 {
        %broadcast_in_dim3A_57 = arith.constant 0.000000e+00 : f32
        %broadcast_in_dim3A_58 = vector.broadcast %broadcast_in_dim3A_57 : f32 to vector<2x128xf32>
        %swap3A_59 = arith.constant 0 : index
        %swap3A_60 = arith.constant 0 : index
        %swap3A_61 = vector.load %arg12[%swap3A_59, %swap3A_60] : memref<2x128xf32, #tpu.memory_space<vmem>>, vector<2x128xf32>
        tpu.vector_store %arg12[%swap3A_59, %swap3A_60], %broadcast_in_dim3A_58 {strides = array<i32>} : memref<2x128xf32, #tpu.memory_space<vmem>>, vector<2x128xf32>,
      } else {
      }
      %get3A_38 = arith.constant 0 : index
      %get3A_39 = arith.constant 0 : index
      %get3A_40 = vector.load %arg12[%get3A_38, %get3A_39] : memref<2x128xf32, #tpu.memory_space<vmem>>, vector<1x128xf32>
      %reduce_sum3A = arith.constant dense<0.000000e+00> : vector<128xf32>
      %reduce_sum3A_41 = vector.multi_reduction <add>, %add3A_28, %reduce_sum3A [0] : vector<10000x128xf32> to vector<128xf32>
      %broadcast_in_dim3A = vector.shape_cast %reduce_sum3A_41 : vector<128xf32> to vector<1x128xf32>
      %add3A_42 = arith.addf %get3A_40, %broadcast_in_dim3A : vector<1x128xf32>
      %swap3A_43 = arith.constant 0 : index
      %swap3A_44 = arith.constant 0 : index
      %swap3A_45 = vector.load %arg12[%swap3A_43, %swap3A_44] : memref<2x128xf32, #tpu.memory_space<vmem>>, vector<1x128xf32>
      tpu.vector_store %arg12[%swap3A_43, %swap3A_44], %add3A_42 {strides = array<i32>} : memref<2x128xf32, #tpu.memory_space<vmem>>, vector<1x128xf32>,
      %get3A_46 = arith.constant 1 : index
      %get3A_47 = arith.constant 0 : index
      %get3A_48 = vector.load %arg12[%get3A_46, %get3A_47] : memref<2x128xf32, #tpu.memory_space<vmem>>, vector<1x128xf32>
      %mul3A_49 = arith.mulf %add3A_28, %add3A_28 : vector<10000x128xf32>
      %reduce_sum3A_50 = arith.constant dense<0.000000e+00> : vector<128xf32>
      %reduce_sum3A_51 = vector.multi_reduction <add>, %mul3A_49, %reduce_sum3A_50 [0] : vector<10000x128xf32> to vector<128xf32>
      %broadcast_in_dim3A_52 = vector.shape_cast %reduce_sum3A_51 : vector<128xf32> to vector<1x128xf32>
      %add3A_53 = arith.addf %get3A_48, %broadcast_in_dim3A_52 : vector<1x128xf32>
      %swap3A_54 = arith.constant 1 : index
      %swap3A_55 = arith.constant 0 : index
      %swap3A_56 = vector.load %arg12[%swap3A_54, %swap3A_55] : memref<2x128xf32, #tpu.memory_space<vmem>>, vector<1x128xf32>
      tpu.vector_store %arg12[%swap3A_54, %swap3A_55], %add3A_53 {strides = array<i32>} : memref<2x128xf32, #tpu.memory_space<vmem>>, vector<1x128xf32>,
    } else {
    }
    %ge3A = arith.constant 1 : i32
    %ge3A_3 = arith.cmpi sge, %arg0, %ge3A : i32
    %convert_element_type3A_4 = arith.extui %ge3A_3 : i1 to i32
    %cond3A_5 = arith.constant 0 : i32
    %cond3A_6 = arith.cmpi ne, %convert_element_type3A_4, %cond3A_5 : i32
    scf.if %cond3A_6 {
      %get3A = arith.constant 0 : index
      %get3A_7 = arith.constant 0 : index
      %get3A_8 = vector.load %arg12[%get3A, %get3A_7] : memref<2x128xf32, #tpu.memory_space<vmem>>, vector<1x128xf32>
      %div3A = arith.constant 1.000000e+04 : f32
      %div3A_9 = vector.broadcast %div3A : f32 to vector<1x128xf32>
      %div3A_10 = arith.divf %get3A_8, %div3A_9 : vector<1x128xf32>
      %get3A_11 = arith.constant 1 : index
      %get3A_12 = arith.constant 0 : index
      %get3A_13 = vector.load %arg12[%get3A_11, %get3A_12] : memref<2x128xf32, #tpu.memory_space<vmem>>, vector<1x128xf32>
      %div3A_14 = arith.constant 1.000000e+04 : f32
      %div3A_15 = vector.broadcast %div3A_14 : f32 to vector<1x128xf32>
      %div3A_16 = arith.divf %get3A_13, %div3A_15 : vector<1x128xf32>
      %mul3A = arith.mulf %div3A_10, %div3A_10 : vector<1x128xf32>
      %sub3A = arith.subf %div3A_16, %mul3A : vector<1x128xf32>
      %add3A = arith.constant 9.99999974E-6 : f32
      %add3A_17 = vector.broadcast %add3A : f32 to vector<1x128xf32>
      %add3A_18 = arith.addf %sub3A, %add3A_17 : vector<1x128xf32>
      %rsqrt3A = math.rsqrt %add3A_18 : vector<1x128xf32>
      %get3A_19 = arith.index_cast %rem3A_0 : i32 to index
      %get3A_20 = arith.constant 0 : index
      %get3A_21 = arith.constant 0 : index
      %get3A_22 = vector.load %arg11[%get3A_19, %get3A_20, %get3A_21] : memref<1x10000x128xf32, #tpu.memory_space<vmem>>, vector<1x10000x128xf32>
      %get3A_23 = vector.shape_cast %get3A_22 : vector<1x10000x128xf32> to vector<10000x128xf32>
      %sub3A_24 = vector.broadcast %div3A_10 : vector<1x128xf32> to vector<10000x128xf32>
      %sub3A_25 = arith.subf %get3A_23, %sub3A_24 : vector<10000x128xf32>
      %mul3A_26 = vector.broadcast %rsqrt3A : vector<1x128xf32> to vector<10000x128xf32>
      %mul3A_27 = arith.mulf %sub3A_25, %mul3A_26 : vector<10000x128xf32>
      %get3A_28 = arith.constant 0 : index
      %get3A_29 = arith.constant 0 : index
      %get3A_30 = vector.load %arg6[%get3A_28, %get3A_29] : memref<1x128xf32, #tpu.memory_space<vmem>>, vector<1x128xf32>
      %mul3A_31 = vector.broadcast %get3A_30 : vector<1x128xf32> to vector<10000x128xf32>
      %mul3A_32 = arith.mulf %mul3A_27, %mul3A_31 : vector<10000x128xf32>
      %get3A_33 = arith.constant 0 : index
      %get3A_34 = arith.constant 0 : index
      %get3A_35 = vector.load %arg7[%get3A_33, %get3A_34] : memref<1x128xf32, #tpu.memory_space<vmem>>, vector<1x128xf32>
      %add3A_36 = vector.broadcast %get3A_35 : vector<1x128xf32> to vector<10000x128xf32>
      %add3A_37 = arith.addf %mul3A_32, %add3A_36 : vector<10000x128xf32>
      %max3A = arith.constant 0.000000e+00 : f32
      %max3A_38 = vector.broadcast %max3A : f32 to vector<10000x128xf32>
      %max3A_39 = arith.maximumf %add3A_37, %max3A_38 : vector<10000x128xf32>
      %get3A_40 = arith.constant 0 : index
      %get3A_41 = arith.constant 0 : index
      %get3A_42 = vector.load %arg5[%get3A_40, %get3A_41] : memref<10000x128xf32, #tpu.memory_space<vmem>>, vector<10000x128xf32>
      %add3A_43 = arith.addf %max3A_39, %get3A_42 : vector<10000x128xf32>
      %get3A_44 = arith.constant 0 : index
      %get3A_45 = arith.constant 0 : index
      %get3A_46 = vector.load %arg8[%get3A_44, %get3A_45] : memref<128x128xf32, #tpu.memory_space<vmem>>, vector<128x128xf32>
      %dot_general3A = arith.constant dense<0.000000e+00> : vector<10000x128xf32>
      %dot_general3A_47 = tpu.matmul %add3A_43, %get3A_46, %dot_general3A {dimension_numbers = #tpu.dot_dimension_numbers<[1], [1], [0], [0], [0, 0, 1, 0], [], []>, transpose_lhs_hint = false} : vector<10000x128xf32>, vector<128x128xf32>, vector<10000x128xf32> -> vector<10000x128xf32>
      %get3A_48 = arith.constant 0 : index
      %get3A_49 = arith.constant 0 : index
      %get3A_50 = vector.load %arg9[%get3A_48, %get3A_49] : memref<1x128xf32, #tpu.memory_space<vmem>>, vector<1x128xf32>
      %add3A_51 = vector.broadcast %get3A_50 : vector<1x128xf32> to vector<10000x128xf32>
      %add3A_52 = arith.addf %dot_general3A_47, %add3A_51 : vector<10000x128xf32>
      %swap3A = arith.constant 0 : index
      %swap3A_53 = arith.constant 0 : index
      %swap3A_54 = vector.load %arg10[%swap3A, %swap3A_53] : memref<10000x128xf32, #tpu.memory_space<vmem>>, vector<10000x128xf32>
      tpu.vector_store %arg10[%swap3A, %swap3A_53], %add3A_52 {strides = array<i32>} : memref<10000x128xf32, #tpu.memory_space<vmem>>, vector<10000x128xf32>,
    } else {
    }
    return
  }
  func.func @transform_0(%arg0: i32) -> (i32, i32, i32) {
    %min3A = arith.constant 0 : i32
    %min3A_0 = arith.minsi %arg0, %min3A : i32
    %c0_i32 = arith.constant 0 : i32
    %c0_i32_1 = arith.constant 0 : i32
    %c0_i32_2 = arith.constant 0 : i32
    return %c0_i32, %min3A_0, %c0_i32_1 : i32, i32, i32
  }
  func.func @transform_1(%arg0: i32) -> (i32, i32) {
    %rem3A = arith.constant 1 : i32
    %rem3A_0 = arith.remsi %arg0, %rem3A : i32
    %c0_i32 = arith.constant 0 : i32
    %c0_i32_1 = arith.constant 0 : i32
    return %rem3A_0, %c0_i32 : i32, i32
  }
  func.func @transform_2(%arg0: i32) -> (i32, i32) {
    %c0_i32 = arith.constant 0 : i32
    %c0_i32_0 = arith.constant 0 : i32
    %c0_i32_1 = arith.constant 0 : i32
    return %c0_i32, %c0_i32_0 : i32, i32
  }
  func.func @transform_3(%arg0: i32) -> (i32, i32) {
    %c0_i32 = arith.constant 0 : i32
    %c0_i32_0 = arith.constant 0 : i32
    %c0_i32_1 = arith.constant 0 : i32
    return %c0_i32, %c0_i32_0 : i32, i32
  }
  func.func @transform_4(%arg0: i32) -> (i32, i32) {
    %sub3A = arith.constant 1 : i32
    %sub3A_0 = arith.subi %arg0, %sub3A : i32
    %max3A = arith.constant 0 : i32
    %max3A_1 = arith.maxsi %sub3A_0, %max3A : i32
    %c0_i32 = arith.constant 0 : i32
    %c0_i32_2 = arith.constant 0 : i32
    return %max3A_1, %c0_i32 : i32, i32
  }
  func.func @transform_5(%arg0: i32) -> (i32, i32) {
    %c0_i32 = arith.constant 0 : i32
    %c0_i32_0 = arith.constant 0 : i32
    %c0_i32_1 = arith.constant 0 : i32
    return %c0_i32, %c0_i32_0 : i32, i32
  }
  func.func @transform_6(%arg0: i32) -> (i32, i32) {
    %c0_i32 = arith.constant 0 : i32
    %c0_i32_0 = arith.constant 0 : i32
    %c0_i32_1 = arith.constant 0 : i32
    return %c0_i32, %c0_i32_0 : i32, i32
  }
  func.func @transform_7(%arg0: i32) -> (i32, i32) {
    %c0_i32 = arith.constant 0 : i32
    %c0_i32_0 = arith.constant 0 : i32
    %c0_i32_1 = arith.constant 0 : i32
    return %c0_i32, %c0_i32_0 : i32, i32
  }
  func.func @transform_8(%arg0: i32) -> (i32, i32) {
    %c0_i32 = arith.constant 0 : i32
    %c0_i32_0 = arith.constant 0 : i32
    %c0_i32_1 = arith.constant 0 : i32
    return %c0_i32, %c0_i32_0 : i32, i32
  }
  func.func @transform_9(%arg0: i32) -> (i32, i32) {
    %rem3A = arith.constant 1 : i32
    %rem3A_0 = arith.remsi %arg0, %rem3A : i32
    %c0_i32 = arith.constant 0 : i32
    %c0_i32_1 = arith.constant 0 : i32
    return %rem3A_0, %c0_i32 : i32, i32
  }
}

</mosaic_0001>

<sc_bundles>
// kernel: kernel.11.cloned.1.call-start
scs
__scs_entry_jumppad:
0x0: {  	(pc) =	sbr.rel $0x88, $3  }
0x1: {  	(tag) =	ssettag $0x0;
	lr =	simm.s32 $0x1  }
0x2: {  	[smem:$0x3F93] =	sst lr;
	_ =	strace $0xD0000000  }
0x3: {  	_ = 	snop  }
0x4: {  	_ = 	snop  }
0x5: {  	_ = 	snop  }
0x6: {  	_ = 	snop  }
0x7: {  	_ = 	snop  }
__scs_overlays_trampoline_lowered:
0x8: {  	[smem:$0x3FA2] =	sst s0  }
0x9: {  	[smem:$0x3FA3] =	sst s1  }
0xa: {  	[smem:$0x3FA4] =	sst s2  }
0xb: {  	[smem:$0x3FA5] =	sst s3  }
0xc: {  	[smem:$0x3FA6] =	sst s4  }
0xd: {  	[smem:$0x3FA7] =	sst s5  }
0xe: {  	[smem:$0x3FA8] =	sst s6  }
0xf: {  	[smem:$0x3FA9] =	sst s7  }
0x10: {  	[smem:$0x3FAA] =	sst s8  }
0x11: {  	[smem:$0x3FAB] =	sst s9;
	s0 =	simm.s32 @!p0 $0x0  }
0x12: {  	s1 =	sld [smem:$0x3F91];
	s0 =	simm.s32 @p0 $0x1  }
0x13: {  	[smem:$0x3FAC] =	sst s0;
	s0 =	simm.s32 @!p1 $0x0  }
0x14: {  	s2 =	sld [smem:$0x3F90];
	s0 =	simm.s32 @p1 $0x1  }
0x15: {  	[smem:$0x3FAD] =	sst s0;
	s0 =	simm.s32 @!p2 $0x0  }
0x16: {  	s3 =	sld [smem:$0x3FDB];
	s0 =	simm.s32 @p2 $0x1  }
0x17: {  	s4 =	simm.s32 $0x1BF5;
	[smem:$0x3FAF] =	sst s0  }
0x18: {  	s0 =	sld [smem:$0x3F92];
	_ =	swait.ge [sflag:s4], $0x0  }
0x19: {  	s7 =	sld [smem:$0x3F93]  }
0x1a: {  	s8 =	sadd.s32 $0xFFFFE003, lr  }
0x1b: {  	s9 =	sadd.s32 $0xFFFFFEF7, lr;
	s5 =	simm.s32 $0xFFFFFFFF;
	p2 =	slt.u32 s8, $0xFFFFF086  }
0x1c: {  	p1 =	slt.u32 s9, $0xF7A;
	s5 =	simm.s32 @!p2 $0x0  }
0x1d: {  	s5 =	simm.s32 @p1 $0x1;
	p0 =	seq.s32 s7, s2  }
0x1e: {  	s7 =	smul.u32 @!p0 $0xF7A, s2;
	p2 =	seq.s32 @!p0 s5, $0x0  }
0x1f: {  	s9 =	smul.u32 $0xF7A, s1;
	s8 =	simm.s32 @!p0 $0x1BF5;
	p2 =	por !p2, p0  }
0x20: {  	[sflag:s8] =	ssyncset.s32 @!p0 $0xFFFFF086;
	s6 =	sadd.s32 @!p0 s3, s7;
	s7 =	simm.s32 @!p0 $0x108  }
0x21: {  	s3 =	sadd.s32 s3, s9;
	s6 =	sadd.s32 @!p0 $0x88, s6;
	s7 =	simm.s32 @p2 $0x1082  }
0x22: {  	[simem:s7], [sflag:s8] =	dma.local @!p0 [hbm:s6], $0xF7A  }
0x23: {  	s9 =	sor.u32 $0xD0000000, s2;
	s6 =	simm.s32 $0x108;
	_ =	swait.ge @!p0 [sflag:s8], $0x0  }
0x24: {  	s3 =	sadd.s32 $0x88, s3;
	s6 =	simm.s32 @!p1 $0x1082;
	[sflag:s4] =	ssyncset.s32 $0xFFFFF086  }
0x25: {  	[simem:s6], [sflag:s4] =	dma.local [hbm:s3], $0xF7A  }
0x26: {  	[smem:$0x3F93] =	sst s1;
	(tag) =	ssettag s2;
	_ =	strace s9  }
0x27: {  	s1 =	sld [smem:$0x3FA3]  }
0x28: {  	s2 =	sld [smem:$0x3FA4]  }
0x29: {  	s4 =	sld [smem:$0x3FA6]  }
0x2a: {  	p0 =	seq.s32 s5, $0x0;
	s5 =	sld [smem:$0x3FA7]  }
0x2b: {  	s6 =	sld [smem:$0x3FA8]  }
0x2c: {  	s7 =	sld [smem:$0x3FA9]  }
0x2d: {  	s3 =	simm.s32 $0x108;
	s8 =	sld [smem:$0x3FAA]  }
0x2e: {  	s3 =	simm.s32 @!p0 $0x1082;
	s9 =	sld [smem:$0x3FAB]  }
0x2f: {  	lr =	sadd.s32 s0, s3;
	s0 =	sld [smem:$0x3FA2]  }
0x30: {  	s3 =	sld [smem:$0x3FA5]  }
0x31: {  	[smem:$0x3FAE] =	sst s10  }
0x32: {  	s10 =	sld [smem:$0x3FAC];
	_ =	sdelay $0x3  }
0x33: {  	p0 =	seq.s32 s10, $0x1;
	s10 =	sld [smem:$0x3FAE];
	_ =	sdelay $0x3  }
0x34: {  	[smem:$0x3FAE] =	sst s10  }
0x35: {  	s10 =	sld [smem:$0x3FAD];
	_ =	sdelay $0x3  }
0x36: {  	p1 =	seq.s32 s10, $0x1;
	s10 =	sld [smem:$0x3FAE];
	_ =	sdelay $0x3  }
0x37: {  	[smem:$0x3FAE] =	sst s10  }
0x38: {  	s10 =	sld [smem:$0x3FAF]  }
0x39: {  	_ = 	snop;
	(pc) =	sbr.ind lr, $3  }
0x3a: {  	_ = 	snop  }
0x3b: {  	_ = 	snop  }
0x3c: {  	p2 =	seq.s32 s10, $0x1;
	s10 =	sld [smem:$0x3FAE]  }
0x3d: {  	_ =	shalt  }
0x3e: {  	_ =	shalt  }
0x3f: {  	_ =	shalt  }
0x40: {  	_ =	shalt  }
0x41: {  	_ =	shalt  }
0x42: {  	_ =	shalt  }
0x43: {  	_ =	shalt  }
0x44: {  	_ =	shalt  }
0x45: {  	_ =	shalt  }
0x46: {  	_ =	shalt  }
0x47: {  	_ =	shalt  }
0x48: {  	_ =	shalt  }
0x49: {  	_ =	shalt  }
0x4a: {  	_ =	shalt  }
0x4b: {  	_ =	shalt  }
0x4c: {  	_ =	shalt  }
0x4d: {  	_ =	shalt  }
0x4e: {  	_ =	shalt  }
0x4f: {  	_ =	shalt  }
0x50: {  	_ =	shalt  }
0x51: {  	_ =	shalt  }
0x52: {  	_ =	shalt  }
0x53: {  	_ =	shalt  }
0x54: {  	_ =	shalt  }
0x55: {  	_ =	shalt  }
0x56: {  	_ =	shalt  }
0x57: {  	_ =	shalt  }
0x58: {  	_ =	shalt  }
0x59: {  	_ =	shalt  }
0x5a: {  	_ =	shalt  }
0x5b: {  	_ =	shalt  }
0x5c: {  	_ =	shalt  }
0x5d: {  	_ =	shalt  }
0x5e: {  	_ =	shalt  }
0x5f: {  	_ =	shalt  }
0x60: {  	_ =	shalt  }
0x61: {  	_ =	shalt  }
0x62: {  	_ =	shalt  }
0x63: {  	_ =	shalt  }
0x64: {  	_ =	shalt  }
0x65: {  	_ =	shalt  }
0x66: {  	_ =	shalt  }
0x67: {  	_ =	shalt  }
0x68: {  	_ =	shalt  }
0x69: {  	_ =	shalt  }
0x6a: {  	_ =	shalt  }
0x6b: {  	_ =	shalt  }
0x6c: {  	_ =	shalt  }
0x6d: {  	_ =	shalt  }
0x6e: {  	_ =	shalt  }
0x6f: {  	_ =	shalt  }
0x70: {  	_ =	shalt  }
0x71: {  	_ =	shalt  }
0x72: {  	_ =	shalt  }
0x73: {  	_ =	shalt  }
0x74: {  	_ =	shalt  }
0x75: {  	_ =	shalt  }
0x76: {  	_ =	shalt  }
0x77: {  	_ =	shalt  }
0x78: {  	_ =	shalt  }
0x79: {  	_ =	shalt  }
0x7a: {  	_ =	shalt  }
0x7b: {  	_ =	shalt  }
0x7c: {  	_ =	shalt  }
0x7d: {  	_ =	shalt  }
0x7e: {  	_ =	shalt  }
0x7f: {  	_ =	shalt  }
0x80: {  	_ =	shalt  }
0x81: {  	_ =	shalt  }
0x82: {  	_ =	shalt  }
0x83: {  	_ =	shalt  }
0x84: {  	_ =	shalt  }
0x85: {  	_ =	shalt  }
0x86: {  	_ =	shalt  }
0x87: {  	_ =	shalt  }
.Lfunc_end0:
.L_simem_size_0:
called_computation.1_lowered:
.L_overlay_start_0:
0x88: {  	s2 =	sld [smem:$0x3FD9]  }
0x89: {  	s3 =	sld [smem:$0x3FFE];
	_ =	sdelay $0x1  }
0x8a: {  	s1 =	srdreg.scid  }
0x8b: {  	s0 =	sand.u32 $0x1, s1  }
0x8c: {  	s17 =	sshll.u32 s0, $0xA;
	s2 =	sadd.s32 s3, s2  }
0x8d: {  	s2 =	sadd.s32 s2, s17  }
0x8e: {  	[smem:$0x3FBA] =	sst s2  }
0x8f: {  	_ = 	snop  }
0x90: {  	s2 =	sld [smem:$0x3FD0];
	(tm) =	ssettm $0x1  }
0x91: {  	s18 =	sld [smem:$0x3FFB];
	_ =	sdelay $0x3  }
0x92: {  	_ =	strace s18  }
0x93: {  	s3 =	sld [smem:$0x3FFC];
	_ =	sdelay $0x3  }
0x94: {  	_ =	strace s3  }
0x95: {  	s3 =	sld [smem:$0x3FFD];
	_ =	sdelay $0x3  }
0x96: {  	_ =	strace s3  }
0x97: {  	_ =	strace $0x8FFFFFFF  }
0x98: {  	s19 =	sld [smem:$0x3FDB];
	_ =	sdelay $0x1  }
0x99: {  	s4 =	simm.s32 $_scs_section_size  }
0x9a: {  	s5 =	simm.s32 $_size__tile_overlayer_lowered;
	s6 =	simm.s32 $_tile_overlayer_lowered  }
0x9b: {  	s22 =	simm.s32 $0x1BFF;
	s21 =	sshll.u32 s6, $0x1;
	s3 =	sadd.s32 s4, s19  }
0x9c: {  	s7 =	simm.s32 $0x0;
	s20 =	sshll.u32 s5, $0x1;
	s5 =	sadd.s32 s21, s3  }
0x9d: {  	[timem:s7], [sflag:s22] =	dma.local [hbm:s5], s20  }
0x9e: {  	_ =	swait.ge [sflag:s22], s20  }
0x9f: {  	s4 =	ssub.s32 $0x0, s20;
	[sflag:s22] =	ssyncset.done $0x0  }
0xa0: {  	[sflag:s22] =	ssyncadd.s32 s4;
	_ =	sdelay $0x1  }
0xa1: {  	s23 =	simm.s32 $0x1B8B  }
0xa2: {  	_ =	swait.ge [sflag:s23], $0x1  }
0xa3: {  	[sflag:s23] =	ssyncset.done $0x0  }
0xa4: {  	s25 =	simm.s32 $0x1B8E;
	s24 =	sld [smem:$0x3FFE];
	[sflag:s23] =	ssyncadd.s32 $0xFFFFFFFF  }
0xa5: {  	s26 =	simm.s32 $execute0_lowered;
	[smem:$0x3FD2] =	sst s25  }
0xa6: {  	s5 =	sshll.u32 s26, $0x1;
	_ =	strace $0x80000049;
	[dreg:$0x1] =	wrdreg $0xFFFFFFFF  }
0xa7: {  	s28 =	simm.s32 $_size_execute0_lowered;
	s3 =	sadd.s32 s3, s5;
	[dreg:$0x0] =	wrdreg $0x0  }
0xa8: {  	s5 =	sshll.u32 s28, $0x1;
	[dreg:$0x2] =	wrdreg s3  }
0xa9: {  	[dreg:$0x3] =	wrdreg s5  }
0xaa: {  	[dreg:$0x4] =	wrdreg $0xC0  }
0xab: {  	_ =	task [dreg:s7], $0x5FFFF  }
0xac: {  	[dreg:$0x1] =	wrdreg $0xFFFFFFFF  }
0xad: {  	[dreg:$0x0] =	wrdreg $0x60  }
0xae: {  	[dreg:$0x2] =	wrdreg s24  }
0xaf: {  	[dreg:$0x3] =	wrdreg s2  }
0xb0: {  	[dreg:$0x4] =	wrdreg $0x9A800  }
0xb1: {  	[dreg:$0x5] =	wrdreg $0x9  }
0xb2: {  	_ =	task.clear_ibuf [dreg:s7], $0x6FFFF;
	_ =	strace $0x90000049  }
0xb3: {  	s29 =	simm.s32 $0x9;
	_ =	strace $0x8000004B  }
0xb4: {  	_ =	swait.ge [sflag:s29], $0x1  }
0xb5: {  	[sflag:s29] =	ssyncadd.s32 $0xFFFFFFFF  }
0xb6: {  	_ =	strace $0x9000004B  }
0xb7: {  	_ =	sfence  }
0xb8: {  	s30 =	sld [smem:$0x0];
	_ =	sdelay $0x2  }
0xb9: {  	s31 =	sshll.u32 s1, $0xD;
	s1 =	sshrl.u32 s1, $0x2  }
0xba: {  	s3 =	sand.u32 $0x4000, s31;
	s1 =	sadd.s32 s1, s30  }
0xbb: {  	s0 =	sor.u32 s3, s0;
	s1 =	sshll.u32 s1, $0x11  }
0xbc: {  	s0 =	sor.u32 s1, s0  }
0xbd: {  	s0 =	sadd.s32 $0x8F2B, s0  }
0xbe: {  	[sflag:s0] =	ssyncadd.remote.s32 $0x1  }
0xbf: {  	_ =	sfence.sel $0xFFFF  }
0xc0: {  	[dreg:$0x0] =	wrdreg $0xFFFFFFFF;
	(pc) =	sbr.abs _section_cstart, $3  }
0xc1: {  	[dreg:$0x1] =	wrdreg $0xFFFFFFFF  }
0xc2: {  	_ =	task.clear_ibuf [dreg:s7], $0x2FFFF;
	_ =	strace $0x9FFFFFFF  }
0xc3: {  	(tm) =	ssettm $0x7FFFFFFF  }
tec
execute0_lowered:
.L_overlay_start_1:
0x0: {  	(tag) =	ssettag $0x1  }
0x1: {  	s6 =	rddreg [dreg:$0x0]  }
0x2: {  	s0 =	srdreg.scid;
	s2 =	rddreg [dreg:$0x1]  }
0x3: {  	s3 =	rddreg [dreg:$0x2];
	s14 =	simm.s32 $0x70;
	s15 =	simm.s32 $0x2800  }
0x4: {  	s16 =	simm.s32 $0x2A80;
	s17 =	simm.s32 $0x2900;
	s18 =	simm.s32 $0x6280  }
0x5: {  	s19 =	simm.s32 $0x1;
	s20 =	simm.s32 $0x2780;
	s21 =	simm.s32 $0x2  }
0x6: {  	s22 =	simm.s32 $0x2880;
	s23 =	simm.s32 $0x20;
	s24 =	simm.s32 $0x2A00  }
0x7: {  	s25 =	simm.s32 $0x2980;
	s26 =	simm.s32 $0x0;
	s5 =	sand.u32 $0x1, s0  }
0x8: {  	s0 =	stileid.u32;
	s1 =	sshll.u32 s5, $0x4;
	s30 =	smul.u32 $0x138800, s5  }
0x9: {  	s4 =	sshll.u32 s0, $0x7;
	s9 =	smul.u32 $0x1F400, s0;
	s31 =	ssub.s32 $0x2, s5  }
0xa: {  	s10 =	smul.u32 $0x7D000, s0;
	s5 =	sadd.s32 $0xD200, s6;
	p0 =	sgt.u32 s0, $0x9  }
0xb: {  	s1 =	sor.u32 s0, s1;
	s8 =	sand.u32 $0x380, s4;
	s4 =	simm.s32 $0x0  }
0xc: {  	s11 =	sshrl.u32 s31, $0x1;
	s12 =	sshll.u32 @!p0 s0, $0x6;
	s1 =	sshrl.u32 s1, $0x3  }
0xd: {  	[smem:$0x7FF] =	sst s4;
	s10 =	sshrl.u32 s10, $0x2;
	s7 =	smul.u32 $0x13C00, s1  }
0xe: {  	s12 =	sor.u32 @!p0 $0x1C03, s12;
	s1 =	rddreg [dreg:$0x3];
	_ =	strace $0x8000004A  }
0xf: {  	s13 =	sadd.s32 s10, s3;
	s10 =	simm.s32 $0x400;
	s7 =	sor.u32 s8, s7  }
0x10: {  	s13 =	sshrl.u32 @!p0 s13, $0x3;
	s8 =	sadd.s32 s9, s30;
	s7 =	sshrl.u32 s7, $0x3  }
0x11: {  	s9 =	ssub.s32 s31, s11;
	s8 =	sshrl.u32 s8, $0x3;
	s7 =	sadd.s32 s7, s6  }
0x12: {  	s11 =	simm.s32 $0x3;
	s8 =	sadd.s32 s8, s6;
	s6 =	sadd.s32 $0x3400, s7  }
0x13: {  	s7 =	sadd.s32 $0x11200, s8;
	s8 =	smax.u32 s9, $0x1;
	s9 =	simm.s32 $0x80  }
.LBB2_1:
0x14: {  	[tilespmem:s4], [sflag:$0x3] =	stream.strided.gather [hbm4b:s6+s9], $0x2780, s10, s9, $0x38;
	[tilespmem:$0x1D300] =	vst v63  }
0x15: {  	_ =	swait.ge [sflag:s11], $0x2780  }
0x16: {  	[sflag:s11] =	ssyncset.done $0x0  }
0x17: {  	s28 =	simm.s32 @!p0 $0x3;
	[sflag:s11] =	ssyncadd.s32 $0xFFFFD880  }
0x18: {  	[spmem:s13], [sflag:s12] =	dma.local @!p0 [hbm:s5], $0x3E80  }
0x19: {  	_ =	swait.ge @!p0 [sflag:s28], $0x3E80  }
0x1a: {  	[sflag:s28] =	ssyncset.done @!p0 $0x0  }
0x1b: {  	[sflag:s28] =	ssyncadd.s32 @!p0 $0xFFFFC180  }
0x1c: {  	[bflag:$0x0] =	sbarrier.arrive $0xFFFF  }
0x1d: {  	v0 =	vld [tilespmem:$0x0];
	_ =	sdelay $0x1  }
0x1e: {  	v1 =	vld [tilespmem:$0x10];
	_ =	sdelay $0x1  }
0x1f: {  	v2 =	vld [tilespmem:$0x20]  }
0x20: {  	v3 =	vshrl.u32 v0, $0xE  }
0x21: {  	v0 =	vand.u32 $0x3FFF, v0;
	[tilespmem:$0x2780] =	vst v3;
	v3 =	vld [tilespmem:$0x30]  }
0x22: {  	[tilespmem:$0x2800] =	vst v0;
	v0 =	vshrl.u32 v1, $0xE  }
0x23: {  	[tilespmem:$0x2790] =	vst v0;
	v0 =	vand.u32 $0x3FFF, v1;
	v1 =	vld [tilespmem:$0x40]  }
0x24: {  	[tilespmem:$0x2810] =	vst v0;
	v0 =	vshrl.u32 v2, $0xE  }
0x25: {  	[tilespmem:$0x27A0] =	vst v0;
	v0 =	vand.u32 $0x3FFF, v2;
	v2 =	vld [tilespmem:$0x50]  }
0x26: {  	[tilespmem:$0x2820] =	vst v0;
	v0 =	vshrl.u32 v3, $0xE  }
0x27: {  	[tilespmem:$0x27B0] =	vst v0;
	v0 =	vand.u32 $0x3FFF, v3;
	v3 =	vld [tilespmem:$0x60]  }
0x28: {  	[tilespmem:$0x2830] =	vst v0;
	v0 =	vshrl.u32 v1, $0xE  }
0x29: {  	[tilespmem:$0x27C0] =	vst v0;
	v0 =	vand.u32 $0x3FFF, v1  }
0x2a: {  	[tilespmem:$0x2840] =	vst v0;
	v0 =	vshrl.u32 v2, $0xE  }
0x2b: {  	[tilespmem:$0x27D0] =	vst v0;
	v0 =	vand.u32 $0x3FFF, v2  }
0x2c: {  	[tilespmem:$0x2850] =	vst v0;
	v0 =	vshrl.u32 v3, $0xE  }
0x2d: {  	[tilespmem:$0x27E0] =	vst v0;
	v0 =	vand.u32 $0x3FFF, v3  }
0x2e: {  	s28 =	simm.s32 $0xA0;
	[tilespmem:$0x2860] =	vst v0  }
0x2f: {  	[tilespmem:s16], [sflag:$0x1] =	stream.indirect.gather [hbm4b:s2+s14], $0x80, s15, s14, $0xb8;
	[tilespmem:$0x1D300] =	vst v63  }
0x30: {  	v0 =	vld [tilespmem:s28+$0xFFFFFFD0];
	_ =	sdelay $0x4  }
0x31: {  	v1 =	vshrl.u32 v0, $0xE  }
0x32: {  	v0 =	vand.u32 $0x3FFF, v0;
	[tilespmem:$0x2880] =	vst v1  }
0x33: {  	s29 =	sand.u32 $0x3FE0, s4;
	[tilespmem:$0x2900] =	vst v0  }
0x34: {  	v0 =	vld [tilespmem:s29+$0x80];
	_ =	sdelay $0x4  }
0x35: {  	v1 =	vshrl.u32 v0, $0xE  }
0x36: {  	v0 =	vand.u32 $0x3FFF, v0;
	[tilespmem:$0x2890] =	vst v1  }
0x37: {  	[tilespmem:$0x2910] =	vst v0  }
0x38: {  	v0 =	vld [tilespmem:s28+$0xFFFFFFF0];
	_ =	sdelay $0x4  }
0x39: {  	v1 =	vshrl.u32 v0, $0xE  }
0x3a: {  	v0 =	vand.u32 $0x3FFF, v0;
	[tilespmem:$0x28A0] =	vst v1  }
0x3b: {  	[tilespmem:$0x2920] =	vst v0  }
0x3c: {  	v0 =	vld [tilespmem:s28+$0x0];
	_ =	sdelay $0x4  }
0x3d: {  	v1 =	vshrl.u32 v0, $0xE  }
0x3e: {  	v0 =	vand.u32 $0x3FFF, v0;
	[tilespmem:$0x28B0] =	vst v1  }
0x3f: {  	[tilespmem:$0x2930] =	vst v0  }
0x40: {  	v0 =	vld [tilespmem:s28+$0x10];
	_ =	sdelay $0x4  }
0x41: {  	v1 =	vshrl.u32 v0, $0xE  }
0x42: {  	v0 =	vand.u32 $0x3FFF, v0;
	[tilespmem:$0x28C0] =	vst v1  }
0x43: {  	[tilespmem:$0x2940] =	vst v0  }
0x44: {  	v0 =	vld [tilespmem:s28+$0x20];
	_ =	sdelay $0x4  }
0x45: {  	v1 =	vshrl.u32 v0, $0xE  }
0x46: {  	v0 =	vand.u32 $0x3FFF, v0;
	[tilespmem:$0x28D0] =	vst v1  }
0x47: {  	[tilespmem:$0x2950] =	vst v0  }
0x48: {  	v0 =	vld [tilespmem:s28+$0x30];
	_ =	sdelay $0x4  }
0x49: {  	v1 =	vshrl.u32 v0, $0xE  }
0x4a: {  	v0 =	vand.u32 $0x3FFF, v0;
	[tilespmem:$0x28E0] =	vst v1  }
0x4b: {  	[tilespmem:$0x2960] =	vst v0  }
0x4c: {  	[tilespmem:s18], [sflag:$0x2] =	stream.indirect.gather [hbm4b:s2+s14], $0x80, s17, s14, $0xb8;
	[tilespmem:$0x1D300] =	vst v63  }
0x4d: {  	_ =	swait.ge [sflag:s19], $0x3800  }
0x4e: {  	[sflag:s19] =	ssyncset.done $0x0  }
0x4f: {  	[sflag:s19] =	ssyncadd.s32 $0xFFFFC800  }
0x50: {  	[spmem:s3] =	stream.indirect.scatter.add.f32 [tilespmem:s16], [sflag:$0x3], $0x80, s20, s14, $0xb8;
	[tilespmem:$0x1D300] =	vst v63  }
0x51: {  	_ =	swait.ge [sflag:s11], $0x3800  }
0x52: {  	[sflag:s11] =	ssyncset.done $0x0  }
0x53: {  	[sflag:s11] =	ssyncadd.s32 $0xFFFFC800  }
0x54: {  	v0 =	vld [tilespmem:s28+$0x40];
	_ =	sdelay $0x4  }
0x55: {  	v1 =	vshrl.u32 v0, $0xE  }
0x56: {  	v0 =	vand.u32 $0x3FFF, v0;
	[tilespmem:$0x2780] =	vst v1  }
0x57: {  	[tilespmem:$0x2800] =	vst v0  }
0x58: {  	v0 =	vld [tilespmem:s28+$0x50];
	_ =	sdelay $0x4  }
0x59: {  	v1 =	vshrl.u32 v0, $0xE  }
0x5a: {  	v0 =	vand.u32 $0x3FFF, v0;
	[tilespmem:$0x2790] =	vst v1  }
0x5b: {  	[tilespmem:$0x2810] =	vst v0  }
0x5c: {  	v0 =	vld [tilespmem:s28+$0x60];
	_ =	sdelay $0x4  }
0x5d: {  	v1 =	vshrl.u32 v0, $0xE  }
0x5e: {  	v0 =	vand.u32 $0x3FFF, v0;
	[tilespmem:$0x27A0] =	vst v1  }
0x5f: {  	[tilespmem:$0x2820] =	vst v0  }
0x60: {  	v0 =	vld [tilespmem:s28+$0x70];
	_ =	sdelay $0x4  }
0x61: {  	v1 =	vshrl.u32 v0, $0xE  }
0x62: {  	v0 =	vand.u32 $0x3FFF, v0;
	[tilespmem:$0x27B0] =	vst v1  }
0x63: {  	[tilespmem:$0x2830] =	vst v0  }
0x64: {  	v0 =	vld [tilespmem:s28+$0x80];
	_ =	sdelay $0x4  }
0x65: {  	v1 =	vshrl.u32 v0, $0xE  }
0x66: {  	v0 =	vand.u32 $0x3FFF, v0;
	[tilespmem:$0x27C0] =	vst v1  }
0x67: {  	[tilespmem:$0x2840] =	vst v0  }
0x68: {  	v0 =	vld [tilespmem:s28+$0x90];
	_ =	sdelay $0x4  }
0x69: {  	v1 =	vshrl.u32 v0, $0xE  }
0x6a: {  	v0 =	vand.u32 $0x3FFF, v0;
	[tilespmem:$0x27D0] =	vst v1  }
0x6b: {  	[tilespmem:$0x2850] =	vst v0  }
0x6c: {  	s29 =	simm.s32 $0xE0;
	v0 =	vld [tilespmem:s28+$0xA0]  }
.LBB2_2:
0x6d: {  	p1 =	sne.s32 s29, $0x25A0  }
0x6e: {  	s28 =	sadd.s32 $0xE0, s28;
	s30 =	smov.u32 s29;
	s29 =	sadd.s32 $0xE0, s29  }
0x6f: {  	_ =	sdelay $0x2  }
0x70: {  	v1 =	vshrl.u32 v0, $0xE;
	v0 =	vand.u32 $0x3FFF, v0  }
0x71: {  	[tilespmem:$0x27E0] =	vst v1  }
0x72: {  	[tilespmem:$0x2860] =	vst v0  }
0x73: {  	[tilespmem:s16], [sflag:$0x1] =	stream.indirect.gather [hbm4b:s2+s14], $0x80, s15, s14, $0xb8;
	[tilespmem:$0x1D300] =	vst v63  }
0x74: {  	_ =	swait.ge [sflag:s21], $0x3800  }
0x75: {  	[sflag:s21] =	ssyncset.done $0x0  }
0x76: {  	[sflag:s21] =	ssyncadd.s32 $0xFFFFC800  }
0x77: {  	[spmem:s3] =	stream.indirect.scatter.add.f32 [tilespmem:s18], [sflag:$0x3], $0x80, s22, s14, $0xb8;
	[tilespmem:$0x1D300] =	vst v63  }
0x78: {  	_ =	swait.ge [sflag:s11], $0x3800  }
0x79: {  	[sflag:s11] =	ssyncset.done $0x0  }
0x7a: {  	[sflag:s11] =	ssyncadd.s32 $0xFFFFC800  }
0x7b: {  	v0 =	vld [tilespmem:s28+$0xFFFFFFD0];
	_ =	sdelay $0x4  }
0x7c: {  	v1 =	vshrl.u32 v0, $0xE;
	v0 =	vand.u32 $0x3FFF, v0  }
0x7d: {  	s30 =	sand.u32 $0x3FE0, s30;
	[tilespmem:$0x2880] =	vst v1  }
0x7e: {  	[tilespmem:$0x2900] =	vst v0  }
0x7f: {  	v0 =	vld [tilespmem:s30+$0x80];
	_ =	sdelay $0x4  }
0x80: {  	v1 =	vshrl.u32 v0, $0xE;
	v0 =	vand.u32 $0x3FFF, v0  }
0x81: {  	[tilespmem:$0x2890] =	vst v1  }
0x82: {  	[tilespmem:$0x2910] =	vst v0  }
0x83: {  	v0 =	vld [tilespmem:s28+$0xFFFFFFF0];
	_ =	sdelay $0x4  }
0x84: {  	v1 =	vshrl.u32 v0, $0xE;
	v0 =	vand.u32 $0x3FFF, v0  }
0x85: {  	[tilespmem:$0x28A0] =	vst v1  }
0x86: {  	[tilespmem:$0x2920] =	vst v0  }
0x87: {  	v0 =	vld [tilespmem:s28+$0x0];
	_ =	sdelay $0x4  }
0x88: {  	v1 =	vshrl.u32 v0, $0xE;
	v0 =	vand.u32 $0x3FFF, v0  }
0x89: {  	[tilespmem:$0x28B0] =	vst v1  }
0x8a: {  	[tilespmem:$0x2930] =	vst v0  }
0x8b: {  	v0 =	vld [tilespmem:s28+$0x10];
	_ =	sdelay $0x4  }
0x8c: {  	v1 =	vshrl.u32 v0, $0xE;
	v0 =	vand.u32 $0x3FFF, v0  }
0x8d: {  	[tilespmem:$0x28C0] =	vst v1  }
0x8e: {  	[tilespmem:$0x2940] =	vst v0  }
0x8f: {  	v0 =	vld [tilespmem:s28+$0x20];
	_ =	sdelay $0x4  }
0x90: {  	v1 =	vshrl.u32 v0, $0xE;
	v0 =	vand.u32 $0x3FFF, v0  }
0x91: {  	[tilespmem:$0x28D0] =	vst v1  }
0x92: {  	[tilespmem:$0x2950] =	vst v0  }
0x93: {  	v0 =	vld [tilespmem:s28+$0x30];
	_ =	sdelay $0x4  }
0x94: {  	v1 =	vshrl.u32 v0, $0xE;
	v0 =	vand.u32 $0x3FFF, v0  }
0x95: {  	[tilespmem:$0x28E0] =	vst v1  }
0x96: {  	[tilespmem:$0x2960] =	vst v0  }
0x97: {  	[tilespmem:s18], [sflag:$0x2] =	stream.indirect.gather [hbm4b:s2+s14], $0x80, s17, s14, $0xb8;
	[tilespmem:$0x1D300] =	vst v63  }
0x98: {  	_ =	swait.ge [sflag:s19], $0x3800  }
0x99: {  	[sflag:s19] =	ssyncset.done $0x0  }
0x9a: {  	[sflag:s19] =	ssyncadd.s32 $0xFFFFC800  }
0x9b: {  	[spmem:s3] =	stream.indirect.scatter.add.f32 [tilespmem:s16], [sflag:$0x3], $0x80, s20, s14, $0xb8;
	[tilespmem:$0x1D300] =	vst v63  }
0x9c: {  	_ =	swait.ge [sflag:s11], $0x3800  }
0x9d: {  	[sflag:s11] =	ssyncset.done $0x0  }
0x9e: {  	[sflag:s11] =	ssyncadd.s32 $0xFFFFC800  }
0x9f: {  	v0 =	vld [tilespmem:s28+$0x40];
	_ =	sdelay $0x4  }
0xa0: {  	v1 =	vshrl.u32 v0, $0xE;
	v0 =	vand.u32 $0x3FFF, v0  }
0xa1: {  	[tilespmem:$0x2780] =	vst v1  }
0xa2: {  	[tilespmem:$0x2800] =	vst v0  }
0xa3: {  	v0 =	vld [tilespmem:s28+$0x50];
	_ =	sdelay $0x4  }
0xa4: {  	v1 =	vshrl.u32 v0, $0xE;
	v0 =	vand.u32 $0x3FFF, v0  }
0xa5: {  	[tilespmem:$0x2790] =	vst v1  }
0xa6: {  	[tilespmem:$0x2810] =	vst v0  }
0xa7: {  	v0 =	vld [tilespmem:s28+$0x60];
	_ =	sdelay $0x4  }
0xa8: {  	v1 =	vshrl.u32 v0, $0xE;
	v0 =	vand.u32 $0x3FFF, v0  }
0xa9: {  	[tilespmem:$0x27A0] =	vst v1  }
0xaa: {  	[tilespmem:$0x2820] =	vst v0  }
0xab: {  	v0 =	vld [tilespmem:s28+$0x70];
	_ =	sdelay $0x4  }
0xac: {  	v1 =	vshrl.u32 v0, $0xE;
	v0 =	vand.u32 $0x3FFF, v0  }
0xad: {  	[tilespmem:$0x27B0] =	vst v1  }
0xae: {  	[tilespmem:$0x2830] =	vst v0  }
0xaf: {  	v0 =	vld [tilespmem:s28+$0x80];
	_ =	sdelay $0x4  }
0xb0: {  	v1 =	vshrl.u32 v0, $0xE;
	v0 =	vand.u32 $0x3FFF, v0  }
0xb1: {  	[tilespmem:$0x27C0] =	vst v1  }
0xb2: {  	[tilespmem:$0x2840] =	vst v0  }
0xb3: {  	v0 =	vld [tilespmem:s28+$0x90];
	_ =	sdelay $0x3  }
.Ltmp0:
0xb4: {  	(pc) =	sbr.rel @p1 .LBB2_2-.Ltmp0, $4  }
0xb5: {  	v1 =	vshrl.u32 v0, $0xE;
	v0 =	vand.u32 $0x3FFF, v0  }
0xb6: {  	[tilespmem:$0x27D0] =	vst v1  }
0xb7: {  	[tilespmem:$0x2850] =	vst v0  }
0xb8: {  	v0 =	vld [tilespmem:s28+$0xA0]  }
0xb9: {  	_ =	sdelay $0x3  }
0xba: {  	v1 =	vshrl.u32 v0, $0xE  }
0xbb: {  	v59 =	vand.u32 $0x3FFF, v0;
	[tilespmem:$0x27E0] =	vst v1  }
0xbc: {  	[tilespmem:$0x2860] =	vst v59  }
0xbd: {  	[tilespmem:s16], [sflag:$0x1] =	stream.indirect.gather [hbm4b:s2+s14], $0x80, s15, s14, $0xb8;
	[tilespmem:$0x1D300] =	vst v63  }
0xbe: {  	_ =	swait.ge [sflag:s21], $0x3800  }
0xbf: {  	[sflag:s21] =	ssyncset.done $0x0  }
0xc0: {  	[sflag:s21] =	ssyncadd.s32 $0xFFFFC800  }
0xc1: {  	[spmem:s3] =	stream.indirect.scatter.add.f32 [tilespmem:s18], [sflag:$0x3], $0x80, s22, s14, $0xb8;
	[tilespmem:$0x1D300] =	vst v63  }
0xc2: {  	_ =	swait.ge [sflag:s11], $0x3800  }
0xc3: {  	[sflag:s11] =	ssyncset.done $0x0  }
0xc4: {  	[sflag:s11] =	ssyncadd.s32 $0xFFFFC800  }
0xc5: {  	_ =	swait.ge [sflag:s19], $0x3800  }
0xc6: {  	[sflag:s19] =	ssyncset.done $0x0  }
0xc7: {  	[sflag:s19] =	ssyncadd.s32 $0xFFFFC800  }
0xc8: {  	[spmem:s3] =	stream.indirect.scatter.add.f32 [tilespmem:s16], [sflag:$0x3], $0x80, s20, s14, $0xb8;
	[tilespmem:$0x1D300] =	vst v63  }
0xc9: {  	_ =	swait.ge [sflag:s11], $0x3800  }
0xca: {  	[sflag:s11] =	ssyncset.done $0x0  }
0xcb: {  	[sflag:s11] =	ssyncadd.s32 $0xFFFFC800  }
0xcc: {  	v60 =	vld [tilespmem:$0x26F0];
	_ =	sdelay $0x1  }
0xcd: {  	v61 =	vld [tilespmem:$0x2700];
	_ =	sdelay $0x2  }
0xce: {  	v2 =	vshrl.u32 v60, $0xE  }
0xcf: {  	v0 =	vand.u32 $0x3FFF, v60;
	[tilespmem:$0x2980] =	vst v2  }
0xd0: {  	v62 =	vshrl.u32 v61, $0xE;
	[tilespmem:$0x2A00] =	vst v0  }
0xd1: {  	v63 =	vand.u32 $0x3FFF, v61;
	[tilespmem:$0x2990] =	vst v62  }
0xd2: {  	[tilespmem:$0x2A10] =	vst v63  }
0xd3: {  	[tilespmem:s16], [sflag:$0x3] =	stream.indirect.gather [hbm4b:s2+s23], $0x80, s24, s23, $0xb8;
	[tilespmem:$0x1D300] =	vst v63  }
0xd4: {  	_ =	swait.ge [sflag:s11], $0x1000  }
0xd5: {  	[sflag:s11] =	ssyncset.done $0x0  }
0xd6: {  	[sflag:s11] =	ssyncadd.s32 $0xFFFFF000  }
0xd7: {  	[spmem:s3] =	stream.indirect.scatter.add.f32 [tilespmem:s16], [sflag:$0x3], $0x80, s25, s23, $0xb8;
	[tilespmem:$0x1D300] =	vst v63  }
0xd8: {  	_ =	swait.ge [sflag:s11], $0x1000  }
0xd9: {  	s26 =	sadd.s32 $0x1, s26;
	[sflag:s11] =	ssyncset.done $0x0  }
0xda: {  	p1 =	sne.s32 s26, s8;
	[sflag:s11] =	ssyncadd.s32 $0xFFFFF000  }
.Ltmp1:
0xdb: {  	s28 =	simm.s32 @!p0 $0x3;
	[bflag:$0x0] =	sbarrier.arrive $0xFFFF;
	(pc) =	sbr.rel @p1 .LBB2_1-.Ltmp1, $4  }
0xdc: {  	[hbm:s7], [sflag:s12] =	dma.local @!p0 [spmem:s13], $0x3E80  }
0xdd: {  	_ =	swait.ge @!p0 [sflag:s28], $0x3E80  }
0xde: {  	[sflag:s28] =	ssyncset.done @!p0 $0x0  }
0xdf: {  	[sflag:s28] =	ssyncadd.s32 @!p0 $0xFFFFC180  }
0xe0: {  	_ =	sfence.sel $0x180000  }
0xe1: {  	[bflag:$0x0] =	sbarrier.arrive $0xFFFF  }
0xe2: {  	p0 =	sne.s32 s0, $0x0;
	_ =	strace $0x9000004A  }
0xe3: {  	s0 =	sadd.s32 @!p0 $0x100000, s1;
	[bflag:$0x2] =	sbarrier.arrive $0xFFFF  }
0xe4: {  	[sflag:s0] =	ssyncadd.tile.s32 @!p0 $0x1;
	_ =	shalt  }
.Lfunc_end2:
_tile_overlayer_lowered:
.L_overlay_start_2:
0xe5: {  	(tag) =	ssettag $0x2  }
0xe6: {  	s0 =	rddreg [dreg:$0x0];
	s2 =	stileid.u32  }
0xe7: {  	s1 =	rddreg [dreg:$0x1];
	p0 =	sne.s32 s2, $0x0  }
0xe8: {  	s3 =	rddreg [dreg:$0x2];
	[bflag:$0x3] =	sbarrier.arrive $0xFFFF;
	s2 =	simm.s32 @!p0 $0x1C03  }
0xe9: {  	[timem:s3], [sflag:s2] =	dma.local @!p0 [hbm:s0], s1  }
0xea: {  	s0 =	simm.s32 @!p0 $0x3  }
0xeb: {  	_ =	swait.ge @!p0 [sflag:s0], s1  }
0xec: {  	s1 =	ssub.s32 @!p0 $0x0, s1;
	[sflag:s0] =	ssyncset.done @!p0 $0x0  }
0xed: {  	[sflag:s0] =	ssyncadd.s32 @!p0 s1  }
0xee: {  	[bflag:$0x3] =	sbarrier.arrive $0xFFFF  }
0xef: {  	_ =	shalt  }

// kernel: kernel.14.cloned.1.call-start
scs
__scs_entry_jumppad:
0x0: {  	(pc) =	sbr.rel $0x88, $3  }
0x1: {  	(tag) =	ssettag $0x0;
	lr =	simm.s32 $0x1  }
0x2: {  	[smem:$0x3F93] =	sst lr;
	_ =	strace $0xD0000000  }
0x3: {  	_ = 	snop  }
0x4: {  	_ = 	snop  }
0x5: {  	_ = 	snop  }
0x6: {  	_ = 	snop  }
0x7: {  	_ = 	snop  }
__scs_overlays_trampoline_lowered:
0x8: {  	[smem:$0x3FA2] =	sst s0  }
0x9: {  	[smem:$0x3FA3] =	sst s1  }
0xa: {  	[smem:$0x3FA4] =	sst s2  }
0xb: {  	[smem:$0x3FA5] =	sst s3  }
0xc: {  	[smem:$0x3FA6] =	sst s4  }
0xd: {  	[smem:$0x3FA7] =	sst s5  }
0xe: {  	[smem:$0x3FA8] =	sst s6  }
0xf: {  	[smem:$0x3FA9] =	sst s7  }
0x10: {  	[smem:$0x3FAA] =	sst s8  }
0x11: {  	[smem:$0x3FAB] =	sst s9;
	s0 =	simm.s32 @!p0 $0x0  }
0x12: {  	s1 =	sld [smem:$0x3F91];
	s0 =	simm.s32 @p0 $0x1  }
0x13: {  	[smem:$0x3FAC] =	sst s0;
	s0 =	simm.s32 @!p1 $0x0  }
0x14: {  	s2 =	sld [smem:$0x3F90];
	s0 =	simm.s32 @p1 $0x1  }
0x15: {  	[smem:$0x3FAD] =	sst s0;
	s0 =	simm.s32 @!p2 $0x0  }
0x16: {  	s3 =	sld [smem:$0x3FDB];
	s0 =	simm.s32 @p2 $0x1  }
0x17: {  	s4 =	simm.s32 $0x1BF5;
	[smem:$0x3FAF] =	sst s0  }
0x18: {  	s0 =	sld [smem:$0x3F92];
	_ =	swait.ge [sflag:s4], $0x0  }
0x19: {  	s7 =	sld [smem:$0x3F93]  }
0x1a: {  	s8 =	sadd.s32 $0xFFFFE003, lr  }
0x1b: {  	s9 =	sadd.s32 $0xFFFFFEF7, lr;
	s5 =	simm.s32 $0xFFFFFFFF;
	p2 =	slt.u32 s8, $0xFFFFF086  }
0x1c: {  	p1 =	slt.u32 s9, $0xF7A;
	s5 =	simm.s32 @!p2 $0x0  }
0x1d: {  	s5 =	simm.s32 @p1 $0x1;
	p0 =	seq.s32 s7, s2  }
0x1e: {  	s7 =	smul.u32 @!p0 $0xF7A, s2;
	p2 =	seq.s32 @!p0 s5, $0x0  }
0x1f: {  	s9 =	smul.u32 $0xF7A, s1;
	s8 =	simm.s32 @!p0 $0x1BF5;
	p2 =	por !p2, p0  }
0x20: {  	[sflag:s8] =	ssyncset.s32 @!p0 $0xFFFFF086;
	s6 =	sadd.s32 @!p0 s3, s7;
	s7 =	simm.s32 @!p0 $0x108  }
0x21: {  	s3 =	sadd.s32 s3, s9;
	s6 =	sadd.s32 @!p0 $0x88, s6;
	s7 =	simm.s32 @p2 $0x1082  }
0x22: {  	[simem:s7], [sflag:s8] =	dma.local @!p0 [hbm:s6], $0xF7A  }
0x23: {  	s9 =	sor.u32 $0xD0000000, s2;
	s6 =	simm.s32 $0x108;
	_ =	swait.ge @!p0 [sflag:s8], $0x0  }
0x24: {  	s3 =	sadd.s32 $0x88, s3;
	s6 =	simm.s32 @!p1 $0x1082;
	[sflag:s4] =	ssyncset.s32 $0xFFFFF086  }
0x25: {  	[simem:s6], [sflag:s4] =	dma.local [hbm:s3], $0xF7A  }
0x26: {  	[smem:$0x3F93] =	sst s1;
	(tag) =	ssettag s2;
	_ =	strace s9  }
0x27: {  	s1 =	sld [smem:$0x3FA3]  }
0x28: {  	s2 =	sld [smem:$0x3FA4]  }
0x29: {  	s4 =	sld [smem:$0x3FA6]  }
0x2a: {  	p0 =	seq.s32 s5, $0x0;
	s5 =	sld [smem:$0x3FA7]  }
0x2b: {  	s6 =	sld [smem:$0x3FA8]  }
0x2c: {  	s7 =	sld [smem:$0x3FA9]  }
0x2d: {  	s3 =	simm.s32 $0x108;
	s8 =	sld [smem:$0x3FAA]  }
0x2e: {  	s3 =	simm.s32 @!p0 $0x1082;
	s9 =	sld [smem:$0x3FAB]  }
0x2f: {  	lr =	sadd.s32 s0, s3;
	s0 =	sld [smem:$0x3FA2]  }
0x30: {  	s3 =	sld [smem:$0x3FA5]  }
0x31: {  	[smem:$0x3FAE] =	sst s10  }
0x32: {  	s10 =	sld [smem:$0x3FAC];
	_ =	sdelay $0x3  }
0x33: {  	p0 =	seq.s32 s10, $0x1;
	s10 =	sld [smem:$0x3FAE];
	_ =	sdelay $0x3  }
0x34: {  	[smem:$0x3FAE] =	sst s10  }
0x35: {  	s10 =	sld [smem:$0x3FAD];
	_ =	sdelay $0x3  }
0x36: {  	p1 =	seq.s32 s10, $0x1;
	s10 =	sld [smem:$0x3FAE];
	_ =	sdelay $0x3  }
0x37: {  	[smem:$0x3FAE] =	sst s10  }
0x38: {  	s10 =	sld [smem:$0x3FAF]  }
0x39: {  	_ = 	snop;
	(pc) =	sbr.ind lr, $3  }
0x3a: {  	_ = 	snop  }
0x3b: {  	_ = 	snop  }
0x3c: {  	p2 =	seq.s32 s10, $0x1;
	s10 =	sld [smem:$0x3FAE]  }
0x3d: {  	_ =	shalt  }
0x3e: {  	_ =	shalt  }
0x3f: {  	_ =	shalt  }
0x40: {  	_ =	shalt  }
0x41: {  	_ =	shalt  }
0x42: {  	_ =	shalt  }
0x43: {  	_ =	shalt  }
0x44: {  	_ =	shalt  }
0x45: {  	_ =	shalt  }
0x46: {  	_ =	shalt  }
0x47: {  	_ =	shalt  }
0x48: {  	_ =	shalt  }
0x49: {  	_ =	shalt  }
0x4a: {  	_ =	shalt  }
0x4b: {  	_ =	shalt  }
0x4c: {  	_ =	shalt  }
0x4d: {  	_ =	shalt  }
0x4e: {  	_ =	shalt  }
0x4f: {  	_ =	shalt  }
0x50: {  	_ =	shalt  }
0x51: {  	_ =	shalt  }
0x52: {  	_ =	shalt  }
0x53: {  	_ =	shalt  }
0x54: {  	_ =	shalt  }
0x55: {  	_ =	shalt  }
0x56: {  	_ =	shalt  }
0x57: {  	_ =	shalt  }
0x58: {  	_ =	shalt  }
0x59: {  	_ =	shalt  }
0x5a: {  	_ =	shalt  }
0x5b: {  	_ =	shalt  }
0x5c: {  	_ =	shalt  }
0x5d: {  	_ =	shalt  }
0x5e: {  	_ =	shalt  }
0x5f: {  	_ =	shalt  }
0x60: {  	_ =	shalt  }
0x61: {  	_ =	shalt  }
0x62: {  	_ =	shalt  }
0x63: {  	_ =	shalt  }
0x64: {  	_ =	shalt  }
0x65: {  	_ =	shalt  }
0x66: {  	_ =	shalt  }
0x67: {  	_ =	shalt  }
0x68: {  	_ =	shalt  }
0x69: {  	_ =	shalt  }
0x6a: {  	_ =	shalt  }
0x6b: {  	_ =	shalt  }
0x6c: {  	_ =	shalt  }
0x6d: {  	_ =	shalt  }
0x6e: {  	_ =	shalt  }
0x6f: {  	_ =	shalt  }
0x70: {  	_ =	shalt  }
0x71: {  	_ =	shalt  }
0x72: {  	_ =	shalt  }
0x73: {  	_ =	shalt  }
0x74: {  	_ =	shalt  }
0x75: {  	_ =	shalt  }
0x76: {  	_ =	shalt  }
0x77: {  	_ =	shalt  }
0x78: {  	_ =	shalt  }
0x79: {  	_ =	shalt  }
0x7a: {  	_ =	shalt  }
0x7b: {  	_ =	shalt  }
0x7c: {  	_ =	shalt  }
0x7d: {  	_ =	shalt  }
0x7e: {  	_ =	shalt  }
0x7f: {  	_ =	shalt  }
0x80: {  	_ =	shalt  }
0x81: {  	_ =	shalt  }
0x82: {  	_ =	shalt  }
0x83: {  	_ =	shalt  }
0x84: {  	_ =	shalt  }
0x85: {  	_ =	shalt  }
0x86: {  	_ =	shalt  }
0x87: {  	_ =	shalt  }
.Lfunc_end0:
.L_simem_size_0:
called_computation.2_lowered:
.L_overlay_start_0:
0x88: {  	s2 =	sld [smem:$0x3FD9]  }
0x89: {  	s3 =	sld [smem:$0x3FFE];
	_ =	sdelay $0x1  }
0x8a: {  	s1 =	srdreg.scid  }
0x8b: {  	s0 =	sand.u32 $0x1, s1  }
0x8c: {  	s17 =	sshll.u32 s0, $0xA;
	s2 =	sadd.s32 s3, s2  }
0x8d: {  	s2 =	sadd.s32 s2, s17  }
0x8e: {  	[smem:$0x3FBA] =	sst s2  }
0x8f: {  	_ = 	snop  }
0x90: {  	s2 =	sld [smem:$0x3FD0];
	(tm) =	ssettm $0x1  }
0x91: {  	s18 =	sld [smem:$0x3FFB];
	_ =	sdelay $0x3  }
0x92: {  	_ =	strace s18  }
0x93: {  	s3 =	sld [smem:$0x3FFC];
	_ =	sdelay $0x3  }
0x94: {  	_ =	strace s3  }
0x95: {  	s3 =	sld [smem:$0x3FFD];
	_ =	sdelay $0x3  }
0x96: {  	_ =	strace s3  }
0x97: {  	_ =	strace $0x8FFFFFFF  }
0x98: {  	s19 =	sld [smem:$0x3FDB];
	_ =	sdelay $0x1  }
0x99: {  	s4 =	simm.s32 $_scs_section_size  }
0x9a: {  	s5 =	simm.s32 $_size__tile_overlayer_lowered;
	s6 =	simm.s32 $_tile_overlayer_lowered  }
0x9b: {  	s22 =	simm.s32 $0x1BFF;
	s21 =	sshll.u32 s6, $0x1;
	s3 =	sadd.s32 s4, s19  }
0x9c: {  	s7 =	simm.s32 $0x0;
	s20 =	sshll.u32 s5, $0x1;
	s5 =	sadd.s32 s21, s3  }
0x9d: {  	[timem:s7], [sflag:s22] =	dma.local [hbm:s5], s20  }
0x9e: {  	_ =	swait.ge [sflag:s22], s20  }
0x9f: {  	s4 =	ssub.s32 $0x0, s20;
	[sflag:s22] =	ssyncset.done $0x0  }
0xa0: {  	[sflag:s22] =	ssyncadd.s32 s4;
	_ =	sdelay $0x1  }
0xa1: {  	s23 =	simm.s32 $0x1B8B  }
0xa2: {  	_ =	swait.ge [sflag:s23], $0x1  }
0xa3: {  	[sflag:s23] =	ssyncset.done $0x0  }
0xa4: {  	s25 =	simm.s32 $0x1B8E;
	s24 =	sld [smem:$0x3FFE];
	[sflag:s23] =	ssyncadd.s32 $0xFFFFFFFF  }
0xa5: {  	s26 =	simm.s32 $execute0_lowered;
	[smem:$0x3FD2] =	sst s25  }
0xa6: {  	s5 =	sshll.u32 s26, $0x1;
	_ =	strace $0x8000004C;
	[dreg:$0x1] =	wrdreg $0xFFFFFFFF  }
0xa7: {  	s28 =	simm.s32 $_size_execute0_lowered;
	s3 =	sadd.s32 s3, s5;
	[dreg:$0x0] =	wrdreg $0x0  }
0xa8: {  	s5 =	sshll.u32 s28, $0x1;
	[dreg:$0x2] =	wrdreg s3  }
0xa9: {  	[dreg:$0x3] =	wrdreg s5  }
0xaa: {  	[dreg:$0x4] =	wrdreg $0xC0  }
0xab: {  	_ =	task [dreg:s7], $0x5FFFF  }
0xac: {  	[dreg:$0x1] =	wrdreg $0xFFFFFFFF  }
0xad: {  	[dreg:$0x0] =	wrdreg $0x60  }
0xae: {  	[dreg:$0x2] =	wrdreg s24  }
0xaf: {  	[dreg:$0x3] =	wrdreg s2  }
0xb0: {  	[dreg:$0x4] =	wrdreg $0x9A800  }
0xb1: {  	[dreg:$0x5] =	wrdreg $0x9  }
0xb2: {  	_ =	task.clear_ibuf [dreg:s7], $0x6FFFF;
	_ =	strace $0x9000004C  }
0xb3: {  	s29 =	simm.s32 $0x9;
	_ =	strace $0x8000004E  }
0xb4: {  	_ =	swait.ge [sflag:s29], $0x1  }
0xb5: {  	[sflag:s29] =	ssyncadd.s32 $0xFFFFFFFF  }
0xb6: {  	_ =	strace $0x9000004E  }
0xb7: {  	_ =	sfence  }
0xb8: {  	s30 =	sld [smem:$0x0];
	_ =	sdelay $0x2  }
0xb9: {  	s31 =	sshll.u32 s1, $0xD;
	s1 =	sshrl.u32 s1, $0x2  }
0xba: {  	s3 =	sand.u32 $0x4000, s31;
	s1 =	sadd.s32 s1, s30  }
0xbb: {  	s0 =	sor.u32 s3, s0;
	s1 =	sshll.u32 s1, $0x11  }
0xbc: {  	s0 =	sor.u32 s1, s0  }
0xbd: {  	s0 =	sadd.s32 $0x8F2B, s0  }
0xbe: {  	[sflag:s0] =	ssyncadd.remote.s32 $0x1  }
0xbf: {  	_ =	sfence.sel $0xFFFF  }
0xc0: {  	[dreg:$0x0] =	wrdreg $0xFFFFFFFF;
	(pc) =	sbr.abs _section_cstart, $3  }
0xc1: {  	[dreg:$0x1] =	wrdreg $0xFFFFFFFF  }
0xc2: {  	_ =	task.clear_ibuf [dreg:s7], $0x2FFFF;
	_ =	strace $0x9FFFFFFF  }
0xc3: {  	(tm) =	ssettm $0x7FFFFFFF  }
tec
execute0_lowered:
.L_overlay_start_1:
0x0: {  	(tag) =	ssettag $0x1  }
0x1: {  	s6 =	rddreg [dreg:$0x0]  }
0x2: {  	s0 =	srdreg.scid;
	s2 =	rddreg [dreg:$0x1]  }
0x3: {  	s3 =	rddreg [dreg:$0x2];
	s14 =	simm.s32 $0x70;
	s15 =	simm.s32 $0x2800  }
0x4: {  	s16 =	simm.s32 $0x2A80;
	s17 =	simm.s32 $0x2900;
	s18 =	simm.s32 $0x6280  }
0x5: {  	s19 =	simm.s32 $0x1;
	s20 =	simm.s32 $0x2780;
	s21 =	simm.s32 $0x2  }
0x6: {  	s22 =	simm.s32 $0x2880;
	s23 =	simm.s32 $0x20;
	s24 =	simm.s32 $0x2A00  }
0x7: {  	s25 =	simm.s32 $0x2980;
	s26 =	simm.s32 $0x0;
	s5 =	sand.u32 $0x1, s0  }
0x8: {  	s0 =	stileid.u32;
	s1 =	sshll.u32 s5, $0x4;
	s30 =	smul.u32 $0x138800, s5  }
0x9: {  	s4 =	sshll.u32 s0, $0x7;
	s9 =	smul.u32 $0x1F400, s0;
	s31 =	ssub.s32 $0x2, s5  }
0xa: {  	s10 =	smul.u32 $0x7D000, s0;
	s5 =	sadd.s32 $0xD200, s6;
	p0 =	sgt.u32 s0, $0x9  }
0xb: {  	s1 =	sor.u32 s0, s1;
	s8 =	sand.u32 $0x380, s4;
	s4 =	simm.s32 $0x0  }
0xc: {  	s11 =	sshrl.u32 s31, $0x1;
	s12 =	sshll.u32 @!p0 s0, $0x6;
	s1 =	sshrl.u32 s1, $0x3  }
0xd: {  	[smem:$0x7FF] =	sst s4;
	s10 =	sshrl.u32 s10, $0x2;
	s7 =	smul.u32 $0x13C00, s1  }
0xe: {  	s12 =	sor.u32 @!p0 $0x1C03, s12;
	s1 =	rddreg [dreg:$0x3];
	_ =	strace $0x8000004D  }
0xf: {  	s13 =	sadd.s32 s10, s3;
	s10 =	simm.s32 $0x400;
	s7 =	sor.u32 s8, s7  }
0x10: {  	s13 =	sshrl.u32 @!p0 s13, $0x3;
	s8 =	sadd.s32 s9, s30;
	s7 =	sshrl.u32 s7, $0x3  }
0x11: {  	s9 =	ssub.s32 s31, s11;
	s8 =	sshrl.u32 s8, $0x3;
	s7 =	sadd.s32 s7, s6  }
0x12: {  	s11 =	simm.s32 $0x3;
	s8 =	sadd.s32 s8, s6;
	s6 =	sadd.s32 $0x3400, s7  }
0x13: {  	s7 =	sadd.s32 $0x11200, s8;
	s8 =	smax.u32 s9, $0x1;
	s9 =	simm.s32 $0x80  }
.LBB2_1:
0x14: {  	[tilespmem:s4], [sflag:$0x3] =	stream.strided.gather [hbm4b:s6+s9], $0x2780, s10, s9, $0x38;
	[tilespmem:$0x1D300] =	vst v63  }
0x15: {  	_ =	swait.ge [sflag:s11], $0x2780  }
0x16: {  	[sflag:s11] =	ssyncset.done $0x0  }
0x17: {  	s28 =	simm.s32 @!p0 $0x3;
	[sflag:s11] =	ssyncadd.s32 $0xFFFFD880  }
0x18: {  	[spmem:s13], [sflag:s12] =	dma.local @!p0 [hbm:s5], $0x3E80  }
0x19: {  	_ =	swait.ge @!p0 [sflag:s28], $0x3E80  }
0x1a: {  	[sflag:s28] =	ssyncset.done @!p0 $0x0  }
0x1b: {  	[sflag:s28] =	ssyncadd.s32 @!p0 $0xFFFFC180  }
0x1c: {  	[bflag:$0x0] =	sbarrier.arrive $0xFFFF  }
0x1d: {  	v0 =	vld [tilespmem:$0x0];
	_ =	sdelay $0x1  }
0x1e: {  	v1 =	vld [tilespmem:$0x10];
	_ =	sdelay $0x1  }
0x1f: {  	v2 =	vld [tilespmem:$0x20]  }
0x20: {  	v3 =	vshrl.u32 v0, $0xE  }
0x21: {  	v0 =	vand.u32 $0x3FFF, v0;
	[tilespmem:$0x2780] =	vst v3;
	v3 =	vld [tilespmem:$0x30]  }
0x22: {  	[tilespmem:$0x2800] =	vst v0;
	v0 =	vshrl.u32 v1, $0xE  }
0x23: {  	[tilespmem:$0x2790] =	vst v0;
	v0 =	vand.u32 $0x3FFF, v1;
	v1 =	vld [tilespmem:$0x40]  }
0x24: {  	[tilespmem:$0x2810] =	vst v0;
	v0 =	vshrl.u32 v2, $0xE  }
0x25: {  	[tilespmem:$0x27A0] =	vst v0;
	v0 =	vand.u32 $0x3FFF, v2;
	v2 =	vld [tilespmem:$0x50]  }
0x26: {  	[tilespmem:$0x2820] =	vst v0;
	v0 =	vshrl.u32 v3, $0xE  }
0x27: {  	[tilespmem:$0x27B0] =	vst v0;
	v0 =	vand.u32 $0x3FFF, v3;
	v3 =	vld [tilespmem:$0x60]  }
0x28: {  	[tilespmem:$0x2830] =	vst v0;
	v0 =	vshrl.u32 v1, $0xE  }
0x29: {  	[tilespmem:$0x27C0] =	vst v0;
	v0 =	vand.u32 $0x3FFF, v1  }
0x2a: {  	[tilespmem:$0x2840] =	vst v0;
	v0 =	vshrl.u32 v2, $0xE  }
0x2b: {  	[tilespmem:$0x27D0] =	vst v0;
	v0 =	vand.u32 $0x3FFF, v2  }
0x2c: {  	[tilespmem:$0x2850] =	vst v0;
	v0 =	vshrl.u32 v3, $0xE  }
0x2d: {  	[tilespmem:$0x27E0] =	vst v0;
	v0 =	vand.u32 $0x3FFF, v3  }
0x2e: {  	s28 =	simm.s32 $0xA0;
	[tilespmem:$0x2860] =	vst v0  }
0x2f: {  	[tilespmem:s16], [sflag:$0x1] =	stream.indirect.gather [hbm4b:s2+s14], $0x80, s15, s14, $0xb8;
	[tilespmem:$0x1D300] =	vst v63  }
0x30: {  	v0 =	vld [tilespmem:s28+$0xFFFFFFD0];
	_ =	sdelay $0x4  }
0x31: {  	v1 =	vshrl.u32 v0, $0xE  }
0x32: {  	v0 =	vand.u32 $0x3FFF, v0;
	[tilespmem:$0x2880] =	vst v1  }
0x33: {  	s29 =	sand.u32 $0x3FE0, s4;
	[tilespmem:$0x2900] =	vst v0  }
0x34: {  	v0 =	vld [tilespmem:s29+$0x80];
	_ =	sdelay $0x4  }
0x35: {  	v1 =	vshrl.u32 v0, $0xE  }
0x36: {  	v0 =	vand.u32 $0x3FFF, v0;
	[tilespmem:$0x2890] =	vst v1  }
0x37: {  	[tilespmem:$0x2910] =	vst v0  }
0x38: {  	v0 =	vld [tilespmem:s28+$0xFFFFFFF0];
	_ =	sdelay $0x4  }
0x39: {  	v1 =	vshrl.u32 v0, $0xE  }
0x3a: {  	v0 =	vand.u32 $0x3FFF, v0;
	[tilespmem:$0x28A0] =	vst v1  }
0x3b: {  	[tilespmem:$0x2920] =	vst v0  }
0x3c: {  	v0 =	vld [tilespmem:s28+$0x0];
	_ =	sdelay $0x4  }
0x3d: {  	v1 =	vshrl.u32 v0, $0xE  }
0x3e: {  	v0 =	vand.u32 $0x3FFF, v0;
	[tilespmem:$0x28B0] =	vst v1  }
0x3f: {  	[tilespmem:$0x2930] =	vst v0  }
0x40: {  	v0 =	vld [tilespmem:s28+$0x10];
	_ =	sdelay $0x4  }
0x41: {  	v1 =	vshrl.u32 v0, $0xE  }
0x42: {  	v0 =	vand.u32 $0x3FFF, v0;
	[tilespmem:$0x28C0] =	vst v1  }
0x43: {  	[tilespmem:$0x2940] =	vst v0  }
0x44: {  	v0 =	vld [tilespmem:s28+$0x20];
	_ =	sdelay $0x4  }
0x45: {  	v1 =	vshrl.u32 v0, $0xE  }
0x46: {  	v0 =	vand.u32 $0x3FFF, v0;
	[tilespmem:$0x28D0] =	vst v1  }
0x47: {  	[tilespmem:$0x2950] =	vst v0  }
0x48: {  	v0 =	vld [tilespmem:s28+$0x30];
	_ =	sdelay $0x4  }
0x49: {  	v1 =	vshrl.u32 v0, $0xE  }
0x4a: {  	v0 =	vand.u32 $0x3FFF, v0;
	[tilespmem:$0x28E0] =	vst v1  }
0x4b: {  	[tilespmem:$0x2960] =	vst v0  }
0x4c: {  	[tilespmem:s18], [sflag:$0x2] =	stream.indirect.gather [hbm4b:s2+s14], $0x80, s17, s14, $0xb8;
	[tilespmem:$0x1D300] =	vst v63  }
0x4d: {  	_ =	swait.ge [sflag:s19], $0x3800  }
0x4e: {  	[sflag:s19] =	ssyncset.done $0x0  }
0x4f: {  	[sflag:s19] =	ssyncadd.s32 $0xFFFFC800  }
0x50: {  	[spmem:s3] =	stream.indirect.scatter.add.f32 [tilespmem:s16], [sflag:$0x3], $0x80, s20, s14, $0xb8;
	[tilespmem:$0x1D300] =	vst v63  }
0x51: {  	_ =	swait.ge [sflag:s11], $0x3800  }
0x52: {  	[sflag:s11] =	ssyncset.done $0x0  }
0x53: {  	[sflag:s11] =	ssyncadd.s32 $0xFFFFC800  }
0x54: {  	v0 =	vld [tilespmem:s28+$0x40];
	_ =	sdelay $0x4  }
0x55: {  	v1 =	vshrl.u32 v0, $0xE  }
0x56: {  	v0 =	vand.u32 $0x3FFF, v0;
	[tilespmem:$0x2780] =	vst v1  }
0x57: {  	[tilespmem:$0x2800] =	vst v0  }
0x58: {  	v0 =	vld [tilespmem:s28+$0x50];
	_ =	sdelay $0x4  }
0x59: {  	v1 =	vshrl.u32 v0, $0xE  }
0x5a: {  	v0 =	vand.u32 $0x3FFF, v0;
	[tilespmem:$0x2790] =	vst v1  }
0x5b: {  	[tilespmem:$0x2810] =	vst v0  }
0x5c: {  	v0 =	vld [tilespmem:s28+$0x60];
	_ =	sdelay $0x4  }
0x5d: {  	v1 =	vshrl.u32 v0, $0xE  }
0x5e: {  	v0 =	vand.u32 $0x3FFF, v0;
	[tilespmem:$0x27A0] =	vst v1  }
0x5f: {  	[tilespmem:$0x2820] =	vst v0  }
0x60: {  	v0 =	vld [tilespmem:s28+$0x70];
	_ =	sdelay $0x4  }
0x61: {  	v1 =	vshrl.u32 v0, $0xE  }
0x62: {  	v0 =	vand.u32 $0x3FFF, v0;
	[tilespmem:$0x27B0] =	vst v1  }
0x63: {  	[tilespmem:$0x2830] =	vst v0  }
0x64: {  	v0 =	vld [tilespmem:s28+$0x80];
	_ =	sdelay $0x4  }
0x65: {  	v1 =	vshrl.u32 v0, $0xE  }
0x66: {  	v0 =	vand.u32 $0x3FFF, v0;
	[tilespmem:$0x27C0] =	vst v1  }
0x67: {  	[tilespmem:$0x2840] =	vst v0  }
0x68: {  	v0 =	vld [tilespmem:s28+$0x90];
	_ =	sdelay $0x4  }
0x69: {  	v1 =	vshrl.u32 v0, $0xE  }
0x6a: {  	v0 =	vand.u32 $0x3FFF, v0;
	[tilespmem:$0x27D0] =	vst v1  }
0x6b: {  	[tilespmem:$0x2850] =	vst v0  }
0x6c: {  	s29 =	simm.s32 $0xE0;
	v0 =	vld [tilespmem:s28+$0xA0]  }
.LBB2_2:
0x6d: {  	p1 =	sne.s32 s29, $0x25A0  }
0x6e: {  	s28 =	sadd.s32 $0xE0, s28;
	s30 =	smov.u32 s29;
	s29 =	sadd.s32 $0xE0, s29  }
0x6f: {  	_ =	sdelay $0x2  }
0x70: {  	v1 =	vshrl.u32 v0, $0xE;
	v0 =	vand.u32 $0x3FFF, v0  }
0x71: {  	[tilespmem:$0x27E0] =	vst v1  }
0x72: {  	[tilespmem:$0x2860] =	vst v0  }
0x73: {  	[tilespmem:s16], [sflag:$0x1] =	stream.indirect.gather [hbm4b:s2+s14], $0x80, s15, s14, $0xb8;
	[tilespmem:$0x1D300] =	vst v63  }
0x74: {  	_ =	swait.ge [sflag:s21], $0x3800  }
0x75: {  	[sflag:s21] =	ssyncset.done $0x0  }
0x76: {  	[sflag:s21] =	ssyncadd.s32 $0xFFFFC800  }
0x77: {  	[spmem:s3] =	stream.indirect.scatter.add.f32 [tilespmem:s18], [sflag:$0x3], $0x80, s22, s14, $0xb8;
	[tilespmem:$0x1D300] =	vst v63  }
0x78: {  	_ =	swait.ge [sflag:s11], $0x3800  }
0x79: {  	[sflag:s11] =	ssyncset.done $0x0  }
0x7a: {  	[sflag:s11] =	ssyncadd.s32 $0xFFFFC800  }
0x7b: {  	v0 =	vld [tilespmem:s28+$0xFFFFFFD0];
	_ =	sdelay $0x4  }
0x7c: {  	v1 =	vshrl.u32 v0, $0xE;
	v0 =	vand.u32 $0x3FFF, v0  }
0x7d: {  	s30 =	sand.u32 $0x3FE0, s30;
	[tilespmem:$0x2880] =	vst v1  }
0x7e: {  	[tilespmem:$0x2900] =	vst v0  }
0x7f: {  	v0 =	vld [tilespmem:s30+$0x80];
	_ =	sdelay $0x4  }
0x80: {  	v1 =	vshrl.u32 v0, $0xE;
	v0 =	vand.u32 $0x3FFF, v0  }
0x81: {  	[tilespmem:$0x2890] =	vst v1  }
0x82: {  	[tilespmem:$0x2910] =	vst v0  }
0x83: {  	v0 =	vld [tilespmem:s28+$0xFFFFFFF0];
	_ =	sdelay $0x4  }
0x84: {  	v1 =	vshrl.u32 v0, $0xE;
	v0 =	vand.u32 $0x3FFF, v0  }
0x85: {  	[tilespmem:$0x28A0] =	vst v1  }
0x86: {  	[tilespmem:$0x2920] =	vst v0  }
0x87: {  	v0 =	vld [tilespmem:s28+$0x0];
	_ =	sdelay $0x4  }
0x88: {  	v1 =	vshrl.u32 v0, $0xE;
	v0 =	vand.u32 $0x3FFF, v0  }
0x89: {  	[tilespmem:$0x28B0] =	vst v1  }
0x8a: {  	[tilespmem:$0x2930] =	vst v0  }
0x8b: {  	v0 =	vld [tilespmem:s28+$0x10];
	_ =	sdelay $0x4  }
0x8c: {  	v1 =	vshrl.u32 v0, $0xE;
	v0 =	vand.u32 $0x3FFF, v0  }
0x8d: {  	[tilespmem:$0x28C0] =	vst v1  }
0x8e: {  	[tilespmem:$0x2940] =	vst v0  }
0x8f: {  	v0 =	vld [tilespmem:s28+$0x20];
	_ =	sdelay $0x4  }
0x90: {  	v1 =	vshrl.u32 v0, $0xE;
	v0 =	vand.u32 $0x3FFF, v0  }
0x91: {  	[tilespmem:$0x28D0] =	vst v1  }
0x92: {  	[tilespmem:$0x2950] =	vst v0  }
0x93: {  	v0 =	vld [tilespmem:s28+$0x30];
	_ =	sdelay $0x4  }
0x94: {  	v1 =	vshrl.u32 v0, $0xE;
	v0 =	vand.u32 $0x3FFF, v0  }
0x95: {  	[tilespmem:$0x28E0] =	vst v1  }
0x96: {  	[tilespmem:$0x2960] =	vst v0  }
0x97: {  	[tilespmem:s18], [sflag:$0x2] =	stream.indirect.gather [hbm4b:s2+s14], $0x80, s17, s14, $0xb8;
	[tilespmem:$0x1D300] =	vst v63  }
0x98: {  	_ =	swait.ge [sflag:s19], $0x3800  }
0x99: {  	[sflag:s19] =	ssyncset.done $0x0  }
0x9a: {  	[sflag:s19] =	ssyncadd.s32 $0xFFFFC800  }
0x9b: {  	[spmem:s3] =	stream.indirect.scatter.add.f32 [tilespmem:s16], [sflag:$0x3], $0x80, s20, s14, $0xb8;
	[tilespmem:$0x1D300] =	vst v63  }
0x9c: {  	_ =	swait.ge [sflag:s11], $0x3800  }
0x9d: {  	[sflag:s11] =	ssyncset.done $0x0  }
0x9e: {  	[sflag:s11] =	ssyncadd.s32 $0xFFFFC800  }
0x9f: {  	v0 =	vld [tilespmem:s28+$0x40];
	_ =	sdelay $0x4  }
0xa0: {  	v1 =	vshrl.u32 v0, $0xE;
	v0 =	vand.u32 $0x3FFF, v0  }
0xa1: {  	[tilespmem:$0x2780] =	vst v1  }
0xa2: {  	[tilespmem:$0x2800] =	vst v0  }
0xa3: {  	v0 =	vld [tilespmem:s28+$0x50];
	_ =	sdelay $0x4  }
0xa4: {  	v1 =	vshrl.u32 v0, $0xE;
	v0 =	vand.u32 $0x3FFF, v0  }
0xa5: {  	[tilespmem:$0x2790] =	vst v1  }
0xa6: {  	[tilespmem:$0x2810] =	vst v0  }
0xa7: {  	v0 =	vld [tilespmem:s28+$0x60];
	_ =	sdelay $0x4  }
0xa8: {  	v1 =	vshrl.u32 v0, $0xE;
	v0 =	vand.u32 $0x3FFF, v0  }
0xa9: {  	[tilespmem:$0x27A0] =	vst v1  }
0xaa: {  	[tilespmem:$0x2820] =	vst v0  }
0xab: {  	v0 =	vld [tilespmem:s28+$0x70];
	_ =	sdelay $0x4  }
0xac: {  	v1 =	vshrl.u32 v0, $0xE;
	v0 =	vand.u32 $0x3FFF, v0  }
0xad: {  	[tilespmem:$0x27B0] =	vst v1  }
0xae: {  	[tilespmem:$0x2830] =	vst v0  }
0xaf: {  	v0 =	vld [tilespmem:s28+$0x80];
	_ =	sdelay $0x4  }
0xb0: {  	v1 =	vshrl.u32 v0, $0xE;
	v0 =	vand.u32 $0x3FFF, v0  }
0xb1: {  	[tilespmem:$0x27C0] =	vst v1  }
0xb2: {  	[tilespmem:$0x2840] =	vst v0  }
0xb3: {  	v0 =	vld [tilespmem:s28+$0x90];
	_ =	sdelay $0x3  }
.Ltmp0:
0xb4: {  	(pc) =	sbr.rel @p1 .LBB2_2-.Ltmp0, $4  }
0xb5: {  	v1 =	vshrl.u32 v0, $0xE;
	v0 =	vand.u32 $0x3FFF, v0  }
0xb6: {  	[tilespmem:$0x27D0] =	vst v1  }
0xb7: {  	[tilespmem:$0x2850] =	vst v0  }
0xb8: {  	v0 =	vld [tilespmem:s28+$0xA0]  }
0xb9: {  	_ =	sdelay $0x3  }
0xba: {  	v1 =	vshrl.u32 v0, $0xE  }
0xbb: {  	v59 =	vand.u32 $0x3FFF, v0;
	[tilespmem:$0x27E0] =	vst v1  }
0xbc: {  	[tilespmem:$0x2860] =	vst v59  }
0xbd: {  	[tilespmem:s16], [sflag:$0x1] =	stream.indirect.gather [hbm4b:s2+s14], $0x80, s15, s14, $0xb8;
	[tilespmem:$0x1D300] =	vst v63  }
0xbe: {  	_ =	swait.ge [sflag:s21], $0x3800  }
0xbf: {  	[sflag:s21] =	ssyncset.done $0x0  }
0xc0: {  	[sflag:s21] =	ssyncadd.s32 $0xFFFFC800  }
0xc1: {  	[spmem:s3] =	stream.indirect.scatter.add.f32 [tilespmem:s18], [sflag:$0x3], $0x80, s22, s14, $0xb8;
	[tilespmem:$0x1D300] =	vst v63  }
0xc2: {  	_ =	swait.ge [sflag:s11], $0x3800  }
0xc3: {  	[sflag:s11] =	ssyncset.done $0x0  }
0xc4: {  	[sflag:s11] =	ssyncadd.s32 $0xFFFFC800  }
0xc5: {  	_ =	swait.ge [sflag:s19], $0x3800  }
0xc6: {  	[sflag:s19] =	ssyncset.done $0x0  }
0xc7: {  	[sflag:s19] =	ssyncadd.s32 $0xFFFFC800  }
0xc8: {  	[spmem:s3] =	stream.indirect.scatter.add.f32 [tilespmem:s16], [sflag:$0x3], $0x80, s20, s14, $0xb8;
	[tilespmem:$0x1D300] =	vst v63  }
0xc9: {  	_ =	swait.ge [sflag:s11], $0x3800  }
0xca: {  	[sflag:s11] =	ssyncset.done $0x0  }
0xcb: {  	[sflag:s11] =	ssyncadd.s32 $0xFFFFC800  }
0xcc: {  	v60 =	vld [tilespmem:$0x26F0];
	_ =	sdelay $0x1  }
0xcd: {  	v61 =	vld [tilespmem:$0x2700];
	_ =	sdelay $0x2  }
0xce: {  	v2 =	vshrl.u32 v60, $0xE  }
0xcf: {  	v0 =	vand.u32 $0x3FFF, v60;
	[tilespmem:$0x2980] =	vst v2  }
0xd0: {  	v62 =	vshrl.u32 v61, $0xE;
	[tilespmem:$0x2A00] =	vst v0  }
0xd1: {  	v63 =	vand.u32 $0x3FFF, v61;
	[tilespmem:$0x2990] =	vst v62  }
0xd2: {  	[tilespmem:$0x2A10] =	vst v63  }
0xd3: {  	[tilespmem:s16], [sflag:$0x3] =	stream.indirect.gather [hbm4b:s2+s23], $0x80, s24, s23, $0xb8;
	[tilespmem:$0x1D300] =	vst v63  }
0xd4: {  	_ =	swait.ge [sflag:s11], $0x1000  }
0xd5: {  	[sflag:s11] =	ssyncset.done $0x0  }
0xd6: {  	[sflag:s11] =	ssyncadd.s32 $0xFFFFF000  }
0xd7: {  	[spmem:s3] =	stream.indirect.scatter.add.f32 [tilespmem:s16], [sflag:$0x3], $0x80, s25, s23, $0xb8;
	[tilespmem:$0x1D300] =	vst v63  }
0xd8: {  	_ =	swait.ge [sflag:s11], $0x1000  }
0xd9: {  	s26 =	sadd.s32 $0x1, s26;
	[sflag:s11] =	ssyncset.done $0x0  }
0xda: {  	p1 =	sne.s32 s26, s8;
	[sflag:s11] =	ssyncadd.s32 $0xFFFFF000  }
.Ltmp1:
0xdb: {  	s28 =	simm.s32 @!p0 $0x3;
	[bflag:$0x0] =	sbarrier.arrive $0xFFFF;
	(pc) =	sbr.rel @p1 .LBB2_1-.Ltmp1, $4  }
0xdc: {  	[hbm:s7], [sflag:s12] =	dma.local @!p0 [spmem:s13], $0x3E80  }
0xdd: {  	_ =	swait.ge @!p0 [sflag:s28], $0x3E80  }
0xde: {  	[sflag:s28] =	ssyncset.done @!p0 $0x0  }
0xdf: {  	[sflag:s28] =	ssyncadd.s32 @!p0 $0xFFFFC180  }
0xe0: {  	_ =	sfence.sel $0x180000  }
0xe1: {  	[bflag:$0x0] =	sbarrier.arrive $0xFFFF  }
0xe2: {  	p0 =	sne.s32 s0, $0x0;
	_ =	strace $0x9000004D  }
0xe3: {  	s0 =	sadd.s32 @!p0 $0x100000, s1;
	[bflag:$0x2] =	sbarrier.arrive $0xFFFF  }
0xe4: {  	[sflag:s0] =	ssyncadd.tile.s32 @!p0 $0x1;
	_ =	shalt  }
.Lfunc_end2:
_tile_overlayer_lowered:
.L_overlay_start_2:
0xe5: {  	(tag) =	ssettag $0x2  }
0xe6: {  	s0 =	rddreg [dreg:$0x0];
	s2 =	stileid.u32  }
0xe7: {  	s1 =	rddreg [dreg:$0x1];
	p0 =	sne.s32 s2, $0x0  }
0xe8: {  	s3 =	rddreg [dreg:$0x2];
	[bflag:$0x3] =	sbarrier.arrive $0xFFFF;
	s2 =	simm.s32 @!p0 $0x1C03  }
0xe9: {  	[timem:s3], [sflag:s2] =	dma.local @!p0 [hbm:s0], s1  }
0xea: {  	s0 =	simm.s32 @!p0 $0x3  }
0xeb: {  	_ =	swait.ge @!p0 [sflag:s0], s1  }
0xec: {  	s1 =	ssub.s32 @!p0 $0x0, s1;
	[sflag:s0] =	ssyncset.done @!p0 $0x0  }
0xed: {  	[sflag:s0] =	ssyncadd.s32 @!p0 s1  }
0xee: {  	[bflag:$0x3] =	sbarrier.arrive $0xFFFF  }
0xef: {  	_ =	shalt  }

// kernel: kernel.8.cloned.1.call-start
scs
__scs_entry_jumppad:
0x0: {  	(pc) =	sbr.rel $0x88, $3  }
0x1: {  	(tag) =	ssettag $0x0;
	lr =	simm.s32 $0x1  }
0x2: {  	[smem:$0x3F93] =	sst lr;
	_ =	strace $0xD0000000  }
0x3: {  	_ = 	snop  }
0x4: {  	_ = 	snop  }
0x5: {  	_ = 	snop  }
0x6: {  	_ = 	snop  }
0x7: {  	_ = 	snop  }
__scs_overlays_trampoline_lowered:
0x8: {  	[smem:$0x3FA2] =	sst s0  }
0x9: {  	[smem:$0x3FA3] =	sst s1  }
0xa: {  	[smem:$0x3FA4] =	sst s2  }
0xb: {  	[smem:$0x3FA5] =	sst s3  }
0xc: {  	[smem:$0x3FA6] =	sst s4  }
0xd: {  	[smem:$0x3FA7] =	sst s5  }
0xe: {  	[smem:$0x3FA8] =	sst s6  }
0xf: {  	[smem:$0x3FA9] =	sst s7  }
0x10: {  	[smem:$0x3FAA] =	sst s8  }
0x11: {  	[smem:$0x3FAB] =	sst s9;
	s0 =	simm.s32 @!p0 $0x0  }
0x12: {  	s1 =	sld [smem:$0x3F91];
	s0 =	simm.s32 @p0 $0x1  }
0x13: {  	[smem:$0x3FAC] =	sst s0;
	s0 =	simm.s32 @!p1 $0x0  }
0x14: {  	s2 =	sld [smem:$0x3F90];
	s0 =	simm.s32 @p1 $0x1  }
0x15: {  	[smem:$0x3FAD] =	sst s0;
	s0 =	simm.s32 @!p2 $0x0  }
0x16: {  	s3 =	sld [smem:$0x3FDB];
	s0 =	simm.s32 @p2 $0x1  }
0x17: {  	s4 =	simm.s32 $0x1BF5;
	[smem:$0x3FAF] =	sst s0  }
0x18: {  	s0 =	sld [smem:$0x3F92];
	_ =	swait.ge [sflag:s4], $0x0  }
0x19: {  	s7 =	sld [smem:$0x3F93]  }
0x1a: {  	s8 =	sadd.s32 $0xFFFFE003, lr  }
0x1b: {  	s9 =	sadd.s32 $0xFFFFFEF7, lr;
	s5 =	simm.s32 $0xFFFFFFFF;
	p2 =	slt.u32 s8, $0xFFFFF086  }
0x1c: {  	p1 =	slt.u32 s9, $0xF7A;
	s5 =	simm.s32 @!p2 $0x0  }
0x1d: {  	s5 =	simm.s32 @p1 $0x1;
	p0 =	seq.s32 s7, s2  }
0x1e: {  	s7 =	smul.u32 @!p0 $0xF7A, s2;
	p2 =	seq.s32 @!p0 s5, $0x0  }
0x1f: {  	s9 =	smul.u32 $0xF7A, s1;
	s8 =	simm.s32 @!p0 $0x1BF5;
	p2 =	por !p2, p0  }
0x20: {  	[sflag:s8] =	ssyncset.s32 @!p0 $0xFFFFF086;
	s6 =	sadd.s32 @!p0 s3, s7;
	s7 =	simm.s32 @!p0 $0x108  }
0x21: {  	s3 =	sadd.s32 s3, s9;
	s6 =	sadd.s32 @!p0 $0x88, s6;
	s7 =	simm.s32 @p2 $0x1082  }
0x22: {  	[simem:s7], [sflag:s8] =	dma.local @!p0 [hbm:s6], $0xF7A  }
0x23: {  	s9 =	sor.u32 $0xD0000000, s2;
	s6 =	simm.s32 $0x108;
	_ =	swait.ge @!p0 [sflag:s8], $0x0  }
0x24: {  	s3 =	sadd.s32 $0x88, s3;
	s6 =	simm.s32 @!p1 $0x1082;
	[sflag:s4] =	ssyncset.s32 $0xFFFFF086  }
0x25: {  	[simem:s6], [sflag:s4] =	dma.local [hbm:s3], $0xF7A  }
0x26: {  	[smem:$0x3F93] =	sst s1;
	(tag) =	ssettag s2;
	_ =	strace s9  }
0x27: {  	s1 =	sld [smem:$0x3FA3]  }
0x28: {  	s2 =	sld [smem:$0x3FA4]  }
0x29: {  	s4 =	sld [smem:$0x3FA6]  }
0x2a: {  	p0 =	seq.s32 s5, $0x0;
	s5 =	sld [smem:$0x3FA7]  }
0x2b: {  	s6 =	sld [smem:$0x3FA8]  }
0x2c: {  	s7 =	sld [smem:$0x3FA9]  }
0x2d: {  	s3 =	simm.s32 $0x108;
	s8 =	sld [smem:$0x3FAA]  }
0x2e: {  	s3 =	simm.s32 @!p0 $0x1082;
	s9 =	sld [smem:$0x3FAB]  }
0x2f: {  	lr =	sadd.s32 s0, s3;
	s0 =	sld [smem:$0x3FA2]  }
0x30: {  	s3 =	sld [smem:$0x3FA5]  }
0x31: {  	[smem:$0x3FAE] =	sst s10  }
0x32: {  	s10 =	sld [smem:$0x3FAC];
	_ =	sdelay $0x3  }
0x33: {  	p0 =	seq.s32 s10, $0x1;
	s10 =	sld [smem:$0x3FAE];
	_ =	sdelay $0x3  }
0x34: {  	[smem:$0x3FAE] =	sst s10  }
0x35: {  	s10 =	sld [smem:$0x3FAD];
	_ =	sdelay $0x3  }
0x36: {  	p1 =	seq.s32 s10, $0x1;
	s10 =	sld [smem:$0x3FAE];
	_ =	sdelay $0x3  }
0x37: {  	[smem:$0x3FAE] =	sst s10  }
0x38: {  	s10 =	sld [smem:$0x3FAF]  }
0x39: {  	_ = 	snop;
	(pc) =	sbr.ind lr, $3  }
0x3a: {  	_ = 	snop  }
0x3b: {  	_ = 	snop  }
0x3c: {  	p2 =	seq.s32 s10, $0x1;
	s10 =	sld [smem:$0x3FAE]  }
0x3d: {  	_ =	shalt  }
0x3e: {  	_ =	shalt  }
0x3f: {  	_ =	shalt  }
0x40: {  	_ =	shalt  }
0x41: {  	_ =	shalt  }
0x42: {  	_ =	shalt  }
0x43: {  	_ =	shalt  }
0x44: {  	_ =	shalt  }
0x45: {  	_ =	shalt  }
0x46: {  	_ =	shalt  }
0x47: {  	_ =	shalt  }
0x48: {  	_ =	shalt  }
0x49: {  	_ =	shalt  }
0x4a: {  	_ =	shalt  }
0x4b: {  	_ =	shalt  }
0x4c: {  	_ =	shalt  }
0x4d: {  	_ =	shalt  }
0x4e: {  	_ =	shalt  }
0x4f: {  	_ =	shalt  }
0x50: {  	_ =	shalt  }
0x51: {  	_ =	shalt  }
0x52: {  	_ =	shalt  }
0x53: {  	_ =	shalt  }
0x54: {  	_ =	shalt  }
0x55: {  	_ =	shalt  }
0x56: {  	_ =	shalt  }
0x57: {  	_ =	shalt  }
0x58: {  	_ =	shalt  }
0x59: {  	_ =	shalt  }
0x5a: {  	_ =	shalt  }
0x5b: {  	_ =	shalt  }
0x5c: {  	_ =	shalt  }
0x5d: {  	_ =	shalt  }
0x5e: {  	_ =	shalt  }
0x5f: {  	_ =	shalt  }
0x60: {  	_ =	shalt  }
0x61: {  	_ =	shalt  }
0x62: {  	_ =	shalt  }
0x63: {  	_ =	shalt  }
0x64: {  	_ =	shalt  }
0x65: {  	_ =	shalt  }
0x66: {  	_ =	shalt  }
0x67: {  	_ =	shalt  }
0x68: {  	_ =	shalt  }
0x69: {  	_ =	shalt  }
0x6a: {  	_ =	shalt  }
0x6b: {  	_ =	shalt  }
0x6c: {  	_ =	shalt  }
0x6d: {  	_ =	shalt  }
0x6e: {  	_ =	shalt  }
0x6f: {  	_ =	shalt  }
0x70: {  	_ =	shalt  }
0x71: {  	_ =	shalt  }
0x72: {  	_ =	shalt  }
0x73: {  	_ =	shalt  }
0x74: {  	_ =	shalt  }
0x75: {  	_ =	shalt  }
0x76: {  	_ =	shalt  }
0x77: {  	_ =	shalt  }
0x78: {  	_ =	shalt  }
0x79: {  	_ =	shalt  }
0x7a: {  	_ =	shalt  }
0x7b: {  	_ =	shalt  }
0x7c: {  	_ =	shalt  }
0x7d: {  	_ =	shalt  }
0x7e: {  	_ =	shalt  }
0x7f: {  	_ =	shalt  }
0x80: {  	_ =	shalt  }
0x81: {  	_ =	shalt  }
0x82: {  	_ =	shalt  }
0x83: {  	_ =	shalt  }
0x84: {  	_ =	shalt  }
0x85: {  	_ =	shalt  }
0x86: {  	_ =	shalt  }
0x87: {  	_ =	shalt  }
.Lfunc_end0:
.L_simem_size_0:
called_computation_lowered:
.L_overlay_start_0:
0x88: {  	s2 =	sld [smem:$0x3FD9]  }
0x89: {  	s3 =	sld [smem:$0x3FFE];
	_ =	sdelay $0x1  }
0x8a: {  	s1 =	srdreg.scid  }
0x8b: {  	s0 =	sand.u32 $0x1, s1  }
0x8c: {  	s17 =	sshll.u32 s0, $0xA;
	s2 =	sadd.s32 s3, s2  }
0x8d: {  	s2 =	sadd.s32 s2, s17  }
0x8e: {  	[smem:$0x3FBA] =	sst s2  }
0x8f: {  	_ = 	snop  }
0x90: {  	s2 =	sld [smem:$0x3FD0];
	(tm) =	ssettm $0x1  }
0x91: {  	s18 =	sld [smem:$0x3FFB];
	_ =	sdelay $0x3  }
0x92: {  	_ =	strace s18  }
0x93: {  	s3 =	sld [smem:$0x3FFC];
	_ =	sdelay $0x3  }
0x94: {  	_ =	strace s3  }
0x95: {  	s3 =	sld [smem:$0x3FFD];
	_ =	sdelay $0x3  }
0x96: {  	_ =	strace s3  }
0x97: {  	_ =	strace $0x8FFFFFFF  }
0x98: {  	s19 =	sld [smem:$0x3FDB];
	_ =	sdelay $0x1  }
0x99: {  	s4 =	simm.s32 $_scs_section_size  }
0x9a: {  	s5 =	simm.s32 $_size__tile_overlayer_lowered;
	s6 =	simm.s32 $_tile_overlayer_lowered  }
0x9b: {  	s22 =	simm.s32 $0x1BFF;
	s21 =	sshll.u32 s6, $0x1;
	s3 =	sadd.s32 s4, s19  }
0x9c: {  	s7 =	simm.s32 $0x0;
	s20 =	sshll.u32 s5, $0x1;
	s5 =	sadd.s32 s21, s3  }
0x9d: {  	[timem:s7], [sflag:s22] =	dma.local [hbm:s5], s20  }
0x9e: {  	_ =	swait.ge [sflag:s22], s20  }
0x9f: {  	s4 =	ssub.s32 $0x0, s20;
	[sflag:s22] =	ssyncset.done $0x0  }
0xa0: {  	[sflag:s22] =	ssyncadd.s32 s4;
	_ =	sdelay $0x1  }
0xa1: {  	s23 =	simm.s32 $0x1B8B  }
0xa2: {  	_ =	swait.ge [sflag:s23], $0x1  }
0xa3: {  	[sflag:s23] =	ssyncset.done $0x0  }
0xa4: {  	s25 =	simm.s32 $0x1B8E;
	s24 =	sld [smem:$0x3FFE];
	[sflag:s23] =	ssyncadd.s32 $0xFFFFFFFF  }
0xa5: {  	s26 =	simm.s32 $execute0_lowered;
	[smem:$0x3FD2] =	sst s25  }
0xa6: {  	s5 =	sshll.u32 s26, $0x1;
	_ =	strace $0x80000046;
	[dreg:$0x1] =	wrdreg $0xFFFFFFFF  }
0xa7: {  	s28 =	simm.s32 $_size_execute0_lowered;
	s3 =	sadd.s32 s3, s5;
	[dreg:$0x0] =	wrdreg $0x0  }
0xa8: {  	s5 =	sshll.u32 s28, $0x1;
	[dreg:$0x2] =	wrdreg s3  }
0xa9: {  	[dreg:$0x3] =	wrdreg s5  }
0xaa: {  	[dreg:$0x4] =	wrdreg $0xC0  }
0xab: {  	_ =	task [dreg:s7], $0x5FFFF  }
0xac: {  	[dreg:$0x1] =	wrdreg $0xFFFFFFFF  }
0xad: {  	[dreg:$0x0] =	wrdreg $0x60  }
0xae: {  	[dreg:$0x2] =	wrdreg s2  }
0xaf: {  	[dreg:$0x3] =	wrdreg s24  }
0xb0: {  	[dreg:$0x4] =	wrdreg $0x44800  }
0xb1: {  	[dreg:$0x5] =	wrdreg $0x9  }
0xb2: {  	_ =	task.clear_ibuf [dreg:s7], $0x6FFFF;
	_ =	strace $0x90000046  }
0xb3: {  	s29 =	simm.s32 $0x9;
	_ =	strace $0x80000048  }
0xb4: {  	_ =	swait.ge [sflag:s29], $0x1  }
0xb5: {  	[sflag:s29] =	ssyncadd.s32 $0xFFFFFFFF  }
0xb6: {  	_ =	strace $0x90000048  }
0xb7: {  	_ =	sfence  }
0xb8: {  	s30 =	sld [smem:$0x0];
	_ =	sdelay $0x2  }
0xb9: {  	s31 =	sshll.u32 s1, $0xD;
	s1 =	sshrl.u32 s1, $0x2  }
0xba: {  	s3 =	sand.u32 $0x4000, s31;
	s1 =	sadd.s32 s1, s30  }
0xbb: {  	s0 =	sor.u32 s3, s0;
	s1 =	sshll.u32 s1, $0x11  }
0xbc: {  	s0 =	sor.u32 s1, s0  }
0xbd: {  	s0 =	sadd.s32 $0x8F2B, s0  }
0xbe: {  	[sflag:s0] =	ssyncadd.remote.s32 $0x1  }
0xbf: {  	_ =	sfence.sel $0xFFFF  }
0xc0: {  	[dreg:$0x0] =	wrdreg $0xFFFFFFFF;
	(pc) =	sbr.abs _section_cstart, $3  }
0xc1: {  	[dreg:$0x1] =	wrdreg $0xFFFFFFFF  }
0xc2: {  	_ =	task.clear_ibuf [dreg:s7], $0x2FFFF;
	_ =	strace $0x9FFFFFFF  }
0xc3: {  	(tm) =	ssettm $0x7FFFFFFF  }
tec
execute0_lowered:
.L_overlay_start_1:
0x0: {  	(tag) =	ssettag $0x1  }
0x1: {  	s6 =	rddreg [dreg:$0x0]  }
0x2: {  	s1 =	srdreg.scid;
	s7 =	rddreg [dreg:$0x1]  }
0x3: {  	s0 =	stileid.u32;
	s2 =	rddreg [dreg:$0x2]  }
0x4: {  	s3 =	simm.s32 $0x0;
	s8 =	sand.u32 $0x1, s1;
	s1 =	rddreg [dreg:$0x3]  }
0x5: {  	s14 =	simm.s32 $0x0;
	s9 =	smul.u32 $0x3E8, s0;
	[smem:$0x7FF] =	sst s3  }
0x6: {  	s5 =	sadd.s32 $0x2800, s7;
	s11 =	sshll.u32 s0, $0xB;
	s12 =	smul.u32 $0xFA0, s0  }
0x7: {  	p0 =	sgt.u32 s0, $0x9;
	s4 =	smul.u32 $0x2710, s8;
	_ =	strace $0x80000047  }
0x8: {  	s29 =	ssub.s32 $0x2, s8;
	s8 =	sshll.u32 s8, $0xF;
	s6 =	sadd.s32 s6, s11  }
0x9: {  	s11 =	simm.s32 $0x1;
	s13 =	sshrl.u32 s29, $0x1;
	s6 =	sadd.s32 s8, s6  }
0xa: {  	s31 =	sshrl.u32 s12, $0x2;
	s8 =	sadd.s32 s9, s2;
	s4 =	sadd.s32 s9, s4  }
0xb: {  	s12 =	simm.s32 $0x4000;
	s30 =	ssub.s32 s29, s13;
	s10 =	sshrl.u32 s4, $0x3  }
0xc: {  	s13 =	simm.s32 $0x50;
	s4 =	sadd.s32 $0x2600, s7;
	s10 =	sadd.s32 s10, s7  }
0xd: {  	s7 =	sadd.s32 s31, s2;
	s9 =	sadd.s32 $0x2A00, s10;
	s10 =	smax.u32 s30, $0x1  }
.LBB2_1:
0xe: {  	[tilespmem:s3], [sflag:$0x1] =	stream.linear.gather [hbm4b:s6+s3], $0x3E80, $0x38;
	[tilespmem:$0x46F8] =	vst v63  }
0xf: {  	_ =	swait.ge [sflag:s11], $0x3E80  }
0x10: {  	[sflag:s11] =	ssyncset.done $0x0  }
0x11: {  	[sflag:s11] =	ssyncadd.s32 $0xFFFFC180  }
0x12: {  	[tilespmem:s12], [sflag:$0x1] =	stream.linear.gather [hbm4b:s4+s3], $0x80, $0x38;
	[tilespmem:$0x46F8] =	vst v63  }
0x13: {  	_ =	swait.ge [sflag:s11], $0x80  }
0x14: {  	[sflag:s11] =	ssyncset.done $0x0  }
0x15: {  	s15 =	simm.s32 @!p0 $0x0;
	s16 =	simm.s32 @!p0 $0x4080;
	[sflag:s11] =	ssyncadd.s32 $0xFFFFFF80  }
0x16: {  	[tilespmem:s16], [sflag:$0x1] =	stream.linear.gather @!p0 [hbm4b:s5+s15], $0x400, $0x38;
	[tilespmem:$0x46F8] =	vst v63  }
0x17: {  	s15 =	simm.s32 @!p0 $0x1  }
0x18: {  	_ =	swait.ge @!p0 [sflag:s15], $0x400  }
0x19: {  	[sflag:s15] =	ssyncset.done @!p0 $0x0  }
0x1a: {  	[sflag:s15] =	ssyncadd.s32 @!p0 $0xFFFFFC00  }
0x1b: {  	[spmem:s7] =	stream.linear.scatter @!p0 [tilespmem:s16], [sflag:$0x1], $0x3E8, $0x38;
	[tilespmem:$0x46F8] =	vst v63  }
0x1c: {  	_ =	swait.ge @!p0 [sflag:s15], $0x3E8  }
0x1d: {  	[sflag:s15] =	ssyncset.done @!p0 $0x0  }
0x1e: {  	[sflag:s15] =	ssyncadd.s32 @!p0 $0xFFFFFC18  }
0x1f: {  	s31 =	simm.s32 $0x0;
	[bflag:$0x0] =	sbarrier.arrive $0xFFFF  }
0x20: {  	[spmem:s2] =	stream.indirect.scatter.add.f32 [tilespmem:s12], [sflag:$0x1], $0x1, s31, s13, $0xb8;
	[tilespmem:$0x46F8] =	vst v63  }
0x21: {  	_ =	swait.ge [sflag:s11], $0x50  }
0x22: {  	s15 =	simm.s32 $0x200;
	[sflag:s11] =	ssyncset.done $0x0  }
.LBB2_2:
0x23: {  	s16 =	sshra.s32 s15, $0x2;
	[sflag:s11] =	ssyncadd.s32 $0xFFFFFFB0;
	p1 =	sne.s32 s15, $0xF800  }
0x24: {  	[spmem:s2] =	stream.indirect.scatter.add.f32 [tilespmem:s12], [sflag:$0x1], $0x1, s16, s13, $0xb8;
	[tilespmem:$0x46F8] =	vst v63  }
.Ltmp0:
0x25: {  	_ = 	snop;
	(pc) =	sbr.rel @p1 .LBB2_2-.Ltmp0, $4  }
0x26: {  	_ = 	snop  }
0x27: {  	s15 =	sadd.s32 $0x200, s15  }
0x28: {  	_ =	swait.ge [sflag:s11], $0x50  }
0x29: {  	[sflag:s11] =	ssyncset.done $0x0  }
0x2a: {  	[sflag:s11] =	ssyncadd.s32 $0xFFFFFFB0  }
0x2b: {  	s15 =	simm.s32 @!p0 $0x4080;
	s16 =	simm.s32 @!p0 $0x1;
	[bflag:$0x0] =	sbarrier.arrive $0xFFFF  }
0x2c: {  	[tilespmem:s15], [sflag:$0x1] =	stream.linear.gather @!p0 [spmem:s8], $0x3E8, $0x38;
	[tilespmem:$0x46F8] =	vst v63  }
0x2d: {  	s14 =	sadd.s32 $0x1, s14;
	_ =	swait.ge @!p0 [sflag:s16], $0x3E8  }
0x2e: {  	p1 =	sne.s32 s14, s10;
	[sflag:s16] =	ssyncset.done @!p0 $0x0  }
.Ltmp1:
0x2f: {  	s17 =	simm.s32 @!p0 $0x0;
	[sflag:s16] =	ssyncadd.s32 @!p0 $0xFFFFFC18;
	(pc) =	sbr.rel @p1 .LBB2_1-.Ltmp1, $4  }
0x30: {  	[hbm4b:s9+s17] =	stream.linear.scatter @!p0 [tilespmem:s15], [sflag:$0x1], $0x3E8, $0x38;
	[tilespmem:$0x46F8] =	vst v63  }
0x31: {  	_ =	swait.ge @!p0 [sflag:s16], $0x3E8  }
0x32: {  	[sflag:s16] =	ssyncset.done @!p0 $0x0  }
0x33: {  	[sflag:s16] =	ssyncadd.s32 @!p0 $0xFFFFFC18  }
0x34: {  	_ =	sfence.sel $0x180000  }
0x35: {  	[bflag:$0x0] =	sbarrier.arrive $0xFFFF  }
0x36: {  	p0 =	sne.s32 s0, $0x0;
	_ =	strace $0x90000047  }
0x37: {  	s0 =	sadd.s32 @!p0 $0x100000, s1;
	[bflag:$0x2] =	sbarrier.arrive $0xFFFF  }
0x38: {  	[sflag:s0] =	ssyncadd.tile.s32 @!p0 $0x1;
	_ =	shalt  }
.Lfunc_end2:
_tile_overlayer_lowered:
.L_overlay_start_2:
0x39: {  	(tag) =	ssettag $0x2  }
0x3a: {  	s0 =	rddreg [dreg:$0x0];
	s2 =	stileid.u32  }
0x3b: {  	s1 =	rddreg [dreg:$0x1];
	p0 =	sne.s32 s2, $0x0  }
0x3c: {  	s3 =	rddreg [dreg:$0x2];
	[bflag:$0x3] =	sbarrier.arrive $0xFFFF;
	s2 =	simm.s32 @!p0 $0x1C01  }
0x3d: {  	[timem:s3], [sflag:s2] =	dma.local @!p0 [hbm:s0], s1  }
0x3e: {  	s0 =	simm.s32 @!p0 $0x1  }
0x3f: {  	_ =	swait.ge @!p0 [sflag:s0], s1  }
0x40: {  	s1 =	ssub.s32 @!p0 $0x0, s1;
	[sflag:s0] =	ssyncset.done @!p0 $0x0  }
0x41: {  	[sflag:s0] =	ssyncadd.s32 @!p0 s1  }
0x42: {  	[bflag:$0x3] =	sbarrier.arrive $0xFFFF  }
0x43: {  	_ =	shalt  }

</sc_bundles>
